<compile_context>
chip_gen: v7x
topology: tpu7x:2x2x1
jax: 0.10.2.dev20260603
libtpu: 0.0.44.dev20260713+nightly
codegen_flags: <defaults>
</compile_context>

<pallas_src>
import functools

import jax
import jax.numpy as jnp
from jax import lax
from jax.experimental import pallas as pl
from jax.experimental.pallas import tpu as pltpu
from jax.experimental.pallas import tpu_sc as plsc

EMBED_DIM = 32
BATCH = 16384
LANES = 16

NUM_CORES = 2
NUM_SUBCORES = 16
NW = NUM_CORES * NUM_SUBCORES
B_PER_W = BATCH // NW
RB = 4
NROUND = B_PER_W // RB
NBUF = 4

_mesh = plsc.VectorSubcoreMesh(core_axis_name="c", subcore_axis_name="s")


@functools.partial(
    pl.kernel,
    mesh=_mesh,
    out_type=jax.ShapeDtypeStruct((EMBED_DIM, BATCH), jnp.float32),
    scratch_types=[
        pltpu.VMEM_SHARED((NUM_SUBCORES, B_PER_W), jnp.int32),
        pltpu.SMEM((B_PER_W,), jnp.int32),
        pltpu.VMEM((NBUF, RB, EMBED_DIM, 128), jnp.float32),
        pltpu.VMEM((EMBED_DIM, B_PER_W), jnp.float32),
        [pltpu.SemaphoreType.DMA] * NBUF,
    ],
    compiler_params=pltpu.CompilerParams(
        use_tc_tiling_on_sc=True, needs_layout_passes=False
    ),
)
def _gather_kernel(tv_hbm, idx_hbm, out_hbm, idx_sh, idx_s, blk_v, stage_v,
                   sems):
    sid = lax.axis_index("s")
    wid = sid * NUM_CORES + lax.axis_index("c")
    base = wid * B_PER_W
    pltpu.sync_copy(idx_hbm.at[pl.ds(base, B_PER_W)], idx_sh.at[sid])
    pltpu.sync_copy(idx_sh.at[sid], idx_s)

    d_lo = lax.iota(jnp.int32, LANES)
    d_hi = d_lo + LANES

    def fire(r, buf):
        k0 = r * RB
        for t in range(RB):
            i = idx_s[k0 + t]
            blk = pl.multiple_of((i // 128) * 128, 128)
            pltpu.async_copy(
                tv_hbm.at[:, pl.ds(blk, 128)], blk_v.at[buf, t], sems[buf]
            )

    def drain_extract(r, buf):
        pltpu.make_async_copy(
            tv_hbm.at[:, pl.ds(0, RB * 128)], blk_v.at[buf], sems[buf]
        ).wait()
        k0 = r * RB
        for t in range(RB):
            i = idx_s[k0 + t]
            j = lax.rem(i, 128)
            col = jnp.full((LANES,), j, jnp.int32)
            row_k = jnp.full((LANES,), k0 + t, jnp.int32)
            v_lo = plsc.load_gather(blk_v.at[buf, t], [d_lo, col])
            v_hi = plsc.load_gather(blk_v.at[buf, t], [d_hi, col])
            plsc.store_scatter(stage_v, [d_lo, row_k], v_lo)
            plsc.store_scatter(stage_v, [d_hi, row_k], v_hi)

    for q in range(NBUF - 1):
        fire(q, q)

    def group_body(p, c):
        r0 = p * NBUF
        for q in range(NBUF):
            r = r0 + q
            fb = (q + NBUF - 1) % NBUF

            @pl.when(r + NBUF - 1 < NROUND)
            def _():
                fire(r + NBUF - 1, fb)

            drain_extract(r, q)
        return c

    lax.fori_loop(0, NROUND // NBUF, group_body, 0)
    pltpu.sync_copy(stage_v, out_hbm.at[:, pl.ds(base, B_PER_W)])


def kernel(broadcaster, table):
    idx = broadcaster.astype(jnp.int32)
    out_t = _gather_kernel(table.T, idx)
    return out_t.T

# --- scband reference (transcript-rebuilt; emitter-appended) ---
"""Pipeline reference for scband-broadcaster-model-9251359555938 (READ-ONLY COPY).

The authoritative reference and input builder live on the scoring server;
editing this copy changes nothing except your own understanding.
"""

import jax, jax.numpy as jnp
import numpy as np

VOCAB = 1_000_000
TABLE_ROWS = VOCAB + 1  # StringLookup reserves index 0 for OOV (mask_token=None, num_oov=1)
EMBED_DIM = 32
BATCH = 16384


def setup_inputs(seed: int = 0) -> dict:
    key = jax.random.key(seed)
    k_idx, k_tab = jax.random.split(key)
    # StringLookup(broadcaster_strings) -> integer ids in [0, TABLE_ROWS). We model the
    # post-lookup integer ids directly since string hashing is not the compute of interest.
    broadcaster = jax.random.randint(k_idx, (BATCH,), 0, TABLE_ROWS, dtype=jnp.int64 if jax.config.jax_enable_x64 else jnp.int32)
    # Embedding table, matching tf.keras.layers.Embedding(TABLE_ROWS, EMBED_DIM) init scale
    table = jax.random.uniform(k_tab, (TABLE_ROWS, EMBED_DIM), dtype=jnp.float32, minval=-0.05, maxval=0.05)
    return {"broadcaster": broadcaster, "table": table}


def reference(broadcaster, table):
    # self.broadcaster_embedding(broadcaster): StringLookup (already applied) -> Embedding gather
    emb = jnp.take(table, broadcaster, axis=0)  # [B, EMBED_DIM]
    # tf.concat([emb], axis=1) is an identity concat of a single tensor
    out = jnp.concatenate([emb], axis=1)
    return out

if __name__ == "__main__":
    import jax
    _d = setup_inputs()
    print(jax.jit(kernel)(*tuple(_d.values())))

</pallas_src>

<mosaic_0001>
#map = affine_map<(d0, d1) -> (0, 0)>
#map1 = affine_map<(d0, d1) -> (0)>
module attributes {stable_mosaic.version = 14 : i64} {
  func.func @_gather_kernel(%arg0: i32, %arg1: i32, %arg2: memref<32x1000001xf32, #tpu.memory_space<hbm>>, %arg3: memref<16384xi32, #tpu.memory_space<hbm>>, %arg4: memref<32x16384xf32, #tpu.memory_space<hbm>>, %arg5: memref<16x512xi32, #tpu.memory_space<vmem_shared>>, %arg6: memref<512xi32, #tpu.memory_space<smem>>, %arg7: memref<4x4x32x128xf32, #tpu.memory_space<vmem>>, %arg8: memref<32x512xf32, #tpu.memory_space<vmem>>, %arg9: memref<!tpu.dma_semaphore, #tpu.memory_space<semaphore_mem>>, %arg10: memref<!tpu.dma_semaphore, #tpu.memory_space<semaphore_mem>>, %arg11: memref<!tpu.dma_semaphore, #tpu.memory_space<semaphore_mem>>, %arg12: memref<!tpu.dma_semaphore, #tpu.memory_space<semaphore_mem>>) attributes {dimension_semantics = [#tpu.dimension_semantics<core_parallel>, #tpu.dimension_semantics<subcore_parallel>], iteration_bounds = array<i64: 2, 16>, scalar_prefetch = 0 : i64, scratch_operands = 8 : i64, tpu.core_type = #tpu.core_type<sc_vector_subcore>, window_params = [{transform_indices = #map}, {transform_indices = #map1}, {transform_indices = #map}]} {
    %mul3A = arith.constant 2 : i32
    %mul3A_0 = arith.muli %arg1, %mul3A : i32
    %add3A = arith.addi %mul3A_0, %arg0 : i32
    %mul3A_1 = arith.constant 512 : i32
    %mul3A_2 = arith.muli %add3A, %mul3A_1 : i32
    "tpu.region"() ({
      %run_scoped3A = tpu.sem_alloc : memref<!tpu.dma_semaphore, #tpu.memory_space<semaphore_mem>>
      %dma_start3A_528 = arith.constant 0 : i32
      %dma_start3A_529 = tpu.memref_slice %arg5[%arg1, %dma_start3A_528] : memref<16x512xi32, #tpu.memory_space<vmem_shared>> -> memref<1x512xi32, #tpu.memory_space<vmem_shared>>
      %dma_start3A_530 = tpu.memref_squeeze %dma_start3A_529 : memref<1x512xi32, #tpu.memory_space<vmem_shared>> -> memref<512xi32, #tpu.memory_space<vmem_shared>>
      %dma_start3A_531 = tpu.memref_slice %arg3[%mul3A_2] : memref<16384xi32, #tpu.memory_space<hbm>> -> memref<512xi32, #tpu.memory_space<hbm>>
      tpu.enqueue_dma source(%dma_start3A_531 : memref<512xi32, #tpu.memory_space<hbm>>) target(%dma_start3A_530 : memref<512xi32, #tpu.memory_space<vmem_shared>>) target_semaphore(%run_scoped3A : memref<!tpu.dma_semaphore, #tpu.memory_space<semaphore_mem>>)
      %dma_wait3A = arith.constant 0 : i32
      %dma_wait3A_532 = tpu.memref_slice %arg5[%arg1, %dma_wait3A] : memref<16x512xi32, #tpu.memory_space<vmem_shared>> -> memref<1x512xi32, #tpu.memory_space<vmem_shared>>
      %dma_wait3A_533 = tpu.memref_squeeze %dma_wait3A_532 : memref<1x512xi32, #tpu.memory_space<vmem_shared>> -> memref<512xi32, #tpu.memory_space<vmem_shared>>
      %dma_wait3A_534 = tpu.memref_slice %arg3[%mul3A_2] : memref<16384xi32, #tpu.memory_space<hbm>> -> memref<512xi32, #tpu.memory_space<hbm>>
      tpu.wait_dma2 semaphore(%run_scoped3A : memref<!tpu.dma_semaphore, #tpu.memory_space<semaphore_mem>>) src(%dma_wait3A_534 : memref<512xi32, #tpu.memory_space<hbm>>) dst(%dma_wait3A_533 : memref<512xi32, #tpu.memory_space<vmem_shared>>)
      tpu.yield
    }) : () -> ()
    "tpu.region"() ({
      %run_scoped3A = tpu.sem_alloc : memref<!tpu.dma_semaphore, #tpu.memory_space<semaphore_mem>>
      %dma_start3A_528 = arith.constant 0 : i32
      %dma_start3A_529 = tpu.memref_slice %arg5[%arg1, %dma_start3A_528] : memref<16x512xi32, #tpu.memory_space<vmem_shared>> -> memref<1x512xi32, #tpu.memory_space<vmem_shared>>
      %dma_start3A_530 = tpu.memref_squeeze %dma_start3A_529 : memref<1x512xi32, #tpu.memory_space<vmem_shared>> -> memref<512xi32, #tpu.memory_space<vmem_shared>>
      tpu.enqueue_dma source(%dma_start3A_530 : memref<512xi32, #tpu.memory_space<vmem_shared>>) target(%arg6 : memref<512xi32, #tpu.memory_space<smem>>) target_semaphore(%run_scoped3A : memref<!tpu.dma_semaphore, #tpu.memory_space<semaphore_mem>>)
      %dma_wait3A = arith.constant 0 : i32
      %dma_wait3A_531 = tpu.memref_slice %arg5[%arg1, %dma_wait3A] : memref<16x512xi32, #tpu.memory_space<vmem_shared>> -> memref<1x512xi32, #tpu.memory_space<vmem_shared>>
      %dma_wait3A_532 = tpu.memref_squeeze %dma_wait3A_531 : memref<1x512xi32, #tpu.memory_space<vmem_shared>> -> memref<512xi32, #tpu.memory_space<vmem_shared>>
      tpu.wait_dma2 semaphore(%run_scoped3A : memref<!tpu.dma_semaphore, #tpu.memory_space<semaphore_mem>>) src(%dma_wait3A_532 : memref<512xi32, #tpu.memory_space<vmem_shared>>) dst(%arg6 : memref<512xi32, #tpu.memory_space<smem>>)
      tpu.yield
    }) : () -> ()
    %iota3A = tpu.iota {dimensions = array<i32: 0>} : vector<16xi32>
    %add3A_3 = arith.constant 16 : i32
    %add3A_4 = vector.broadcast %add3A_3 : i32 to vector<16xi32>
    %add3A_5 = arith.addi %iota3A, %add3A_4 : vector<16xi32>
    %get3A = arith.constant 0 : i32
    %get3A_6 = arith.index_cast %get3A : i32 to index
    %get3A_7 = memref.load %arg6[%get3A_6] : memref<512xi32, #tpu.memory_space<smem>>
    %jit3A = arith.constant 128 : i32
    %div3A = arith.divsi %get3A_7, %jit3A : i32
    %sign3A = arith.constant 0 : i32
    %sign3A_8 = arith.cmpi sgt, %get3A_7, %sign3A : i32
    %sign3A_9 = arith.extui %sign3A_8 : i1 to i32
    %sign3A_10 = arith.constant 0 : i32
    %sign3A_11 = arith.cmpi slt, %get3A_7, %sign3A_10 : i32
    %sign3A_12 = arith.extui %sign3A_11 : i1 to i32
    %sign3A_13 = arith.subi %sign3A_9, %sign3A_12 : i32
    %sign3A_14 = arith.constant 0 : i32
    %sign3A_15 = arith.cmpi sgt, %jit3A, %sign3A_14 : i32
    %sign3A_16 = arith.extui %sign3A_15 : i1 to i32
    %sign3A_17 = arith.constant 0 : i32
    %sign3A_18 = arith.cmpi slt, %jit3A, %sign3A_17 : i32
    %sign3A_19 = arith.extui %sign3A_18 : i1 to i32
    %sign3A_20 = arith.subi %sign3A_16, %sign3A_19 : i32
    %ne3A = arith.cmpi ne, %sign3A_13, %sign3A_20 : i32
    %rem3A = arith.remsi %get3A_7, %jit3A : i32
    %ne3A_21 = arith.constant 0 : i32
    %ne3A_22 = arith.cmpi ne, %rem3A, %ne3A_21 : i32
    %and3A = arith.andi %ne3A, %ne3A_22 : i1
    %sub3A = arith.constant 1 : i32
    %sub3A_23 = arith.subi %div3A, %sub3A : i32
    %select_n3A = arith.select %and3A, %sub3A_23, %div3A : i32
    %mul3A_24 = arith.constant 128 : i32
    %mul3A_25 = arith.muli %select_n3A, %mul3A_24 : i32
    %multiple_of3A = tpu.assume_multiple %mul3A_25, 128 : i32
    %dma_start3A = arith.constant 0 : i32
    %dma_start3A_26 = arith.constant 0 : i32
    %dma_start3A_27 = arith.constant 0 : i32
    %dma_start3A_28 = arith.constant 0 : i32
    %dma_start3A_29 = tpu.memref_slice %arg7[%dma_start3A, %dma_start3A_26, %dma_start3A_27, %dma_start3A_28] : memref<4x4x32x128xf32, #tpu.memory_space<vmem>> -> memref<1x1x32x128xf32, #tpu.memory_space<vmem>>
    %dma_start3A_30 = tpu.memref_squeeze %dma_start3A_29 : memref<1x1x32x128xf32, #tpu.memory_space<vmem>> -> memref<32x128xf32, #tpu.memory_space<vmem>>
    %dma_start3A_31 = arith.constant 0 : i32
    %dma_start3A_32 = tpu.memref_slice %arg2[%dma_start3A_31, %multiple_of3A] : memref<32x1000001xf32, #tpu.memory_space<hbm>> -> memref<32x128xf32, #tpu.memory_space<hbm>>
    %dma_start3A_33 = arith.constant 0 : i32
    %dma_start3A_34 = arith.constant 0 : i32
    %dma_start3A_35 = tpu.memref_slice %arg7[%dma_start3A, %dma_start3A_26, %dma_start3A_33, %dma_start3A_34] : memref<4x4x32x128xf32, #tpu.memory_space<vmem>> -> memref<1x1x32x128xf32, #tpu.memory_space<vmem>>
    %dma_start3A_36 = tpu.memref_squeeze %dma_start3A_35 : memref<1x1x32x128xf32, #tpu.memory_space<vmem>> -> memref<32x128xf32, #tpu.memory_space<vmem>>
    %dma_start3A_37 = arith.constant 0 : i32
    %dma_start3A_38 = tpu.memref_slice %arg2[%dma_start3A_37, %multiple_of3A] : memref<32x1000001xf32, #tpu.memory_space<hbm>> -> memref<32x128xf32, #tpu.memory_space<hbm>>
    tpu.enqueue_dma source(%dma_start3A_38 : memref<32x128xf32, #tpu.memory_space<hbm>>) target(%dma_start3A_36 : memref<32x128xf32, #tpu.memory_space<vmem>>) target_semaphore(%arg9 : memref<!tpu.dma_semaphore, #tpu.memory_space<semaphore_mem>>)
    %get3A_39 = arith.constant 1 : i32
    %get3A_40 = arith.index_cast %get3A_39 : i32 to index
    %get3A_41 = memref.load %arg6[%get3A_40] : memref<512xi32, #tpu.memory_space<smem>>
    %jit3A_42 = arith.constant 128 : i32
    %div3A_43 = arith.divsi %get3A_41, %jit3A_42 : i32
    %sign3A_44 = arith.constant 0 : i32
    %sign3A_45 = arith.cmpi sgt, %get3A_41, %sign3A_44 : i32
    %sign3A_46 = arith.extui %sign3A_45 : i1 to i32
    %sign3A_47 = arith.constant 0 : i32
    %sign3A_48 = arith.cmpi slt, %get3A_41, %sign3A_47 : i32
    %sign3A_49 = arith.extui %sign3A_48 : i1 to i32
    %sign3A_50 = arith.subi %sign3A_46, %sign3A_49 : i32
    %sign3A_51 = arith.constant 0 : i32
    %sign3A_52 = arith.cmpi sgt, %jit3A_42, %sign3A_51 : i32
    %sign3A_53 = arith.extui %sign3A_52 : i1 to i32
    %sign3A_54 = arith.constant 0 : i32
    %sign3A_55 = arith.cmpi slt, %jit3A_42, %sign3A_54 : i32
    %sign3A_56 = arith.extui %sign3A_55 : i1 to i32
    %sign3A_57 = arith.subi %sign3A_53, %sign3A_56 : i32
    %ne3A_58 = arith.cmpi ne, %sign3A_50, %sign3A_57 : i32
    %rem3A_59 = arith.remsi %get3A_41, %jit3A_42 : i32
    %ne3A_60 = arith.constant 0 : i32
    %ne3A_61 = arith.cmpi ne, %rem3A_59, %ne3A_60 : i32
    %and3A_62 = arith.andi %ne3A_58, %ne3A_61 : i1
    %sub3A_63 = arith.constant 1 : i32
    %sub3A_64 = arith.subi %div3A_43, %sub3A_63 : i32
    %select_n3A_65 = arith.select %and3A_62, %sub3A_64, %div3A_43 : i32
    %mul3A_66 = arith.constant 128 : i32
    %mul3A_67 = arith.muli %select_n3A_65, %mul3A_66 : i32
    %multiple_of3A_68 = tpu.assume_multiple %mul3A_67, 128 : i32
    %dma_start3A_69 = arith.constant 0 : i32
    %dma_start3A_70 = arith.constant 1 : i32
    %dma_start3A_71 = arith.constant 0 : i32
    %dma_start3A_72 = arith.constant 0 : i32
    %dma_start3A_73 = tpu.memref_slice %arg7[%dma_start3A_69, %dma_start3A_70, %dma_start3A_71, %dma_start3A_72] : memref<4x4x32x128xf32, #tpu.memory_space<vmem>> -> memref<1x1x32x128xf32, #tpu.memory_space<vmem>>
    %dma_start3A_74 = tpu.memref_squeeze %dma_start3A_73 : memref<1x1x32x128xf32, #tpu.memory_space<vmem>> -> memref<32x128xf32, #tpu.memory_space<vmem>>
    %dma_start3A_75 = arith.constant 0 : i32
    %dma_start3A_76 = tpu.memref_slice %arg2[%dma_start3A_75, %multiple_of3A_68] : memref<32x1000001xf32, #tpu.memory_space<hbm>> -> memref<32x128xf32, #tpu.memory_space<hbm>>
    %dma_start3A_77 = arith.constant 0 : i32
    %dma_start3A_78 = arith.constant 0 : i32
    %dma_start3A_79 = tpu.memref_slice %arg7[%dma_start3A_69, %dma_start3A_70, %dma_start3A_77, %dma_start3A_78] : memref<4x4x32x128xf32, #tpu.memory_space<vmem>> -> memref<1x1x32x128xf32, #tpu.memory_space<vmem>>
    %dma_start3A_80 = tpu.memref_squeeze %dma_start3A_79 : memref<1x1x32x128xf32, #tpu.memory_space<vmem>> -> memref<32x128xf32, #tpu.memory_space<vmem>>
    %dma_start3A_81 = arith.constant 0 : i32
    %dma_start3A_82 = tpu.memref_slice %arg2[%dma_start3A_81, %multiple_of3A_68] : memref<32x1000001xf32, #tpu.memory_space<hbm>> -> memref<32x128xf32, #tpu.memory_space<hbm>>
    tpu.enqueue_dma source(%dma_start3A_82 : memref<32x128xf32, #tpu.memory_space<hbm>>) target(%dma_start3A_80 : memref<32x128xf32, #tpu.memory_space<vmem>>) target_semaphore(%arg9 : memref<!tpu.dma_semaphore, #tpu.memory_space<semaphore_mem>>)
    %get3A_83 = arith.constant 2 : i32
    %get3A_84 = arith.index_cast %get3A_83 : i32 to index
    %get3A_85 = memref.load %arg6[%get3A_84] : memref<512xi32, #tpu.memory_space<smem>>
    %jit3A_86 = arith.constant 128 : i32
    %div3A_87 = arith.divsi %get3A_85, %jit3A_86 : i32
    %sign3A_88 = arith.constant 0 : i32
    %sign3A_89 = arith.cmpi sgt, %get3A_85, %sign3A_88 : i32
    %sign3A_90 = arith.extui %sign3A_89 : i1 to i32
    %sign3A_91 = arith.constant 0 : i32
    %sign3A_92 = arith.cmpi slt, %get3A_85, %sign3A_91 : i32
    %sign3A_93 = arith.extui %sign3A_92 : i1 to i32
    %sign3A_94 = arith.subi %sign3A_90, %sign3A_93 : i32
    %sign3A_95 = arith.constant 0 : i32
    %sign3A_96 = arith.cmpi sgt, %jit3A_86, %sign3A_95 : i32
    %sign3A_97 = arith.extui %sign3A_96 : i1 to i32
    %sign3A_98 = arith.constant 0 : i32
    %sign3A_99 = arith.cmpi slt, %jit3A_86, %sign3A_98 : i32
    %sign3A_100 = arith.extui %sign3A_99 : i1 to i32
    %sign3A_101 = arith.subi %sign3A_97, %sign3A_100 : i32
    %ne3A_102 = arith.cmpi ne, %sign3A_94, %sign3A_101 : i32
    %rem3A_103 = arith.remsi %get3A_85, %jit3A_86 : i32
    %ne3A_104 = arith.constant 0 : i32
    %ne3A_105 = arith.cmpi ne, %rem3A_103, %ne3A_104 : i32
    %and3A_106 = arith.andi %ne3A_102, %ne3A_105 : i1
    %sub3A_107 = arith.constant 1 : i32
    %sub3A_108 = arith.subi %div3A_87, %sub3A_107 : i32
    %select_n3A_109 = arith.select %and3A_106, %sub3A_108, %div3A_87 : i32
    %mul3A_110 = arith.constant 128 : i32
    %mul3A_111 = arith.muli %select_n3A_109, %mul3A_110 : i32
    %multiple_of3A_112 = tpu.assume_multiple %mul3A_111, 128 : i32
    %dma_start3A_113 = arith.constant 0 : i32
    %dma_start3A_114 = arith.constant 2 : i32
    %dma_start3A_115 = arith.constant 0 : i32
    %dma_start3A_116 = arith.constant 0 : i32
    %dma_start3A_117 = tpu.memref_slice %arg7[%dma_start3A_113, %dma_start3A_114, %dma_start3A_115, %dma_start3A_116] : memref<4x4x32x128xf32, #tpu.memory_space<vmem>> -> memref<1x1x32x128xf32, #tpu.memory_space<vmem>>
    %dma_start3A_118 = tpu.memref_squeeze %dma_start3A_117 : memref<1x1x32x128xf32, #tpu.memory_space<vmem>> -> memref<32x128xf32, #tpu.memory_space<vmem>>
    %dma_start3A_119 = arith.constant 0 : i32
    %dma_start3A_120 = tpu.memref_slice %arg2[%dma_start3A_119, %multiple_of3A_112] : memref<32x1000001xf32, #tpu.memory_space<hbm>> -> memref<32x128xf32, #tpu.memory_space<hbm>>
    %dma_start3A_121 = arith.constant 0 : i32
    %dma_start3A_122 = arith.constant 0 : i32
    %dma_start3A_123 = tpu.memref_slice %arg7[%dma_start3A_113, %dma_start3A_114, %dma_start3A_121, %dma_start3A_122] : memref<4x4x32x128xf32, #tpu.memory_space<vmem>> -> memref<1x1x32x128xf32, #tpu.memory_space<vmem>>
    %dma_start3A_124 = tpu.memref_squeeze %dma_start3A_123 : memref<1x1x32x128xf32, #tpu.memory_space<vmem>> -> memref<32x128xf32, #tpu.memory_space<vmem>>
    %dma_start3A_125 = arith.constant 0 : i32
    %dma_start3A_126 = tpu.memref_slice %arg2[%dma_start3A_125, %multiple_of3A_112] : memref<32x1000001xf32, #tpu.memory_space<hbm>> -> memref<32x128xf32, #tpu.memory_space<hbm>>
    tpu.enqueue_dma source(%dma_start3A_126 : memref<32x128xf32, #tpu.memory_space<hbm>>) target(%dma_start3A_124 : memref<32x128xf32, #tpu.memory_space<vmem>>) target_semaphore(%arg9 : memref<!tpu.dma_semaphore, #tpu.memory_space<semaphore_mem>>)
    %get3A_127 = arith.constant 3 : i32
    %get3A_128 = arith.index_cast %get3A_127 : i32 to index
    %get3A_129 = memref.load %arg6[%get3A_128] : memref<512xi32, #tpu.memory_space<smem>>
    %jit3A_130 = arith.constant 128 : i32
    %div3A_131 = arith.divsi %get3A_129, %jit3A_130 : i32
    %sign3A_132 = arith.constant 0 : i32
    %sign3A_133 = arith.cmpi sgt, %get3A_129, %sign3A_132 : i32
    %sign3A_134 = arith.extui %sign3A_133 : i1 to i32
    %sign3A_135 = arith.constant 0 : i32
    %sign3A_136 = arith.cmpi slt, %get3A_129, %sign3A_135 : i32
    %sign3A_137 = arith.extui %sign3A_136 : i1 to i32
    %sign3A_138 = arith.subi %sign3A_134, %sign3A_137 : i32
    %sign3A_139 = arith.constant 0 : i32
    %sign3A_140 = arith.cmpi sgt, %jit3A_130, %sign3A_139 : i32
    %sign3A_141 = arith.extui %sign3A_140 : i1 to i32
    %sign3A_142 = arith.constant 0 : i32
    %sign3A_143 = arith.cmpi slt, %jit3A_130, %sign3A_142 : i32
    %sign3A_144 = arith.extui %sign3A_143 : i1 to i32
    %sign3A_145 = arith.subi %sign3A_141, %sign3A_144 : i32
    %ne3A_146 = arith.cmpi ne, %sign3A_138, %sign3A_145 : i32
    %rem3A_147 = arith.remsi %get3A_129, %jit3A_130 : i32
    %ne3A_148 = arith.constant 0 : i32
    %ne3A_149 = arith.cmpi ne, %rem3A_147, %ne3A_148 : i32
    %and3A_150 = arith.andi %ne3A_146, %ne3A_149 : i1
    %sub3A_151 = arith.constant 1 : i32
    %sub3A_152 = arith.subi %div3A_131, %sub3A_151 : i32
    %select_n3A_153 = arith.select %and3A_150, %sub3A_152, %div3A_131 : i32
    %mul3A_154 = arith.constant 128 : i32
    %mul3A_155 = arith.muli %select_n3A_153, %mul3A_154 : i32
    %multiple_of3A_156 = tpu.assume_multiple %mul3A_155, 128 : i32
    %dma_start3A_157 = arith.constant 0 : i32
    %dma_start3A_158 = arith.constant 3 : i32
    %dma_start3A_159 = arith.constant 0 : i32
    %dma_start3A_160 = arith.constant 0 : i32
    %dma_start3A_161 = tpu.memref_slice %arg7[%dma_start3A_157, %dma_start3A_158, %dma_start3A_159, %dma_start3A_160] : memref<4x4x32x128xf32, #tpu.memory_space<vmem>> -> memref<1x1x32x128xf32, #tpu.memory_space<vmem>>
    %dma_start3A_162 = tpu.memref_squeeze %dma_start3A_161 : memref<1x1x32x128xf32, #tpu.memory_space<vmem>> -> memref<32x128xf32, #tpu.memory_space<vmem>>
    %dma_start3A_163 = arith.constant 0 : i32
    %dma_start3A_164 = tpu.memref_slice %arg2[%dma_start3A_163, %multiple_of3A_156] : memref<32x1000001xf32, #tpu.memory_space<hbm>> -> memref<32x128xf32, #tpu.memory_space<hbm>>
    %dma_start3A_165 = arith.constant 0 : i32
    %dma_start3A_166 = arith.constant 0 : i32
    %dma_start3A_167 = tpu.memref_slice %arg7[%dma_start3A_157, %dma_start3A_158, %dma_start3A_165, %dma_start3A_166] : memref<4x4x32x128xf32, #tpu.memory_space<vmem>> -> memref<1x1x32x128xf32, #tpu.memory_space<vmem>>
    %dma_start3A_168 = tpu.memref_squeeze %dma_start3A_167 : memref<1x1x32x128xf32, #tpu.memory_space<vmem>> -> memref<32x128xf32, #tpu.memory_space<vmem>>
    %dma_start3A_169 = arith.constant 0 : i32
    %dma_start3A_170 = tpu.memref_slice %arg2[%dma_start3A_169, %multiple_of3A_156] : memref<32x1000001xf32, #tpu.memory_space<hbm>> -> memref<32x128xf32, #tpu.memory_space<hbm>>
    tpu.enqueue_dma source(%dma_start3A_170 : memref<32x128xf32, #tpu.memory_space<hbm>>) target(%dma_start3A_168 : memref<32x128xf32, #tpu.memory_space<vmem>>) target_semaphore(%arg9 : memref<!tpu.dma_semaphore, #tpu.memory_space<semaphore_mem>>)
    %get3A_171 = arith.constant 4 : i32
    %get3A_172 = arith.index_cast %get3A_171 : i32 to index
    %get3A_173 = memref.load %arg6[%get3A_172] : memref<512xi32, #tpu.memory_space<smem>>
    %jit3A_174 = arith.constant 128 : i32
    %div3A_175 = arith.divsi %get3A_173, %jit3A_174 : i32
    %sign3A_176 = arith.constant 0 : i32
    %sign3A_177 = arith.cmpi sgt, %get3A_173, %sign3A_176 : i32
    %sign3A_178 = arith.extui %sign3A_177 : i1 to i32
    %sign3A_179 = arith.constant 0 : i32
    %sign3A_180 = arith.cmpi slt, %get3A_173, %sign3A_179 : i32
    %sign3A_181 = arith.extui %sign3A_180 : i1 to i32
    %sign3A_182 = arith.subi %sign3A_178, %sign3A_181 : i32
    %sign3A_183 = arith.constant 0 : i32
    %sign3A_184 = arith.cmpi sgt, %jit3A_174, %sign3A_183 : i32
    %sign3A_185 = arith.extui %sign3A_184 : i1 to i32
    %sign3A_186 = arith.constant 0 : i32
    %sign3A_187 = arith.cmpi slt, %jit3A_174, %sign3A_186 : i32
    %sign3A_188 = arith.extui %sign3A_187 : i1 to i32
    %sign3A_189 = arith.subi %sign3A_185, %sign3A_188 : i32
    %ne3A_190 = arith.cmpi ne, %sign3A_182, %sign3A_189 : i32
    %rem3A_191 = arith.remsi %get3A_173, %jit3A_174 : i32
    %ne3A_192 = arith.constant 0 : i32
    %ne3A_193 = arith.cmpi ne, %rem3A_191, %ne3A_192 : i32
    %and3A_194 = arith.andi %ne3A_190, %ne3A_193 : i1
    %sub3A_195 = arith.constant 1 : i32
    %sub3A_196 = arith.subi %div3A_175, %sub3A_195 : i32
    %select_n3A_197 = arith.select %and3A_194, %sub3A_196, %div3A_175 : i32
    %mul3A_198 = arith.constant 128 : i32
    %mul3A_199 = arith.muli %select_n3A_197, %mul3A_198 : i32
    %multiple_of3A_200 = tpu.assume_multiple %mul3A_199, 128 : i32
    %dma_start3A_201 = arith.constant 1 : i32
    %dma_start3A_202 = arith.constant 0 : i32
    %dma_start3A_203 = arith.constant 0 : i32
    %dma_start3A_204 = arith.constant 0 : i32
    %dma_start3A_205 = tpu.memref_slice %arg7[%dma_start3A_201, %dma_start3A_202, %dma_start3A_203, %dma_start3A_204] : memref<4x4x32x128xf32, #tpu.memory_space<vmem>> -> memref<1x1x32x128xf32, #tpu.memory_space<vmem>>
    %dma_start3A_206 = tpu.memref_squeeze %dma_start3A_205 : memref<1x1x32x128xf32, #tpu.memory_space<vmem>> -> memref<32x128xf32, #tpu.memory_space<vmem>>
    %dma_start3A_207 = arith.constant 0 : i32
    %dma_start3A_208 = tpu.memref_slice %arg2[%dma_start3A_207, %multiple_of3A_200] : memref<32x1000001xf32, #tpu.memory_space<hbm>> -> memref<32x128xf32, #tpu.memory_space<hbm>>
    %dma_start3A_209 = arith.constant 0 : i32
    %dma_start3A_210 = arith.constant 0 : i32
    %dma_start3A_211 = tpu.memref_slice %arg7[%dma_start3A_201, %dma_start3A_202, %dma_start3A_209, %dma_start3A_210] : memref<4x4x32x128xf32, #tpu.memory_space<vmem>> -> memref<1x1x32x128xf32, #tpu.memory_space<vmem>>
    %dma_start3A_212 = tpu.memref_squeeze %dma_start3A_211 : memref<1x1x32x128xf32, #tpu.memory_space<vmem>> -> memref<32x128xf32, #tpu.memory_space<vmem>>
    %dma_start3A_213 = arith.constant 0 : i32
    %dma_start3A_214 = tpu.memref_slice %arg2[%dma_start3A_213, %multiple_of3A_200] : memref<32x1000001xf32, #tpu.memory_space<hbm>> -> memref<32x128xf32, #tpu.memory_space<hbm>>
    tpu.enqueue_dma source(%dma_start3A_214 : memref<32x128xf32, #tpu.memory_space<hbm>>) target(%dma_start3A_212 : memref<32x128xf32, #tpu.memory_space<vmem>>) target_semaphore(%arg10 : memref<!tpu.dma_semaphore, #tpu.memory_space<semaphore_mem>>)
    %get3A_215 = arith.constant 5 : i32
    %get3A_216 = arith.index_cast %get3A_215 : i32 to index
    %get3A_217 = memref.load %arg6[%get3A_216] : memref<512xi32, #tpu.memory_space<smem>>
    %jit3A_218 = arith.constant 128 : i32
    %div3A_219 = arith.divsi %get3A_217, %jit3A_218 : i32
    %sign3A_220 = arith.constant 0 : i32
    %sign3A_221 = arith.cmpi sgt, %get3A_217, %sign3A_220 : i32
    %sign3A_222 = arith.extui %sign3A_221 : i1 to i32
    %sign3A_223 = arith.constant 0 : i32
    %sign3A_224 = arith.cmpi slt, %get3A_217, %sign3A_223 : i32
    %sign3A_225 = arith.extui %sign3A_224 : i1 to i32
    %sign3A_226 = arith.subi %sign3A_222, %sign3A_225 : i32
    %sign3A_227 = arith.constant 0 : i32
    %sign3A_228 = arith.cmpi sgt, %jit3A_218, %sign3A_227 : i32
    %sign3A_229 = arith.extui %sign3A_228 : i1 to i32
    %sign3A_230 = arith.constant 0 : i32
    %sign3A_231 = arith.cmpi slt, %jit3A_218, %sign3A_230 : i32
    %sign3A_232 = arith.extui %sign3A_231 : i1 to i32
    %sign3A_233 = arith.subi %sign3A_229, %sign3A_232 : i32
    %ne3A_234 = arith.cmpi ne, %sign3A_226, %sign3A_233 : i32
    %rem3A_235 = arith.remsi %get3A_217, %jit3A_218 : i32
    %ne3A_236 = arith.constant 0 : i32
    %ne3A_237 = arith.cmpi ne, %rem3A_235, %ne3A_236 : i32
    %and3A_238 = arith.andi %ne3A_234, %ne3A_237 : i1
    %sub3A_239 = arith.constant 1 : i32
    %sub3A_240 = arith.subi %div3A_219, %sub3A_239 : i32
    %select_n3A_241 = arith.select %and3A_238, %sub3A_240, %div3A_219 : i32
    %mul3A_242 = arith.constant 128 : i32
    %mul3A_243 = arith.muli %select_n3A_241, %mul3A_242 : i32
    %multiple_of3A_244 = tpu.assume_multiple %mul3A_243, 128 : i32
    %dma_start3A_245 = arith.constant 1 : i32
    %dma_start3A_246 = arith.constant 1 : i32
    %dma_start3A_247 = arith.constant 0 : i32
    %dma_start3A_248 = arith.constant 0 : i32
    %dma_start3A_249 = tpu.memref_slice %arg7[%dma_start3A_245, %dma_start3A_246, %dma_start3A_247, %dma_start3A_248] : memref<4x4x32x128xf32, #tpu.memory_space<vmem>> -> memref<1x1x32x128xf32, #tpu.memory_space<vmem>>
    %dma_start3A_250 = tpu.memref_squeeze %dma_start3A_249 : memref<1x1x32x128xf32, #tpu.memory_space<vmem>> -> memref<32x128xf32, #tpu.memory_space<vmem>>
    %dma_start3A_251 = arith.constant 0 : i32
    %dma_start3A_252 = tpu.memref_slice %arg2[%dma_start3A_251, %multiple_of3A_244] : memref<32x1000001xf32, #tpu.memory_space<hbm>> -> memref<32x128xf32, #tpu.memory_space<hbm>>
    %dma_start3A_253 = arith.constant 0 : i32
    %dma_start3A_254 = arith.constant 0 : i32
    %dma_start3A_255 = tpu.memref_slice %arg7[%dma_start3A_245, %dma_start3A_246, %dma_start3A_253, %dma_start3A_254] : memref<4x4x32x128xf32, #tpu.memory_space<vmem>> -> memref<1x1x32x128xf32, #tpu.memory_space<vmem>>
    %dma_start3A_256 = tpu.memref_squeeze %dma_start3A_255 : memref<1x1x32x128xf32, #tpu.memory_space<vmem>> -> memref<32x128xf32, #tpu.memory_space<vmem>>
    %dma_start3A_257 = arith.constant 0 : i32
    %dma_start3A_258 = tpu.memref_slice %arg2[%dma_start3A_257, %multiple_of3A_244] : memref<32x1000001xf32, #tpu.memory_space<hbm>> -> memref<32x128xf32, #tpu.memory_space<hbm>>
    tpu.enqueue_dma source(%dma_start3A_258 : memref<32x128xf32, #tpu.memory_space<hbm>>) target(%dma_start3A_256 : memref<32x128xf32, #tpu.memory_space<vmem>>) target_semaphore(%arg10 : memref<!tpu.dma_semaphore, #tpu.memory_space<semaphore_mem>>)
    %get3A_259 = arith.constant 6 : i32
    %get3A_260 = arith.index_cast %get3A_259 : i32 to index
    %get3A_261 = memref.load %arg6[%get3A_260] : memref<512xi32, #tpu.memory_space<smem>>
    %jit3A_262 = arith.constant 128 : i32
    %div3A_263 = arith.divsi %get3A_261, %jit3A_262 : i32
    %sign3A_264 = arith.constant 0 : i32
    %sign3A_265 = arith.cmpi sgt, %get3A_261, %sign3A_264 : i32
    %sign3A_266 = arith.extui %sign3A_265 : i1 to i32
    %sign3A_267 = arith.constant 0 : i32
    %sign3A_268 = arith.cmpi slt, %get3A_261, %sign3A_267 : i32
    %sign3A_269 = arith.extui %sign3A_268 : i1 to i32
    %sign3A_270 = arith.subi %sign3A_266, %sign3A_269 : i32
    %sign3A_271 = arith.constant 0 : i32
    %sign3A_272 = arith.cmpi sgt, %jit3A_262, %sign3A_271 : i32
    %sign3A_273 = arith.extui %sign3A_272 : i1 to i32
    %sign3A_274 = arith.constant 0 : i32
    %sign3A_275 = arith.cmpi slt, %jit3A_262, %sign3A_274 : i32
    %sign3A_276 = arith.extui %sign3A_275 : i1 to i32
    %sign3A_277 = arith.subi %sign3A_273, %sign3A_276 : i32
    %ne3A_278 = arith.cmpi ne, %sign3A_270, %sign3A_277 : i32
    %rem3A_279 = arith.remsi %get3A_261, %jit3A_262 : i32
    %ne3A_280 = arith.constant 0 : i32
    %ne3A_281 = arith.cmpi ne, %rem3A_279, %ne3A_280 : i32
    %and3A_282 = arith.andi %ne3A_278, %ne3A_281 : i1
    %sub3A_283 = arith.constant 1 : i32
    %sub3A_284 = arith.subi %div3A_263, %sub3A_283 : i32
    %select_n3A_285 = arith.select %and3A_282, %sub3A_284, %div3A_263 : i32
    %mul3A_286 = arith.constant 128 : i32
    %mul3A_287 = arith.muli %select_n3A_285, %mul3A_286 : i32
    %multiple_of3A_288 = tpu.assume_multiple %mul3A_287, 128 : i32
    %dma_start3A_289 = arith.constant 1 : i32
    %dma_start3A_290 = arith.constant 2 : i32
    %dma_start3A_291 = arith.constant 0 : i32
    %dma_start3A_292 = arith.constant 0 : i32
    %dma_start3A_293 = tpu.memref_slice %arg7[%dma_start3A_289, %dma_start3A_290, %dma_start3A_291, %dma_start3A_292] : memref<4x4x32x128xf32, #tpu.memory_space<vmem>> -> memref<1x1x32x128xf32, #tpu.memory_space<vmem>>
    %dma_start3A_294 = tpu.memref_squeeze %dma_start3A_293 : memref<1x1x32x128xf32, #tpu.memory_space<vmem>> -> memref<32x128xf32, #tpu.memory_space<vmem>>
    %dma_start3A_295 = arith.constant 0 : i32
    %dma_start3A_296 = tpu.memref_slice %arg2[%dma_start3A_295, %multiple_of3A_288] : memref<32x1000001xf32, #tpu.memory_space<hbm>> -> memref<32x128xf32, #tpu.memory_space<hbm>>
    %dma_start3A_297 = arith.constant 0 : i32
    %dma_start3A_298 = arith.constant 0 : i32
    %dma_start3A_299 = tpu.memref_slice %arg7[%dma_start3A_289, %dma_start3A_290, %dma_start3A_297, %dma_start3A_298] : memref<4x4x32x128xf32, #tpu.memory_space<vmem>> -> memref<1x1x32x128xf32, #tpu.memory_space<vmem>>
    %dma_start3A_300 = tpu.memref_squeeze %dma_start3A_299 : memref<1x1x32x128xf32, #tpu.memory_space<vmem>> -> memref<32x128xf32, #tpu.memory_space<vmem>>
    %dma_start3A_301 = arith.constant 0 : i32
    %dma_start3A_302 = tpu.memref_slice %arg2[%dma_start3A_301, %multiple_of3A_288] : memref<32x1000001xf32, #tpu.memory_space<hbm>> -> memref<32x128xf32, #tpu.memory_space<hbm>>
    tpu.enqueue_dma source(%dma_start3A_302 : memref<32x128xf32, #tpu.memory_space<hbm>>) target(%dma_start3A_300 : memref<32x128xf32, #tpu.memory_space<vmem>>) target_semaphore(%arg10 : memref<!tpu.dma_semaphore, #tpu.memory_space<semaphore_mem>>)
    %get3A_303 = arith.constant 7 : i32
    %get3A_304 = arith.index_cast %get3A_303 : i32 to index
    %get3A_305 = memref.load %arg6[%get3A_304] : memref<512xi32, #tpu.memory_space<smem>>
    %jit3A_306 = arith.constant 128 : i32
    %div3A_307 = arith.divsi %get3A_305, %jit3A_306 : i32
    %sign3A_308 = arith.constant 0 : i32
    %sign3A_309 = arith.cmpi sgt, %get3A_305, %sign3A_308 : i32
    %sign3A_310 = arith.extui %sign3A_309 : i1 to i32
    %sign3A_311 = arith.constant 0 : i32
    %sign3A_312 = arith.cmpi slt, %get3A_305, %sign3A_311 : i32
    %sign3A_313 = arith.extui %sign3A_312 : i1 to i32
    %sign3A_314 = arith.subi %sign3A_310, %sign3A_313 : i32
    %sign3A_315 = arith.constant 0 : i32
    %sign3A_316 = arith.cmpi sgt, %jit3A_306, %sign3A_315 : i32
    %sign3A_317 = arith.extui %sign3A_316 : i1 to i32
    %sign3A_318 = arith.constant 0 : i32
    %sign3A_319 = arith.cmpi slt, %jit3A_306, %sign3A_318 : i32
    %sign3A_320 = arith.extui %sign3A_319 : i1 to i32
    %sign3A_321 = arith.subi %sign3A_317, %sign3A_320 : i32
    %ne3A_322 = arith.cmpi ne, %sign3A_314, %sign3A_321 : i32
    %rem3A_323 = arith.remsi %get3A_305, %jit3A_306 : i32
    %ne3A_324 = arith.constant 0 : i32
    %ne3A_325 = arith.cmpi ne, %rem3A_323, %ne3A_324 : i32
    %and3A_326 = arith.andi %ne3A_322, %ne3A_325 : i1
    %sub3A_327 = arith.constant 1 : i32
    %sub3A_328 = arith.subi %div3A_307, %sub3A_327 : i32
    %select_n3A_329 = arith.select %and3A_326, %sub3A_328, %div3A_307 : i32
    %mul3A_330 = arith.constant 128 : i32
    %mul3A_331 = arith.muli %select_n3A_329, %mul3A_330 : i32
    %multiple_of3A_332 = tpu.assume_multiple %mul3A_331, 128 : i32
    %dma_start3A_333 = arith.constant 1 : i32
    %dma_start3A_334 = arith.constant 3 : i32
    %dma_start3A_335 = arith.constant 0 : i32
    %dma_start3A_336 = arith.constant 0 : i32
    %dma_start3A_337 = tpu.memref_slice %arg7[%dma_start3A_333, %dma_start3A_334, %dma_start3A_335, %dma_start3A_336] : memref<4x4x32x128xf32, #tpu.memory_space<vmem>> -> memref<1x1x32x128xf32, #tpu.memory_space<vmem>>
    %dma_start3A_338 = tpu.memref_squeeze %dma_start3A_337 : memref<1x1x32x128xf32, #tpu.memory_space<vmem>> -> memref<32x128xf32, #tpu.memory_space<vmem>>
    %dma_start3A_339 = arith.constant 0 : i32
    %dma_start3A_340 = tpu.memref_slice %arg2[%dma_start3A_339, %multiple_of3A_332] : memref<32x1000001xf32, #tpu.memory_space<hbm>> -> memref<32x128xf32, #tpu.memory_space<hbm>>
    %dma_start3A_341 = arith.constant 0 : i32
    %dma_start3A_342 = arith.constant 0 : i32
    %dma_start3A_343 = tpu.memref_slice %arg7[%dma_start3A_333, %dma_start3A_334, %dma_start3A_341, %dma_start3A_342] : memref<4x4x32x128xf32, #tpu.memory_space<vmem>> -> memref<1x1x32x128xf32, #tpu.memory_space<vmem>>
    %dma_start3A_344 = tpu.memref_squeeze %dma_start3A_343 : memref<1x1x32x128xf32, #tpu.memory_space<vmem>> -> memref<32x128xf32, #tpu.memory_space<vmem>>
    %dma_start3A_345 = arith.constant 0 : i32
    %dma_start3A_346 = tpu.memref_slice %arg2[%dma_start3A_345, %multiple_of3A_332] : memref<32x1000001xf32, #tpu.memory_space<hbm>> -> memref<32x128xf32, #tpu.memory_space<hbm>>
    tpu.enqueue_dma source(%dma_start3A_346 : memref<32x128xf32, #tpu.memory_space<hbm>>) target(%dma_start3A_344 : memref<32x128xf32, #tpu.memory_space<vmem>>) target_semaphore(%arg10 : memref<!tpu.dma_semaphore, #tpu.memory_space<semaphore_mem>>)
    %get3A_347 = arith.constant 8 : i32
    %get3A_348 = arith.index_cast %get3A_347 : i32 to index
    %get3A_349 = memref.load %arg6[%get3A_348] : memref<512xi32, #tpu.memory_space<smem>>
    %jit3A_350 = arith.constant 128 : i32
    %div3A_351 = arith.divsi %get3A_349, %jit3A_350 : i32
    %sign3A_352 = arith.constant 0 : i32
    %sign3A_353 = arith.cmpi sgt, %get3A_349, %sign3A_352 : i32
    %sign3A_354 = arith.extui %sign3A_353 : i1 to i32
    %sign3A_355 = arith.constant 0 : i32
    %sign3A_356 = arith.cmpi slt, %get3A_349, %sign3A_355 : i32
    %sign3A_357 = arith.extui %sign3A_356 : i1 to i32
    %sign3A_358 = arith.subi %sign3A_354, %sign3A_357 : i32
    %sign3A_359 = arith.constant 0 : i32
    %sign3A_360 = arith.cmpi sgt, %jit3A_350, %sign3A_359 : i32
    %sign3A_361 = arith.extui %sign3A_360 : i1 to i32
    %sign3A_362 = arith.constant 0 : i32
    %sign3A_363 = arith.cmpi slt, %jit3A_350, %sign3A_362 : i32
    %sign3A_364 = arith.extui %sign3A_363 : i1 to i32
    %sign3A_365 = arith.subi %sign3A_361, %sign3A_364 : i32
    %ne3A_366 = arith.cmpi ne, %sign3A_358, %sign3A_365 : i32
    %rem3A_367 = arith.remsi %get3A_349, %jit3A_350 : i32
    %ne3A_368 = arith.constant 0 : i32
    %ne3A_369 = arith.cmpi ne, %rem3A_367, %ne3A_368 : i32
    %and3A_370 = arith.andi %ne3A_366, %ne3A_369 : i1
    %sub3A_371 = arith.constant 1 : i32
    %sub3A_372 = arith.subi %div3A_351, %sub3A_371 : i32
    %select_n3A_373 = arith.select %and3A_370, %sub3A_372, %div3A_351 : i32
    %mul3A_374 = arith.constant 128 : i32
    %mul3A_375 = arith.muli %select_n3A_373, %mul3A_374 : i32
    %multiple_of3A_376 = tpu.assume_multiple %mul3A_375, 128 : i32
    %dma_start3A_377 = arith.constant 2 : i32
    %dma_start3A_378 = arith.constant 0 : i32
    %dma_start3A_379 = arith.constant 0 : i32
    %dma_start3A_380 = arith.constant 0 : i32
    %dma_start3A_381 = tpu.memref_slice %arg7[%dma_start3A_377, %dma_start3A_378, %dma_start3A_379, %dma_start3A_380] : memref<4x4x32x128xf32, #tpu.memory_space<vmem>> -> memref<1x1x32x128xf32, #tpu.memory_space<vmem>>
    %dma_start3A_382 = tpu.memref_squeeze %dma_start3A_381 : memref<1x1x32x128xf32, #tpu.memory_space<vmem>> -> memref<32x128xf32, #tpu.memory_space<vmem>>
    %dma_start3A_383 = arith.constant 0 : i32
    %dma_start3A_384 = tpu.memref_slice %arg2[%dma_start3A_383, %multiple_of3A_376] : memref<32x1000001xf32, #tpu.memory_space<hbm>> -> memref<32x128xf32, #tpu.memory_space<hbm>>
    %dma_start3A_385 = arith.constant 0 : i32
    %dma_start3A_386 = arith.constant 0 : i32
    %dma_start3A_387 = tpu.memref_slice %arg7[%dma_start3A_377, %dma_start3A_378, %dma_start3A_385, %dma_start3A_386] : memref<4x4x32x128xf32, #tpu.memory_space<vmem>> -> memref<1x1x32x128xf32, #tpu.memory_space<vmem>>
    %dma_start3A_388 = tpu.memref_squeeze %dma_start3A_387 : memref<1x1x32x128xf32, #tpu.memory_space<vmem>> -> memref<32x128xf32, #tpu.memory_space<vmem>>
    %dma_start3A_389 = arith.constant 0 : i32
    %dma_start3A_390 = tpu.memref_slice %arg2[%dma_start3A_389, %multiple_of3A_376] : memref<32x1000001xf32, #tpu.memory_space<hbm>> -> memref<32x128xf32, #tpu.memory_space<hbm>>
    tpu.enqueue_dma source(%dma_start3A_390 : memref<32x128xf32, #tpu.memory_space<hbm>>) target(%dma_start3A_388 : memref<32x128xf32, #tpu.memory_space<vmem>>) target_semaphore(%arg11 : memref<!tpu.dma_semaphore, #tpu.memory_space<semaphore_mem>>)
    %get3A_391 = arith.constant 9 : i32
    %get3A_392 = arith.index_cast %get3A_391 : i32 to index
    %get3A_393 = memref.load %arg6[%get3A_392] : memref<512xi32, #tpu.memory_space<smem>>
    %jit3A_394 = arith.constant 128 : i32
    %div3A_395 = arith.divsi %get3A_393, %jit3A_394 : i32
    %sign3A_396 = arith.constant 0 : i32
    %sign3A_397 = arith.cmpi sgt, %get3A_393, %sign3A_396 : i32
    %sign3A_398 = arith.extui %sign3A_397 : i1 to i32
    %sign3A_399 = arith.constant 0 : i32
    %sign3A_400 = arith.cmpi slt, %get3A_393, %sign3A_399 : i32
    %sign3A_401 = arith.extui %sign3A_400 : i1 to i32
    %sign3A_402 = arith.subi %sign3A_398, %sign3A_401 : i32
    %sign3A_403 = arith.constant 0 : i32
    %sign3A_404 = arith.cmpi sgt, %jit3A_394, %sign3A_403 : i32
    %sign3A_405 = arith.extui %sign3A_404 : i1 to i32
    %sign3A_406 = arith.constant 0 : i32
    %sign3A_407 = arith.cmpi slt, %jit3A_394, %sign3A_406 : i32
    %sign3A_408 = arith.extui %sign3A_407 : i1 to i32
    %sign3A_409 = arith.subi %sign3A_405, %sign3A_408 : i32
    %ne3A_410 = arith.cmpi ne, %sign3A_402, %sign3A_409 : i32
    %rem3A_411 = arith.remsi %get3A_393, %jit3A_394 : i32
    %ne3A_412 = arith.constant 0 : i32
    %ne3A_413 = arith.cmpi ne, %rem3A_411, %ne3A_412 : i32
    %and3A_414 = arith.andi %ne3A_410, %ne3A_413 : i1
    %sub3A_415 = arith.constant 1 : i32
    %sub3A_416 = arith.subi %div3A_395, %sub3A_415 : i32
    %select_n3A_417 = arith.select %and3A_414, %sub3A_416, %div3A_395 : i32
    %mul3A_418 = arith.constant 128 : i32
    %mul3A_419 = arith.muli %select_n3A_417, %mul3A_418 : i32
    %multiple_of3A_420 = tpu.assume_multiple %mul3A_419, 128 : i32
    %dma_start3A_421 = arith.constant 2 : i32
    %dma_start3A_422 = arith.constant 1 : i32
    %dma_start3A_423 = arith.constant 0 : i32
    %dma_start3A_424 = arith.constant 0 : i32
    %dma_start3A_425 = tpu.memref_slice %arg7[%dma_start3A_421, %dma_start3A_422, %dma_start3A_423, %dma_start3A_424] : memref<4x4x32x128xf32, #tpu.memory_space<vmem>> -> memref<1x1x32x128xf32, #tpu.memory_space<vmem>>
    %dma_start3A_426 = tpu.memref_squeeze %dma_start3A_425 : memref<1x1x32x128xf32, #tpu.memory_space<vmem>> -> memref<32x128xf32, #tpu.memory_space<vmem>>
    %dma_start3A_427 = arith.constant 0 : i32
    %dma_start3A_428 = tpu.memref_slice %arg2[%dma_start3A_427, %multiple_of3A_420] : memref<32x1000001xf32, #tpu.memory_space<hbm>> -> memref<32x128xf32, #tpu.memory_space<hbm>>
    %dma_start3A_429 = arith.constant 0 : i32
    %dma_start3A_430 = arith.constant 0 : i32
    %dma_start3A_431 = tpu.memref_slice %arg7[%dma_start3A_421, %dma_start3A_422, %dma_start3A_429, %dma_start3A_430] : memref<4x4x32x128xf32, #tpu.memory_space<vmem>> -> memref<1x1x32x128xf32, #tpu.memory_space<vmem>>
    %dma_start3A_432 = tpu.memref_squeeze %dma_start3A_431 : memref<1x1x32x128xf32, #tpu.memory_space<vmem>> -> memref<32x128xf32, #tpu.memory_space<vmem>>
    %dma_start3A_433 = arith.constant 0 : i32
    %dma_start3A_434 = tpu.memref_slice %arg2[%dma_start3A_433, %multiple_of3A_420] : memref<32x1000001xf32, #tpu.memory_space<hbm>> -> memref<32x128xf32, #tpu.memory_space<hbm>>
    tpu.enqueue_dma source(%dma_start3A_434 : memref<32x128xf32, #tpu.memory_space<hbm>>) target(%dma_start3A_432 : memref<32x128xf32, #tpu.memory_space<vmem>>) target_semaphore(%arg11 : memref<!tpu.dma_semaphore, #tpu.memory_space<semaphore_mem>>)
    %get3A_435 = arith.constant 10 : i32
    %get3A_436 = arith.index_cast %get3A_435 : i32 to index
    %get3A_437 = memref.load %arg6[%get3A_436] : memref<512xi32, #tpu.memory_space<smem>>
    %jit3A_438 = arith.constant 128 : i32
    %div3A_439 = arith.divsi %get3A_437, %jit3A_438 : i32
    %sign3A_440 = arith.constant 0 : i32
    %sign3A_441 = arith.cmpi sgt, %get3A_437, %sign3A_440 : i32
    %sign3A_442 = arith.extui %sign3A_441 : i1 to i32
    %sign3A_443 = arith.constant 0 : i32
    %sign3A_444 = arith.cmpi slt, %get3A_437, %sign3A_443 : i32
    %sign3A_445 = arith.extui %sign3A_444 : i1 to i32
    %sign3A_446 = arith.subi %sign3A_442, %sign3A_445 : i32
    %sign3A_447 = arith.constant 0 : i32
    %sign3A_448 = arith.cmpi sgt, %jit3A_438, %sign3A_447 : i32
    %sign3A_449 = arith.extui %sign3A_448 : i1 to i32
    %sign3A_450 = arith.constant 0 : i32
    %sign3A_451 = arith.cmpi slt, %jit3A_438, %sign3A_450 : i32
    %sign3A_452 = arith.extui %sign3A_451 : i1 to i32
    %sign3A_453 = arith.subi %sign3A_449, %sign3A_452 : i32
    %ne3A_454 = arith.cmpi ne, %sign3A_446, %sign3A_453 : i32
    %rem3A_455 = arith.remsi %get3A_437, %jit3A_438 : i32
    %ne3A_456 = arith.constant 0 : i32
    %ne3A_457 = arith.cmpi ne, %rem3A_455, %ne3A_456 : i32
    %and3A_458 = arith.andi %ne3A_454, %ne3A_457 : i1
    %sub3A_459 = arith.constant 1 : i32
    %sub3A_460 = arith.subi %div3A_439, %sub3A_459 : i32
    %select_n3A_461 = arith.select %and3A_458, %sub3A_460, %div3A_439 : i32
    %mul3A_462 = arith.constant 128 : i32
    %mul3A_463 = arith.muli %select_n3A_461, %mul3A_462 : i32
    %multiple_of3A_464 = tpu.assume_multiple %mul3A_463, 128 : i32
    %dma_start3A_465 = arith.constant 2 : i32
    %dma_start3A_466 = arith.constant 2 : i32
    %dma_start3A_467 = arith.constant 0 : i32
    %dma_start3A_468 = arith.constant 0 : i32
    %dma_start3A_469 = tpu.memref_slice %arg7[%dma_start3A_465, %dma_start3A_466, %dma_start3A_467, %dma_start3A_468] : memref<4x4x32x128xf32, #tpu.memory_space<vmem>> -> memref<1x1x32x128xf32, #tpu.memory_space<vmem>>
    %dma_start3A_470 = tpu.memref_squeeze %dma_start3A_469 : memref<1x1x32x128xf32, #tpu.memory_space<vmem>> -> memref<32x128xf32, #tpu.memory_space<vmem>>
    %dma_start3A_471 = arith.constant 0 : i32
    %dma_start3A_472 = tpu.memref_slice %arg2[%dma_start3A_471, %multiple_of3A_464] : memref<32x1000001xf32, #tpu.memory_space<hbm>> -> memref<32x128xf32, #tpu.memory_space<hbm>>
    %dma_start3A_473 = arith.constant 0 : i32
    %dma_start3A_474 = arith.constant 0 : i32
    %dma_start3A_475 = tpu.memref_slice %arg7[%dma_start3A_465, %dma_start3A_466, %dma_start3A_473, %dma_start3A_474] : memref<4x4x32x128xf32, #tpu.memory_space<vmem>> -> memref<1x1x32x128xf32, #tpu.memory_space<vmem>>
    %dma_start3A_476 = tpu.memref_squeeze %dma_start3A_475 : memref<1x1x32x128xf32, #tpu.memory_space<vmem>> -> memref<32x128xf32, #tpu.memory_space<vmem>>
    %dma_start3A_477 = arith.constant 0 : i32
    %dma_start3A_478 = tpu.memref_slice %arg2[%dma_start3A_477, %multiple_of3A_464] : memref<32x1000001xf32, #tpu.memory_space<hbm>> -> memref<32x128xf32, #tpu.memory_space<hbm>>
    tpu.enqueue_dma source(%dma_start3A_478 : memref<32x128xf32, #tpu.memory_space<hbm>>) target(%dma_start3A_476 : memref<32x128xf32, #tpu.memory_space<vmem>>) target_semaphore(%arg11 : memref<!tpu.dma_semaphore, #tpu.memory_space<semaphore_mem>>)
    %get3A_479 = arith.constant 11 : i32
    %get3A_480 = arith.index_cast %get3A_479 : i32 to index
    %get3A_481 = memref.load %arg6[%get3A_480] : memref<512xi32, #tpu.memory_space<smem>>
    %jit3A_482 = arith.constant 128 : i32
    %div3A_483 = arith.divsi %get3A_481, %jit3A_482 : i32
    %sign3A_484 = arith.constant 0 : i32
    %sign3A_485 = arith.cmpi sgt, %get3A_481, %sign3A_484 : i32
    %sign3A_486 = arith.extui %sign3A_485 : i1 to i32
    %sign3A_487 = arith.constant 0 : i32
    %sign3A_488 = arith.cmpi slt, %get3A_481, %sign3A_487 : i32
    %sign3A_489 = arith.extui %sign3A_488 : i1 to i32
    %sign3A_490 = arith.subi %sign3A_486, %sign3A_489 : i32
    %sign3A_491 = arith.constant 0 : i32
    %sign3A_492 = arith.cmpi sgt, %jit3A_482, %sign3A_491 : i32
    %sign3A_493 = arith.extui %sign3A_492 : i1 to i32
    %sign3A_494 = arith.constant 0 : i32
    %sign3A_495 = arith.cmpi slt, %jit3A_482, %sign3A_494 : i32
    %sign3A_496 = arith.extui %sign3A_495 : i1 to i32
    %sign3A_497 = arith.subi %sign3A_493, %sign3A_496 : i32
    %ne3A_498 = arith.cmpi ne, %sign3A_490, %sign3A_497 : i32
    %rem3A_499 = arith.remsi %get3A_481, %jit3A_482 : i32
    %ne3A_500 = arith.constant 0 : i32
    %ne3A_501 = arith.cmpi ne, %rem3A_499, %ne3A_500 : i32
    %and3A_502 = arith.andi %ne3A_498, %ne3A_501 : i1
    %sub3A_503 = arith.constant 1 : i32
    %sub3A_504 = arith.subi %div3A_483, %sub3A_503 : i32
    %select_n3A_505 = arith.select %and3A_502, %sub3A_504, %div3A_483 : i32
    %mul3A_506 = arith.constant 128 : i32
    %mul3A_507 = arith.muli %select_n3A_505, %mul3A_506 : i32
    %multiple_of3A_508 = tpu.assume_multiple %mul3A_507, 128 : i32
    %dma_start3A_509 = arith.constant 2 : i32
    %dma_start3A_510 = arith.constant 3 : i32
    %dma_start3A_511 = arith.constant 0 : i32
    %dma_start3A_512 = arith.constant 0 : i32
    %dma_start3A_513 = tpu.memref_slice %arg7[%dma_start3A_509, %dma_start3A_510, %dma_start3A_511, %dma_start3A_512] : memref<4x4x32x128xf32, #tpu.memory_space<vmem>> -> memref<1x1x32x128xf32, #tpu.memory_space<vmem>>
    %dma_start3A_514 = tpu.memref_squeeze %dma_start3A_513 : memref<1x1x32x128xf32, #tpu.memory_space<vmem>> -> memref<32x128xf32, #tpu.memory_space<vmem>>
    %dma_start3A_515 = arith.constant 0 : i32
    %dma_start3A_516 = tpu.memref_slice %arg2[%dma_start3A_515, %multiple_of3A_508] : memref<32x1000001xf32, #tpu.memory_space<hbm>> -> memref<32x128xf32, #tpu.memory_space<hbm>>
    %dma_start3A_517 = arith.constant 0 : i32
    %dma_start3A_518 = arith.constant 0 : i32
    %dma_start3A_519 = tpu.memref_slice %arg7[%dma_start3A_509, %dma_start3A_510, %dma_start3A_517, %dma_start3A_518] : memref<4x4x32x128xf32, #tpu.memory_space<vmem>> -> memref<1x1x32x128xf32, #tpu.memory_space<vmem>>
    %dma_start3A_520 = tpu.memref_squeeze %dma_start3A_519 : memref<1x1x32x128xf32, #tpu.memory_space<vmem>> -> memref<32x128xf32, #tpu.memory_space<vmem>>
    %dma_start3A_521 = arith.constant 0 : i32
    %dma_start3A_522 = tpu.memref_slice %arg2[%dma_start3A_521, %multiple_of3A_508] : memref<32x1000001xf32, #tpu.memory_space<hbm>> -> memref<32x128xf32, #tpu.memory_space<hbm>>
    tpu.enqueue_dma source(%dma_start3A_522 : memref<32x128xf32, #tpu.memory_space<hbm>>) target(%dma_start3A_520 : memref<32x128xf32, #tpu.memory_space<vmem>>) target_semaphore(%arg11 : memref<!tpu.dma_semaphore, #tpu.memory_space<semaphore_mem>>)
    %scan3A = arith.constant 0 : i32
    %scan3A_523 = arith.constant 0 : i32
    %scan3A_524 = arith.constant 32 : i32
    %scan3A_525 = arith.addi %scan3A_523, %scan3A_524 : i32
    %scan3A_526 = arith.constant 1 : i32
    scf.for %scan3A_528 = %scan3A_523 to %scan3A_525 step %scan3A_526  : i32 {
      %mul3A_529 = arith.constant 4 : i32
      %mul3A_530 = arith.muli %scan3A_528, %mul3A_529 : i32
      %add3A_531 = arith.constant 0 : i32
      %add3A_532 = arith.addi %mul3A_530, %add3A_531 : i32
      %add3A_533 = arith.constant 4 : i32
      %add3A_534 = arith.addi %add3A_532, %add3A_533 : i32
      %sub3A_535 = arith.constant 1 : i32
      %sub3A_536 = arith.subi %add3A_534, %sub3A_535 : i32
      %lt3A = arith.constant 128 : i32
      %lt3A_537 = arith.cmpi slt, %sub3A_536, %lt3A : i32
      %convert_element_type3A = arith.extui %lt3A_537 : i1 to i32
      %cond3A = arith.constant 0 : i32
      %cond3A_538 = arith.cmpi ne, %convert_element_type3A, %cond3A : i32
      scf.if %cond3A_538 {
        %add3A_1029 = arith.constant 4 : i32
        %add3A_1030 = arith.addi %add3A_532, %add3A_1029 : i32
        %sub3A_1031 = arith.constant 1 : i32
        %sub3A_1032 = arith.subi %add3A_1030, %sub3A_1031 : i32
        %mul3A_1033 = arith.constant 4 : i32
        %mul3A_1034 = arith.muli %sub3A_1032, %mul3A_1033 : i32
        %add3A_1035 = arith.constant 0 : i32
        %add3A_1036 = arith.addi %mul3A_1034, %add3A_1035 : i32
        %get3A_1037 = arith.index_cast %add3A_1036 : i32 to index
        %get3A_1038 = memref.load %arg6[%get3A_1037] : memref<512xi32, #tpu.memory_space<smem>>
        %jit3A_1039 = arith.constant 128 : i32
        %div3A_1040 = arith.divsi %get3A_1038, %jit3A_1039 : i32
        %sign3A_1041 = arith.constant 0 : i32
        %sign3A_1042 = arith.cmpi sgt, %get3A_1038, %sign3A_1041 : i32
        %sign3A_1043 = arith.extui %sign3A_1042 : i1 to i32
        %sign3A_1044 = arith.constant 0 : i32
        %sign3A_1045 = arith.cmpi slt, %get3A_1038, %sign3A_1044 : i32
        %sign3A_1046 = arith.extui %sign3A_1045 : i1 to i32
        %sign3A_1047 = arith.subi %sign3A_1043, %sign3A_1046 : i32
        %sign3A_1048 = arith.constant 0 : i32
        %sign3A_1049 = arith.cmpi sgt, %jit3A_1039, %sign3A_1048 : i32
        %sign3A_1050 = arith.extui %sign3A_1049 : i1 to i32
        %sign3A_1051 = arith.constant 0 : i32
        %sign3A_1052 = arith.cmpi slt, %jit3A_1039, %sign3A_1051 : i32
        %sign3A_1053 = arith.extui %sign3A_1052 : i1 to i32
        %sign3A_1054 = arith.subi %sign3A_1050, %sign3A_1053 : i32
        %ne3A_1055 = arith.cmpi ne, %sign3A_1047, %sign3A_1054 : i32
        %rem3A_1056 = arith.remsi %get3A_1038, %jit3A_1039 : i32
        %ne3A_1057 = arith.constant 0 : i32
        %ne3A_1058 = arith.cmpi ne, %rem3A_1056, %ne3A_1057 : i32
        %and3A_1059 = arith.andi %ne3A_1055, %ne3A_1058 : i1
        %sub3A_1060 = arith.constant 1 : i32
        %sub3A_1061 = arith.subi %div3A_1040, %sub3A_1060 : i32
        %select_n3A_1062 = arith.select %and3A_1059, %sub3A_1061, %div3A_1040 : i32
        %mul3A_1063 = arith.constant 128 : i32
        %mul3A_1064 = arith.muli %select_n3A_1062, %mul3A_1063 : i32
        %multiple_of3A_1065 = tpu.assume_multiple %mul3A_1064, 128 : i32
        %dma_start3A_1066 = arith.constant 3 : i32
        %dma_start3A_1067 = arith.constant 0 : i32
        %dma_start3A_1068 = arith.constant 0 : i32
        %dma_start3A_1069 = arith.constant 0 : i32
        %dma_start3A_1070 = tpu.memref_slice %arg7[%dma_start3A_1066, %dma_start3A_1067, %dma_start3A_1068, %dma_start3A_1069] : memref<4x4x32x128xf32, #tpu.memory_space<vmem>> -> memref<1x1x32x128xf32, #tpu.memory_space<vmem>>
        %dma_start3A_1071 = tpu.memref_squeeze %dma_start3A_1070 : memref<1x1x32x128xf32, #tpu.memory_space<vmem>> -> memref<32x128xf32, #tpu.memory_space<vmem>>
        %dma_start3A_1072 = arith.constant 0 : i32
        %dma_start3A_1073 = tpu.memref_slice %arg2[%dma_start3A_1072, %multiple_of3A_1065] : memref<32x1000001xf32, #tpu.memory_space<hbm>> -> memref<32x128xf32, #tpu.memory_space<hbm>>
        %dma_start3A_1074 = arith.constant 0 : i32
        %dma_start3A_1075 = arith.constant 0 : i32
        %dma_start3A_1076 = tpu.memref_slice %arg7[%dma_start3A_1066, %dma_start3A_1067, %dma_start3A_1074, %dma_start3A_1075] : memref<4x4x32x128xf32, #tpu.memory_space<vmem>> -> memref<1x1x32x128xf32, #tpu.memory_space<vmem>>
        %dma_start3A_1077 = tpu.memref_squeeze %dma_start3A_1076 : memref<1x1x32x128xf32, #tpu.memory_space<vmem>> -> memref<32x128xf32, #tpu.memory_space<vmem>>
        %dma_start3A_1078 = arith.constant 0 : i32
        %dma_start3A_1079 = tpu.memref_slice %arg2[%dma_start3A_1078, %multiple_of3A_1065] : memref<32x1000001xf32, #tpu.memory_space<hbm>> -> memref<32x128xf32, #tpu.memory_space<hbm>>
        tpu.enqueue_dma source(%dma_start3A_1079 : memref<32x128xf32, #tpu.memory_space<hbm>>) target(%dma_start3A_1077 : memref<32x128xf32, #tpu.memory_space<vmem>>) target_semaphore(%arg12 : memref<!tpu.dma_semaphore, #tpu.memory_space<semaphore_mem>>)
        %add3A_1080 = arith.constant 1 : i32
        %add3A_1081 = arith.addi %mul3A_1034, %add3A_1080 : i32
        %get3A_1082 = arith.index_cast %add3A_1081 : i32 to index
        %get3A_1083 = memref.load %arg6[%get3A_1082] : memref<512xi32, #tpu.memory_space<smem>>
        %jit3A_1084 = arith.constant 128 : i32
        %div3A_1085 = arith.divsi %get3A_1083, %jit3A_1084 : i32
        %sign3A_1086 = arith.constant 0 : i32
        %sign3A_1087 = arith.cmpi sgt, %get3A_1083, %sign3A_1086 : i32
        %sign3A_1088 = arith.extui %sign3A_1087 : i1 to i32
        %sign3A_1089 = arith.constant 0 : i32
        %sign3A_1090 = arith.cmpi slt, %get3A_1083, %sign3A_1089 : i32
        %sign3A_1091 = arith.extui %sign3A_1090 : i1 to i32
        %sign3A_1092 = arith.subi %sign3A_1088, %sign3A_1091 : i32
        %sign3A_1093 = arith.constant 0 : i32
        %sign3A_1094 = arith.cmpi sgt, %jit3A_1084, %sign3A_1093 : i32
        %sign3A_1095 = arith.extui %sign3A_1094 : i1 to i32
        %sign3A_1096 = arith.constant 0 : i32
        %sign3A_1097 = arith.cmpi slt, %jit3A_1084, %sign3A_1096 : i32
        %sign3A_1098 = arith.extui %sign3A_1097 : i1 to i32
        %sign3A_1099 = arith.subi %sign3A_1095, %sign3A_1098 : i32
        %ne3A_1100 = arith.cmpi ne, %sign3A_1092, %sign3A_1099 : i32
        %rem3A_1101 = arith.remsi %get3A_1083, %jit3A_1084 : i32
        %ne3A_1102 = arith.constant 0 : i32
        %ne3A_1103 = arith.cmpi ne, %rem3A_1101, %ne3A_1102 : i32
        %and3A_1104 = arith.andi %ne3A_1100, %ne3A_1103 : i1
        %sub3A_1105 = arith.constant 1 : i32
        %sub3A_1106 = arith.subi %div3A_1085, %sub3A_1105 : i32
        %select_n3A_1107 = arith.select %and3A_1104, %sub3A_1106, %div3A_1085 : i32
        %mul3A_1108 = arith.constant 128 : i32
        %mul3A_1109 = arith.muli %select_n3A_1107, %mul3A_1108 : i32
        %multiple_of3A_1110 = tpu.assume_multiple %mul3A_1109, 128 : i32
        %dma_start3A_1111 = arith.constant 3 : i32
        %dma_start3A_1112 = arith.constant 1 : i32
        %dma_start3A_1113 = arith.constant 0 : i32
        %dma_start3A_1114 = arith.constant 0 : i32
        %dma_start3A_1115 = tpu.memref_slice %arg7[%dma_start3A_1111, %dma_start3A_1112, %dma_start3A_1113, %dma_start3A_1114] : memref<4x4x32x128xf32, #tpu.memory_space<vmem>> -> memref<1x1x32x128xf32, #tpu.memory_space<vmem>>
        %dma_start3A_1116 = tpu.memref_squeeze %dma_start3A_1115 : memref<1x1x32x128xf32, #tpu.memory_space<vmem>> -> memref<32x128xf32, #tpu.memory_space<vmem>>
        %dma_start3A_1117 = arith.constant 0 : i32
        %dma_start3A_1118 = tpu.memref_slice %arg2[%dma_start3A_1117, %multiple_of3A_1110] : memref<32x1000001xf32, #tpu.memory_space<hbm>> -> memref<32x128xf32, #tpu.memory_space<hbm>>
        %dma_start3A_1119 = arith.constant 0 : i32
        %dma_start3A_1120 = arith.constant 0 : i32
        %dma_start3A_1121 = tpu.memref_slice %arg7[%dma_start3A_1111, %dma_start3A_1112, %dma_start3A_1119, %dma_start3A_1120] : memref<4x4x32x128xf32, #tpu.memory_space<vmem>> -> memref<1x1x32x128xf32, #tpu.memory_space<vmem>>
        %dma_start3A_1122 = tpu.memref_squeeze %dma_start3A_1121 : memref<1x1x32x128xf32, #tpu.memory_space<vmem>> -> memref<32x128xf32, #tpu.memory_space<vmem>>
        %dma_start3A_1123 = arith.constant 0 : i32
        %dma_start3A_1124 = tpu.memref_slice %arg2[%dma_start3A_1123, %multiple_of3A_1110] : memref<32x1000001xf32, #tpu.memory_space<hbm>> -> memref<32x128xf32, #tpu.memory_space<hbm>>
        tpu.enqueue_dma source(%dma_start3A_1124 : memref<32x128xf32, #tpu.memory_space<hbm>>) target(%dma_start3A_1122 : memref<32x128xf32, #tpu.memory_space<vmem>>) target_semaphore(%arg12 : memref<!tpu.dma_semaphore, #tpu.memory_space<semaphore_mem>>)
        %add3A_1125 = arith.constant 2 : i32
        %add3A_1126 = arith.addi %mul3A_1034, %add3A_1125 : i32
        %get3A_1127 = arith.index_cast %add3A_1126 : i32 to index
        %get3A_1128 = memref.load %arg6[%get3A_1127] : memref<512xi32, #tpu.memory_space<smem>>
        %jit3A_1129 = arith.constant 128 : i32
        %div3A_1130 = arith.divsi %get3A_1128, %jit3A_1129 : i32
        %sign3A_1131 = arith.constant 0 : i32
        %sign3A_1132 = arith.cmpi sgt, %get3A_1128, %sign3A_1131 : i32
        %sign3A_1133 = arith.extui %sign3A_1132 : i1 to i32
        %sign3A_1134 = arith.constant 0 : i32
        %sign3A_1135 = arith.cmpi slt, %get3A_1128, %sign3A_1134 : i32
        %sign3A_1136 = arith.extui %sign3A_1135 : i1 to i32
        %sign3A_1137 = arith.subi %sign3A_1133, %sign3A_1136 : i32
        %sign3A_1138 = arith.constant 0 : i32
        %sign3A_1139 = arith.cmpi sgt, %jit3A_1129, %sign3A_1138 : i32
        %sign3A_1140 = arith.extui %sign3A_1139 : i1 to i32
        %sign3A_1141 = arith.constant 0 : i32
        %sign3A_1142 = arith.cmpi slt, %jit3A_1129, %sign3A_1141 : i32
        %sign3A_1143 = arith.extui %sign3A_1142 : i1 to i32
        %sign3A_1144 = arith.subi %sign3A_1140, %sign3A_1143 : i32
        %ne3A_1145 = arith.cmpi ne, %sign3A_1137, %sign3A_1144 : i32
        %rem3A_1146 = arith.remsi %get3A_1128, %jit3A_1129 : i32
        %ne3A_1147 = arith.constant 0 : i32
        %ne3A_1148 = arith.cmpi ne, %rem3A_1146, %ne3A_1147 : i32
        %and3A_1149 = arith.andi %ne3A_1145, %ne3A_1148 : i1
        %sub3A_1150 = arith.constant 1 : i32
        %sub3A_1151 = arith.subi %div3A_1130, %sub3A_1150 : i32
        %select_n3A_1152 = arith.select %and3A_1149, %sub3A_1151, %div3A_1130 : i32
        %mul3A_1153 = arith.constant 128 : i32
        %mul3A_1154 = arith.muli %select_n3A_1152, %mul3A_1153 : i32
        %multiple_of3A_1155 = tpu.assume_multiple %mul3A_1154, 128 : i32
        %dma_start3A_1156 = arith.constant 3 : i32
        %dma_start3A_1157 = arith.constant 2 : i32
        %dma_start3A_1158 = arith.constant 0 : i32
        %dma_start3A_1159 = arith.constant 0 : i32
        %dma_start3A_1160 = tpu.memref_slice %arg7[%dma_start3A_1156, %dma_start3A_1157, %dma_start3A_1158, %dma_start3A_1159] : memref<4x4x32x128xf32, #tpu.memory_space<vmem>> -> memref<1x1x32x128xf32, #tpu.memory_space<vmem>>
        %dma_start3A_1161 = tpu.memref_squeeze %dma_start3A_1160 : memref<1x1x32x128xf32, #tpu.memory_space<vmem>> -> memref<32x128xf32, #tpu.memory_space<vmem>>
        %dma_start3A_1162 = arith.constant 0 : i32
        %dma_start3A_1163 = tpu.memref_slice %arg2[%dma_start3A_1162, %multiple_of3A_1155] : memref<32x1000001xf32, #tpu.memory_space<hbm>> -> memref<32x128xf32, #tpu.memory_space<hbm>>
        %dma_start3A_1164 = arith.constant 0 : i32
        %dma_start3A_1165 = arith.constant 0 : i32
        %dma_start3A_1166 = tpu.memref_slice %arg7[%dma_start3A_1156, %dma_start3A_1157, %dma_start3A_1164, %dma_start3A_1165] : memref<4x4x32x128xf32, #tpu.memory_space<vmem>> -> memref<1x1x32x128xf32, #tpu.memory_space<vmem>>
        %dma_start3A_1167 = tpu.memref_squeeze %dma_start3A_1166 : memref<1x1x32x128xf32, #tpu.memory_space<vmem>> -> memref<32x128xf32, #tpu.memory_space<vmem>>
        %dma_start3A_1168 = arith.constant 0 : i32
        %dma_start3A_1169 = tpu.memref_slice %arg2[%dma_start3A_1168, %multiple_of3A_1155] : memref<32x1000001xf32, #tpu.memory_space<hbm>> -> memref<32x128xf32, #tpu.memory_space<hbm>>
        tpu.enqueue_dma source(%dma_start3A_1169 : memref<32x128xf32, #tpu.memory_space<hbm>>) target(%dma_start3A_1167 : memref<32x128xf32, #tpu.memory_space<vmem>>) target_semaphore(%arg12 : memref<!tpu.dma_semaphore, #tpu.memory_space<semaphore_mem>>)
        %add3A_1170 = arith.constant 3 : i32
        %add3A_1171 = arith.addi %mul3A_1034, %add3A_1170 : i32
        %get3A_1172 = arith.index_cast %add3A_1171 : i32 to index
        %get3A_1173 = memref.load %arg6[%get3A_1172] : memref<512xi32, #tpu.memory_space<smem>>
        %jit3A_1174 = arith.constant 128 : i32
        %div3A_1175 = arith.divsi %get3A_1173, %jit3A_1174 : i32
        %sign3A_1176 = arith.constant 0 : i32
        %sign3A_1177 = arith.cmpi sgt, %get3A_1173, %sign3A_1176 : i32
        %sign3A_1178 = arith.extui %sign3A_1177 : i1 to i32
        %sign3A_1179 = arith.constant 0 : i32
        %sign3A_1180 = arith.cmpi slt, %get3A_1173, %sign3A_1179 : i32
        %sign3A_1181 = arith.extui %sign3A_1180 : i1 to i32
        %sign3A_1182 = arith.subi %sign3A_1178, %sign3A_1181 : i32
        %sign3A_1183 = arith.constant 0 : i32
        %sign3A_1184 = arith.cmpi sgt, %jit3A_1174, %sign3A_1183 : i32
        %sign3A_1185 = arith.extui %sign3A_1184 : i1 to i32
        %sign3A_1186 = arith.constant 0 : i32
        %sign3A_1187 = arith.cmpi slt, %jit3A_1174, %sign3A_1186 : i32
        %sign3A_1188 = arith.extui %sign3A_1187 : i1 to i32
        %sign3A_1189 = arith.subi %sign3A_1185, %sign3A_1188 : i32
        %ne3A_1190 = arith.cmpi ne, %sign3A_1182, %sign3A_1189 : i32
        %rem3A_1191 = arith.remsi %get3A_1173, %jit3A_1174 : i32
        %ne3A_1192 = arith.constant 0 : i32
        %ne3A_1193 = arith.cmpi ne, %rem3A_1191, %ne3A_1192 : i32
        %and3A_1194 = arith.andi %ne3A_1190, %ne3A_1193 : i1
        %sub3A_1195 = arith.constant 1 : i32
        %sub3A_1196 = arith.subi %div3A_1175, %sub3A_1195 : i32
        %select_n3A_1197 = arith.select %and3A_1194, %sub3A_1196, %div3A_1175 : i32
        %mul3A_1198 = arith.constant 128 : i32
        %mul3A_1199 = arith.muli %select_n3A_1197, %mul3A_1198 : i32
        %multiple_of3A_1200 = tpu.assume_multiple %mul3A_1199, 128 : i32
        %dma_start3A_1201 = arith.constant 3 : i32
        %dma_start3A_1202 = arith.constant 3 : i32
        %dma_start3A_1203 = arith.constant 0 : i32
        %dma_start3A_1204 = arith.constant 0 : i32
        %dma_start3A_1205 = tpu.memref_slice %arg7[%dma_start3A_1201, %dma_start3A_1202, %dma_start3A_1203, %dma_start3A_1204] : memref<4x4x32x128xf32, #tpu.memory_space<vmem>> -> memref<1x1x32x128xf32, #tpu.memory_space<vmem>>
        %dma_start3A_1206 = tpu.memref_squeeze %dma_start3A_1205 : memref<1x1x32x128xf32, #tpu.memory_space<vmem>> -> memref<32x128xf32, #tpu.memory_space<vmem>>
        %dma_start3A_1207 = arith.constant 0 : i32
        %dma_start3A_1208 = tpu.memref_slice %arg2[%dma_start3A_1207, %multiple_of3A_1200] : memref<32x1000001xf32, #tpu.memory_space<hbm>> -> memref<32x128xf32, #tpu.memory_space<hbm>>
        %dma_start3A_1209 = arith.constant 0 : i32
        %dma_start3A_1210 = arith.constant 0 : i32
        %dma_start3A_1211 = tpu.memref_slice %arg7[%dma_start3A_1201, %dma_start3A_1202, %dma_start3A_1209, %dma_start3A_1210] : memref<4x4x32x128xf32, #tpu.memory_space<vmem>> -> memref<1x1x32x128xf32, #tpu.memory_space<vmem>>
        %dma_start3A_1212 = tpu.memref_squeeze %dma_start3A_1211 : memref<1x1x32x128xf32, #tpu.memory_space<vmem>> -> memref<32x128xf32, #tpu.memory_space<vmem>>
        %dma_start3A_1213 = arith.constant 0 : i32
        %dma_start3A_1214 = tpu.memref_slice %arg2[%dma_start3A_1213, %multiple_of3A_1200] : memref<32x1000001xf32, #tpu.memory_space<hbm>> -> memref<32x128xf32, #tpu.memory_space<hbm>>
        tpu.enqueue_dma source(%dma_start3A_1214 : memref<32x128xf32, #tpu.memory_space<hbm>>) target(%dma_start3A_1212 : memref<32x128xf32, #tpu.memory_space<vmem>>) target_semaphore(%arg12 : memref<!tpu.dma_semaphore, #tpu.memory_space<semaphore_mem>>)
      } else {
      }
      %dma_wait3A = arith.constant 0 : i32
      %dma_wait3A_539 = arith.constant 0 : i32
      %dma_wait3A_540 = arith.constant 0 : i32
      %dma_wait3A_541 = arith.constant 0 : i32
      %dma_wait3A_542 = tpu.memref_slice %arg7[%dma_wait3A, %dma_wait3A_539, %dma_wait3A_540, %dma_wait3A_541] : memref<4x4x32x128xf32, #tpu.memory_space<vmem>> -> memref<1x4x32x128xf32, #tpu.memory_space<vmem>>
      %dma_wait3A_543 = tpu.memref_squeeze %dma_wait3A_542 : memref<1x4x32x128xf32, #tpu.memory_space<vmem>> -> memref<4x32x128xf32, #tpu.memory_space<vmem>>
      %dma_wait3A_544 = arith.constant 0 : i32
      %dma_wait3A_545 = arith.constant 0 : i32
      %dma_wait3A_546 = tpu.memref_slice %arg2[%dma_wait3A_544, %dma_wait3A_545] : memref<32x1000001xf32, #tpu.memory_space<hbm>> -> memref<32x512xf32, #tpu.memory_space<hbm>>
      %dma_wait3A_547 = arith.constant 0 : i32
      %dma_wait3A_548 = arith.constant 0 : i32
      %dma_wait3A_549 = arith.constant 0 : i32
      %dma_wait3A_550 = tpu.memref_slice %arg7[%dma_wait3A, %dma_wait3A_547, %dma_wait3A_548, %dma_wait3A_549] : memref<4x4x32x128xf32, #tpu.memory_space<vmem>> -> memref<1x4x32x128xf32, #tpu.memory_space<vmem>>
      %dma_wait3A_551 = tpu.memref_squeeze %dma_wait3A_550 : memref<1x4x32x128xf32, #tpu.memory_space<vmem>> -> memref<4x32x128xf32, #tpu.memory_space<vmem>>
      %dma_wait3A_552 = arith.constant 0 : i32
      %dma_wait3A_553 = arith.constant 0 : i32
      %dma_wait3A_554 = tpu.memref_slice %arg2[%dma_wait3A_552, %dma_wait3A_553] : memref<32x1000001xf32, #tpu.memory_space<hbm>> -> memref<32x512xf32, #tpu.memory_space<hbm>>
      tpu.wait_dma2 semaphore(%arg9 : memref<!tpu.dma_semaphore, #tpu.memory_space<semaphore_mem>>) src(%dma_wait3A_554 : memref<32x512xf32, #tpu.memory_space<hbm>>) dst(%dma_wait3A_551 : memref<4x32x128xf32, #tpu.memory_space<vmem>>)
      %mul3A_555 = arith.constant 4 : i32
      %mul3A_556 = arith.muli %add3A_532, %mul3A_555 : i32
      %add3A_557 = arith.constant 0 : i32
      %add3A_558 = arith.addi %mul3A_556, %add3A_557 : i32
      %get3A_559 = arith.index_cast %add3A_558 : i32 to index
      %get3A_560 = memref.load %arg6[%get3A_559] : memref<512xi32, #tpu.memory_space<smem>>
      %rem3A_561 = arith.constant 128 : i32
      %rem3A_562 = arith.remsi %get3A_560, %rem3A_561 : i32
      %broadcast_in_dim3A = vector.broadcast %rem3A_562 : i32 to vector<16xi32>
      %add3A_563 = arith.constant 0 : i32
      %add3A_564 = arith.addi %mul3A_556, %add3A_563 : i32
      %broadcast_in_dim3A_565 = vector.broadcast %add3A_564 : i32 to vector<16xi32>
      %gather3A = arith.constant 0 : i32
      %gather3A_566 = arith.constant 0 : i32
      %gather3A_567 = arith.constant 0 : i32
      %gather3A_568 = arith.constant 0 : i32
      %gather3A_569 = tpu.memref_slice %arg7[%gather3A, %gather3A_566, %gather3A_567, %gather3A_568] : memref<4x4x32x128xf32, #tpu.memory_space<vmem>> -> memref<1x1x32x128xf32, #tpu.memory_space<vmem>>
      %gather3A_570 = tpu.memref_squeeze %gather3A_569 : memref<1x1x32x128xf32, #tpu.memory_space<vmem>> -> memref<32x128xf32, #tpu.memory_space<vmem>>
      %gather3A_571 = tpu.vector_load_idx %gather3A_570[%iota3A, %broadcast_in_dim3A] : memref<32x128xf32, #tpu.memory_space<vmem>>[vector<16xi32>, vector<16xi32>], vector<16xf32>,
      %gather3A_572 = arith.constant 0 : i32
      %gather3A_573 = arith.constant 0 : i32
      %gather3A_574 = arith.constant 0 : i32
      %gather3A_575 = arith.constant 0 : i32
      %gather3A_576 = tpu.memref_slice %arg7[%gather3A_572, %gather3A_573, %gather3A_574, %gather3A_575] : memref<4x4x32x128xf32, #tpu.memory_space<vmem>> -> memref<1x1x32x128xf32, #tpu.memory_space<vmem>>
      %gather3A_577 = tpu.memref_squeeze %gather3A_576 : memref<1x1x32x128xf32, #tpu.memory_space<vmem>> -> memref<32x128xf32, #tpu.memory_space<vmem>>
      %gather3A_578 = tpu.vector_load_idx %gather3A_577[%add3A_5, %broadcast_in_dim3A] : memref<32x128xf32, #tpu.memory_space<vmem>>[vector<16xi32>, vector<16xi32>], vector<16xf32>,
      tpu.vector_store_idx %arg8[%iota3A, %broadcast_in_dim3A_565], %gather3A_571 : memref<32x512xf32, #tpu.memory_space<vmem>>[vector<16xi32>, vector<16xi32>], vector<16xf32>,
      tpu.vector_store_idx %arg8[%add3A_5, %broadcast_in_dim3A_565], %gather3A_578 : memref<32x512xf32, #tpu.memory_space<vmem>>[vector<16xi32>, vector<16xi32>], vector<16xf32>,
      %add3A_579 = arith.constant 1 : i32
      %add3A_580 = arith.addi %mul3A_556, %add3A_579 : i32
      %get3A_581 = arith.index_cast %add3A_580 : i32 to index
      %get3A_582 = memref.load %arg6[%get3A_581] : memref<512xi32, #tpu.memory_space<smem>>
      %rem3A_583 = arith.constant 128 : i32
      %rem3A_584 = arith.remsi %get3A_582, %rem3A_583 : i32
      %broadcast_in_dim3A_585 = vector.broadcast %rem3A_584 : i32 to vector<16xi32>
      %add3A_586 = arith.constant 1 : i32
      %add3A_587 = arith.addi %mul3A_556, %add3A_586 : i32
      %broadcast_in_dim3A_588 = vector.broadcast %add3A_587 : i32 to vector<16xi32>
      %gather3A_589 = arith.constant 0 : i32
      %gather3A_590 = arith.constant 1 : i32
      %gather3A_591 = arith.constant 0 : i32
      %gather3A_592 = arith.constant 0 : i32
      %gather3A_593 = tpu.memref_slice %arg7[%gather3A_589, %gather3A_590, %gather3A_591, %gather3A_592] : memref<4x4x32x128xf32, #tpu.memory_space<vmem>> -> memref<1x1x32x128xf32, #tpu.memory_space<vmem>>
      %gather3A_594 = tpu.memref_squeeze %gather3A_593 : memref<1x1x32x128xf32, #tpu.memory_space<vmem>> -> memref<32x128xf32, #tpu.memory_space<vmem>>
      %gather3A_595 = tpu.vector_load_idx %gather3A_594[%iota3A, %broadcast_in_dim3A_585] : memref<32x128xf32, #tpu.memory_space<vmem>>[vector<16xi32>, vector<16xi32>], vector<16xf32>,
      %gather3A_596 = arith.constant 0 : i32
      %gather3A_597 = arith.constant 1 : i32
      %gather3A_598 = arith.constant 0 : i32
      %gather3A_599 = arith.constant 0 : i32
      %gather3A_600 = tpu.memref_slice %arg7[%gather3A_596, %gather3A_597, %gather3A_598, %gather3A_599] : memref<4x4x32x128xf32, #tpu.memory_space<vmem>> -> memref<1x1x32x128xf32, #tpu.memory_space<vmem>>
      %gather3A_601 = tpu.memref_squeeze %gather3A_600 : memref<1x1x32x128xf32, #tpu.memory_space<vmem>> -> memref<32x128xf32, #tpu.memory_space<vmem>>
      %gather3A_602 = tpu.vector_load_idx %gather3A_601[%add3A_5, %broadcast_in_dim3A_585] : memref<32x128xf32, #tpu.memory_space<vmem>>[vector<16xi32>, vector<16xi32>], vector<16xf32>,
      tpu.vector_store_idx %arg8[%iota3A, %broadcast_in_dim3A_588], %gather3A_595 : memref<32x512xf32, #tpu.memory_space<vmem>>[vector<16xi32>, vector<16xi32>], vector<16xf32>,
      tpu.vector_store_idx %arg8[%add3A_5, %broadcast_in_dim3A_588], %gather3A_602 : memref<32x512xf32, #tpu.memory_space<vmem>>[vector<16xi32>, vector<16xi32>], vector<16xf32>,
      %add3A_603 = arith.constant 2 : i32
      %add3A_604 = arith.addi %mul3A_556, %add3A_603 : i32
      %get3A_605 = arith.index_cast %add3A_604 : i32 to index
      %get3A_606 = memref.load %arg6[%get3A_605] : memref<512xi32, #tpu.memory_space<smem>>
      %rem3A_607 = arith.constant 128 : i32
      %rem3A_608 = arith.remsi %get3A_606, %rem3A_607 : i32
      %broadcast_in_dim3A_609 = vector.broadcast %rem3A_608 : i32 to vector<16xi32>
      %add3A_610 = arith.constant 2 : i32
      %add3A_611 = arith.addi %mul3A_556, %add3A_610 : i32
      %broadcast_in_dim3A_612 = vector.broadcast %add3A_611 : i32 to vector<16xi32>
      %gather3A_613 = arith.constant 0 : i32
      %gather3A_614 = arith.constant 2 : i32
      %gather3A_615 = arith.constant 0 : i32
      %gather3A_616 = arith.constant 0 : i32
      %gather3A_617 = tpu.memref_slice %arg7[%gather3A_613, %gather3A_614, %gather3A_615, %gather3A_616] : memref<4x4x32x128xf32, #tpu.memory_space<vmem>> -> memref<1x1x32x128xf32, #tpu.memory_space<vmem>>
      %gather3A_618 = tpu.memref_squeeze %gather3A_617 : memref<1x1x32x128xf32, #tpu.memory_space<vmem>> -> memref<32x128xf32, #tpu.memory_space<vmem>>
      %gather3A_619 = tpu.vector_load_idx %gather3A_618[%iota3A, %broadcast_in_dim3A_609] : memref<32x128xf32, #tpu.memory_space<vmem>>[vector<16xi32>, vector<16xi32>], vector<16xf32>,
      %gather3A_620 = arith.constant 0 : i32
      %gather3A_621 = arith.constant 2 : i32
      %gather3A_622 = arith.constant 0 : i32
      %gather3A_623 = arith.constant 0 : i32
      %gather3A_624 = tpu.memref_slice %arg7[%gather3A_620, %gather3A_621, %gather3A_622, %gather3A_623] : memref<4x4x32x128xf32, #tpu.memory_space<vmem>> -> memref<1x1x32x128xf32, #tpu.memory_space<vmem>>
      %gather3A_625 = tpu.memref_squeeze %gather3A_624 : memref<1x1x32x128xf32, #tpu.memory_space<vmem>> -> memref<32x128xf32, #tpu.memory_space<vmem>>
      %gather3A_626 = tpu.vector_load_idx %gather3A_625[%add3A_5, %broadcast_in_dim3A_609] : memref<32x128xf32, #tpu.memory_space<vmem>>[vector<16xi32>, vector<16xi32>], vector<16xf32>,
      tpu.vector_store_idx %arg8[%iota3A, %broadcast_in_dim3A_612], %gather3A_619 : memref<32x512xf32, #tpu.memory_space<vmem>>[vector<16xi32>, vector<16xi32>], vector<16xf32>,
      tpu.vector_store_idx %arg8[%add3A_5, %broadcast_in_dim3A_612], %gather3A_626 : memref<32x512xf32, #tpu.memory_space<vmem>>[vector<16xi32>, vector<16xi32>], vector<16xf32>,
      %add3A_627 = arith.constant 3 : i32
      %add3A_628 = arith.addi %mul3A_556, %add3A_627 : i32
      %get3A_629 = arith.index_cast %add3A_628 : i32 to index
      %get3A_630 = memref.load %arg6[%get3A_629] : memref<512xi32, #tpu.memory_space<smem>>
      %rem3A_631 = arith.constant 128 : i32
      %rem3A_632 = arith.remsi %get3A_630, %rem3A_631 : i32
      %broadcast_in_dim3A_633 = vector.broadcast %rem3A_632 : i32 to vector<16xi32>
      %add3A_634 = arith.constant 3 : i32
      %add3A_635 = arith.addi %mul3A_556, %add3A_634 : i32
      %broadcast_in_dim3A_636 = vector.broadcast %add3A_635 : i32 to vector<16xi32>
      %gather3A_637 = arith.constant 0 : i32
      %gather3A_638 = arith.constant 3 : i32
      %gather3A_639 = arith.constant 0 : i32
      %gather3A_640 = arith.constant 0 : i32
      %gather3A_641 = tpu.memref_slice %arg7[%gather3A_637, %gather3A_638, %gather3A_639, %gather3A_640] : memref<4x4x32x128xf32, #tpu.memory_space<vmem>> -> memref<1x1x32x128xf32, #tpu.memory_space<vmem>>
      %gather3A_642 = tpu.memref_squeeze %gather3A_641 : memref<1x1x32x128xf32, #tpu.memory_space<vmem>> -> memref<32x128xf32, #tpu.memory_space<vmem>>
      %gather3A_643 = tpu.vector_load_idx %gather3A_642[%iota3A, %broadcast_in_dim3A_633] : memref<32x128xf32, #tpu.memory_space<vmem>>[vector<16xi32>, vector<16xi32>], vector<16xf32>,
      %gather3A_644 = arith.constant 0 : i32
      %gather3A_645 = arith.constant 3 : i32
      %gather3A_646 = arith.constant 0 : i32
      %gather3A_647 = arith.constant 0 : i32
      %gather3A_648 = tpu.memref_slice %arg7[%gather3A_644, %gather3A_645, %gather3A_646, %gather3A_647] : memref<4x4x32x128xf32, #tpu.memory_space<vmem>> -> memref<1x1x32x128xf32, #tpu.memory_space<vmem>>
      %gather3A_649 = tpu.memref_squeeze %gather3A_648 : memref<1x1x32x128xf32, #tpu.memory_space<vmem>> -> memref<32x128xf32, #tpu.memory_space<vmem>>
      %gather3A_650 = tpu.vector_load_idx %gather3A_649[%add3A_5, %broadcast_in_dim3A_633] : memref<32x128xf32, #tpu.memory_space<vmem>>[vector<16xi32>, vector<16xi32>], vector<16xf32>,
      tpu.vector_store_idx %arg8[%iota3A, %broadcast_in_dim3A_636], %gather3A_643 : memref<32x512xf32, #tpu.memory_space<vmem>>[vector<16xi32>, vector<16xi32>], vector<16xf32>,
      tpu.vector_store_idx %arg8[%add3A_5, %broadcast_in_dim3A_636], %gather3A_650 : memref<32x512xf32, #tpu.memory_space<vmem>>[vector<16xi32>, vector<16xi32>], vector<16xf32>,
      %add3A_651 = arith.constant 1 : i32
      %add3A_652 = arith.addi %mul3A_530, %add3A_651 : i32
      %add3A_653 = arith.constant 4 : i32
      %add3A_654 = arith.addi %add3A_652, %add3A_653 : i32
      %sub3A_655 = arith.constant 1 : i32
      %sub3A_656 = arith.subi %add3A_654, %sub3A_655 : i32
      %lt3A_657 = arith.constant 128 : i32
      %lt3A_658 = arith.cmpi slt, %sub3A_656, %lt3A_657 : i32
      %convert_element_type3A_659 = arith.extui %lt3A_658 : i1 to i32
      %cond3A_660 = arith.constant 0 : i32
      %cond3A_661 = arith.cmpi ne, %convert_element_type3A_659, %cond3A_660 : i32
      scf.if %cond3A_661 {
        %add3A_1029 = arith.constant 4 : i32
        %add3A_1030 = arith.addi %add3A_652, %add3A_1029 : i32
        %sub3A_1031 = arith.constant 1 : i32
        %sub3A_1032 = arith.subi %add3A_1030, %sub3A_1031 : i32
        %mul3A_1033 = arith.constant 4 : i32
        %mul3A_1034 = arith.muli %sub3A_1032, %mul3A_1033 : i32
        %add3A_1035 = arith.constant 0 : i32
        %add3A_1036 = arith.addi %mul3A_1034, %add3A_1035 : i32
        %get3A_1037 = arith.index_cast %add3A_1036 : i32 to index
        %get3A_1038 = memref.load %arg6[%get3A_1037] : memref<512xi32, #tpu.memory_space<smem>>
        %jit3A_1039 = arith.constant 128 : i32
        %div3A_1040 = arith.divsi %get3A_1038, %jit3A_1039 : i32
        %sign3A_1041 = arith.constant 0 : i32
        %sign3A_1042 = arith.cmpi sgt, %get3A_1038, %sign3A_1041 : i32
        %sign3A_1043 = arith.extui %sign3A_1042 : i1 to i32
        %sign3A_1044 = arith.constant 0 : i32
        %sign3A_1045 = arith.cmpi slt, %get3A_1038, %sign3A_1044 : i32
        %sign3A_1046 = arith.extui %sign3A_1045 : i1 to i32
        %sign3A_1047 = arith.subi %sign3A_1043, %sign3A_1046 : i32
        %sign3A_1048 = arith.constant 0 : i32
        %sign3A_1049 = arith.cmpi sgt, %jit3A_1039, %sign3A_1048 : i32
        %sign3A_1050 = arith.extui %sign3A_1049 : i1 to i32
        %sign3A_1051 = arith.constant 0 : i32
        %sign3A_1052 = arith.cmpi slt, %jit3A_1039, %sign3A_1051 : i32
        %sign3A_1053 = arith.extui %sign3A_1052 : i1 to i32
        %sign3A_1054 = arith.subi %sign3A_1050, %sign3A_1053 : i32
        %ne3A_1055 = arith.cmpi ne, %sign3A_1047, %sign3A_1054 : i32
        %rem3A_1056 = arith.remsi %get3A_1038, %jit3A_1039 : i32
        %ne3A_1057 = arith.constant 0 : i32
        %ne3A_1058 = arith.cmpi ne, %rem3A_1056, %ne3A_1057 : i32
        %and3A_1059 = arith.andi %ne3A_1055, %ne3A_1058 : i1
        %sub3A_1060 = arith.constant 1 : i32
        %sub3A_1061 = arith.subi %div3A_1040, %sub3A_1060 : i32
        %select_n3A_1062 = arith.select %and3A_1059, %sub3A_1061, %div3A_1040 : i32
        %mul3A_1063 = arith.constant 128 : i32
        %mul3A_1064 = arith.muli %select_n3A_1062, %mul3A_1063 : i32
        %multiple_of3A_1065 = tpu.assume_multiple %mul3A_1064, 128 : i32
        %dma_start3A_1066 = arith.constant 0 : i32
        %dma_start3A_1067 = arith.constant 0 : i32
        %dma_start3A_1068 = arith.constant 0 : i32
        %dma_start3A_1069 = arith.constant 0 : i32
        %dma_start3A_1070 = tpu.memref_slice %arg7[%dma_start3A_1066, %dma_start3A_1067, %dma_start3A_1068, %dma_start3A_1069] : memref<4x4x32x128xf32, #tpu.memory_space<vmem>> -> memref<1x1x32x128xf32, #tpu.memory_space<vmem>>
        %dma_start3A_1071 = tpu.memref_squeeze %dma_start3A_1070 : memref<1x1x32x128xf32, #tpu.memory_space<vmem>> -> memref<32x128xf32, #tpu.memory_space<vmem>>
        %dma_start3A_1072 = arith.constant 0 : i32
        %dma_start3A_1073 = tpu.memref_slice %arg2[%dma_start3A_1072, %multiple_of3A_1065] : memref<32x1000001xf32, #tpu.memory_space<hbm>> -> memref<32x128xf32, #tpu.memory_space<hbm>>
        %dma_start3A_1074 = arith.constant 0 : i32
        %dma_start3A_1075 = arith.constant 0 : i32
        %dma_start3A_1076 = tpu.memref_slice %arg7[%dma_start3A_1066, %dma_start3A_1067, %dma_start3A_1074, %dma_start3A_1075] : memref<4x4x32x128xf32, #tpu.memory_space<vmem>> -> memref<1x1x32x128xf32, #tpu.memory_space<vmem>>
        %dma_start3A_1077 = tpu.memref_squeeze %dma_start3A_1076 : memref<1x1x32x128xf32, #tpu.memory_space<vmem>> -> memref<32x128xf32, #tpu.memory_space<vmem>>
        %dma_start3A_1078 = arith.constant 0 : i32
        %dma_start3A_1079 = tpu.memref_slice %arg2[%dma_start3A_1078, %multiple_of3A_1065] : memref<32x1000001xf32, #tpu.memory_space<hbm>> -> memref<32x128xf32, #tpu.memory_space<hbm>>
        tpu.enqueue_dma source(%dma_start3A_1079 : memref<32x128xf32, #tpu.memory_space<hbm>>) target(%dma_start3A_1077 : memref<32x128xf32, #tpu.memory_space<vmem>>) target_semaphore(%arg9 : memref<!tpu.dma_semaphore, #tpu.memory_space<semaphore_mem>>)
        %add3A_1080 = arith.constant 1 : i32
        %add3A_1081 = arith.addi %mul3A_1034, %add3A_1080 : i32
        %get3A_1082 = arith.index_cast %add3A_1081 : i32 to index
        %get3A_1083 = memref.load %arg6[%get3A_1082] : memref<512xi32, #tpu.memory_space<smem>>
        %jit3A_1084 = arith.constant 128 : i32
        %div3A_1085 = arith.divsi %get3A_1083, %jit3A_1084 : i32
        %sign3A_1086 = arith.constant 0 : i32
        %sign3A_1087 = arith.cmpi sgt, %get3A_1083, %sign3A_1086 : i32
        %sign3A_1088 = arith.extui %sign3A_1087 : i1 to i32
        %sign3A_1089 = arith.constant 0 : i32
        %sign3A_1090 = arith.cmpi slt, %get3A_1083, %sign3A_1089 : i32
        %sign3A_1091 = arith.extui %sign3A_1090 : i1 to i32
        %sign3A_1092 = arith.subi %sign3A_1088, %sign3A_1091 : i32
        %sign3A_1093 = arith.constant 0 : i32
        %sign3A_1094 = arith.cmpi sgt, %jit3A_1084, %sign3A_1093 : i32
        %sign3A_1095 = arith.extui %sign3A_1094 : i1 to i32
        %sign3A_1096 = arith.constant 0 : i32
        %sign3A_1097 = arith.cmpi slt, %jit3A_1084, %sign3A_1096 : i32
        %sign3A_1098 = arith.extui %sign3A_1097 : i1 to i32
        %sign3A_1099 = arith.subi %sign3A_1095, %sign3A_1098 : i32
        %ne3A_1100 = arith.cmpi ne, %sign3A_1092, %sign3A_1099 : i32
        %rem3A_1101 = arith.remsi %get3A_1083, %jit3A_1084 : i32
        %ne3A_1102 = arith.constant 0 : i32
        %ne3A_1103 = arith.cmpi ne, %rem3A_1101, %ne3A_1102 : i32
        %and3A_1104 = arith.andi %ne3A_1100, %ne3A_1103 : i1
        %sub3A_1105 = arith.constant 1 : i32
        %sub3A_1106 = arith.subi %div3A_1085, %sub3A_1105 : i32
        %select_n3A_1107 = arith.select %and3A_1104, %sub3A_1106, %div3A_1085 : i32
        %mul3A_1108 = arith.constant 128 : i32
        %mul3A_1109 = arith.muli %select_n3A_1107, %mul3A_1108 : i32
        %multiple_of3A_1110 = tpu.assume_multiple %mul3A_1109, 128 : i32
        %dma_start3A_1111 = arith.constant 0 : i32
        %dma_start3A_1112 = arith.constant 1 : i32
        %dma_start3A_1113 = arith.constant 0 : i32
        %dma_start3A_1114 = arith.constant 0 : i32
        %dma_start3A_1115 = tpu.memref_slice %arg7[%dma_start3A_1111, %dma_start3A_1112, %dma_start3A_1113, %dma_start3A_1114] : memref<4x4x32x128xf32, #tpu.memory_space<vmem>> -> memref<1x1x32x128xf32, #tpu.memory_space<vmem>>
        %dma_start3A_1116 = tpu.memref_squeeze %dma_start3A_1115 : memref<1x1x32x128xf32, #tpu.memory_space<vmem>> -> memref<32x128xf32, #tpu.memory_space<vmem>>
        %dma_start3A_1117 = arith.constant 0 : i32
        %dma_start3A_1118 = tpu.memref_slice %arg2[%dma_start3A_1117, %multiple_of3A_1110] : memref<32x1000001xf32, #tpu.memory_space<hbm>> -> memref<32x128xf32, #tpu.memory_space<hbm>>
        %dma_start3A_1119 = arith.constant 0 : i32
        %dma_start3A_1120 = arith.constant 0 : i32
        %dma_start3A_1121 = tpu.memref_slice %arg7[%dma_start3A_1111, %dma_start3A_1112, %dma_start3A_1119, %dma_start3A_1120] : memref<4x4x32x128xf32, #tpu.memory_space<vmem>> -> memref<1x1x32x128xf32, #tpu.memory_space<vmem>>
        %dma_start3A_1122 = tpu.memref_squeeze %dma_start3A_1121 : memref<1x1x32x128xf32, #tpu.memory_space<vmem>> -> memref<32x128xf32, #tpu.memory_space<vmem>>
        %dma_start3A_1123 = arith.constant 0 : i32
        %dma_start3A_1124 = tpu.memref_slice %arg2[%dma_start3A_1123, %multiple_of3A_1110] : memref<32x1000001xf32, #tpu.memory_space<hbm>> -> memref<32x128xf32, #tpu.memory_space<hbm>>
        tpu.enqueue_dma source(%dma_start3A_1124 : memref<32x128xf32, #tpu.memory_space<hbm>>) target(%dma_start3A_1122 : memref<32x128xf32, #tpu.memory_space<vmem>>) target_semaphore(%arg9 : memref<!tpu.dma_semaphore, #tpu.memory_space<semaphore_mem>>)
        %add3A_1125 = arith.constant 2 : i32
        %add3A_1126 = arith.addi %mul3A_1034, %add3A_1125 : i32
        %get3A_1127 = arith.index_cast %add3A_1126 : i32 to index
        %get3A_1128 = memref.load %arg6[%get3A_1127] : memref<512xi32, #tpu.memory_space<smem>>
        %jit3A_1129 = arith.constant 128 : i32
        %div3A_1130 = arith.divsi %get3A_1128, %jit3A_1129 : i32
        %sign3A_1131 = arith.constant 0 : i32
        %sign3A_1132 = arith.cmpi sgt, %get3A_1128, %sign3A_1131 : i32
        %sign3A_1133 = arith.extui %sign3A_1132 : i1 to i32
        %sign3A_1134 = arith.constant 0 : i32
        %sign3A_1135 = arith.cmpi slt, %get3A_1128, %sign3A_1134 : i32
        %sign3A_1136 = arith.extui %sign3A_1135 : i1 to i32
        %sign3A_1137 = arith.subi %sign3A_1133, %sign3A_1136 : i32
        %sign3A_1138 = arith.constant 0 : i32
        %sign3A_1139 = arith.cmpi sgt, %jit3A_1129, %sign3A_1138 : i32
        %sign3A_1140 = arith.extui %sign3A_1139 : i1 to i32
        %sign3A_1141 = arith.constant 0 : i32
        %sign3A_1142 = arith.cmpi slt, %jit3A_1129, %sign3A_1141 : i32
        %sign3A_1143 = arith.extui %sign3A_1142 : i1 to i32
        %sign3A_1144 = arith.subi %sign3A_1140, %sign3A_1143 : i32
        %ne3A_1145 = arith.cmpi ne, %sign3A_1137, %sign3A_1144 : i32
        %rem3A_1146 = arith.remsi %get3A_1128, %jit3A_1129 : i32
        %ne3A_1147 = arith.constant 0 : i32
        %ne3A_1148 = arith.cmpi ne, %rem3A_1146, %ne3A_1147 : i32
        %and3A_1149 = arith.andi %ne3A_1145, %ne3A_1148 : i1
        %sub3A_1150 = arith.constant 1 : i32
        %sub3A_1151 = arith.subi %div3A_1130, %sub3A_1150 : i32
        %select_n3A_1152 = arith.select %and3A_1149, %sub3A_1151, %div3A_1130 : i32
        %mul3A_1153 = arith.constant 128 : i32
        %mul3A_1154 = arith.muli %select_n3A_1152, %mul3A_1153 : i32
        %multiple_of3A_1155 = tpu.assume_multiple %mul3A_1154, 128 : i32
        %dma_start3A_1156 = arith.constant 0 : i32
        %dma_start3A_1157 = arith.constant 2 : i32
        %dma_start3A_1158 = arith.constant 0 : i32
        %dma_start3A_1159 = arith.constant 0 : i32
        %dma_start3A_1160 = tpu.memref_slice %arg7[%dma_start3A_1156, %dma_start3A_1157, %dma_start3A_1158, %dma_start3A_1159] : memref<4x4x32x128xf32, #tpu.memory_space<vmem>> -> memref<1x1x32x128xf32, #tpu.memory_space<vmem>>
        %dma_start3A_1161 = tpu.memref_squeeze %dma_start3A_1160 : memref<1x1x32x128xf32, #tpu.memory_space<vmem>> -> memref<32x128xf32, #tpu.memory_space<vmem>>
        %dma_start3A_1162 = arith.constant 0 : i32
        %dma_start3A_1163 = tpu.memref_slice %arg2[%dma_start3A_1162, %multiple_of3A_1155] : memref<32x1000001xf32, #tpu.memory_space<hbm>> -> memref<32x128xf32, #tpu.memory_space<hbm>>
        %dma_start3A_1164 = arith.constant 0 : i32
        %dma_start3A_1165 = arith.constant 0 : i32
        %dma_start3A_1166 = tpu.memref_slice %arg7[%dma_start3A_1156, %dma_start3A_1157, %dma_start3A_1164, %dma_start3A_1165] : memref<4x4x32x128xf32, #tpu.memory_space<vmem>> -> memref<1x1x32x128xf32, #tpu.memory_space<vmem>>
        %dma_start3A_1167 = tpu.memref_squeeze %dma_start3A_1166 : memref<1x1x32x128xf32, #tpu.memory_space<vmem>> -> memref<32x128xf32, #tpu.memory_space<vmem>>
        %dma_start3A_1168 = arith.constant 0 : i32
        %dma_start3A_1169 = tpu.memref_slice %arg2[%dma_start3A_1168, %multiple_of3A_1155] : memref<32x1000001xf32, #tpu.memory_space<hbm>> -> memref<32x128xf32, #tpu.memory_space<hbm>>
        tpu.enqueue_dma source(%dma_start3A_1169 : memref<32x128xf32, #tpu.memory_space<hbm>>) target(%dma_start3A_1167 : memref<32x128xf32, #tpu.memory_space<vmem>>) target_semaphore(%arg9 : memref<!tpu.dma_semaphore, #tpu.memory_space<semaphore_mem>>)
        %add3A_1170 = arith.constant 3 : i32
        %add3A_1171 = arith.addi %mul3A_1034, %add3A_1170 : i32
        %get3A_1172 = arith.index_cast %add3A_1171 : i32 to index
        %get3A_1173 = memref.load %arg6[%get3A_1172] : memref<512xi32, #tpu.memory_space<smem>>
        %jit3A_1174 = arith.constant 128 : i32
        %div3A_1175 = arith.divsi %get3A_1173, %jit3A_1174 : i32
        %sign3A_1176 = arith.constant 0 : i32
        %sign3A_1177 = arith.cmpi sgt, %get3A_1173, %sign3A_1176 : i32
        %sign3A_1178 = arith.extui %sign3A_1177 : i1 to i32
        %sign3A_1179 = arith.constant 0 : i32
        %sign3A_1180 = arith.cmpi slt, %get3A_1173, %sign3A_1179 : i32
        %sign3A_1181 = arith.extui %sign3A_1180 : i1 to i32
        %sign3A_1182 = arith.subi %sign3A_1178, %sign3A_1181 : i32
        %sign3A_1183 = arith.constant 0 : i32
        %sign3A_1184 = arith.cmpi sgt, %jit3A_1174, %sign3A_1183 : i32
        %sign3A_1185 = arith.extui %sign3A_1184 : i1 to i32
        %sign3A_1186 = arith.constant 0 : i32
        %sign3A_1187 = arith.cmpi slt, %jit3A_1174, %sign3A_1186 : i32
        %sign3A_1188 = arith.extui %sign3A_1187 : i1 to i32
        %sign3A_1189 = arith.subi %sign3A_1185, %sign3A_1188 : i32
        %ne3A_1190 = arith.cmpi ne, %sign3A_1182, %sign3A_1189 : i32
        %rem3A_1191 = arith.remsi %get3A_1173, %jit3A_1174 : i32
        %ne3A_1192 = arith.constant 0 : i32
        %ne3A_1193 = arith.cmpi ne, %rem3A_1191, %ne3A_1192 : i32
        %and3A_1194 = arith.andi %ne3A_1190, %ne3A_1193 : i1
        %sub3A_1195 = arith.constant 1 : i32
        %sub3A_1196 = arith.subi %div3A_1175, %sub3A_1195 : i32
        %select_n3A_1197 = arith.select %and3A_1194, %sub3A_1196, %div3A_1175 : i32
        %mul3A_1198 = arith.constant 128 : i32
        %mul3A_1199 = arith.muli %select_n3A_1197, %mul3A_1198 : i32
        %multiple_of3A_1200 = tpu.assume_multiple %mul3A_1199, 128 : i32
        %dma_start3A_1201 = arith.constant 0 : i32
        %dma_start3A_1202 = arith.constant 3 : i32
        %dma_start3A_1203 = arith.constant 0 : i32
        %dma_start3A_1204 = arith.constant 0 : i32
        %dma_start3A_1205 = tpu.memref_slice %arg7[%dma_start3A_1201, %dma_start3A_1202, %dma_start3A_1203, %dma_start3A_1204] : memref<4x4x32x128xf32, #tpu.memory_space<vmem>> -> memref<1x1x32x128xf32, #tpu.memory_space<vmem>>
        %dma_start3A_1206 = tpu.memref_squeeze %dma_start3A_1205 : memref<1x1x32x128xf32, #tpu.memory_space<vmem>> -> memref<32x128xf32, #tpu.memory_space<vmem>>
        %dma_start3A_1207 = arith.constant 0 : i32
        %dma_start3A_1208 = tpu.memref_slice %arg2[%dma_start3A_1207, %multiple_of3A_1200] : memref<32x1000001xf32, #tpu.memory_space<hbm>> -> memref<32x128xf32, #tpu.memory_space<hbm>>
        %dma_start3A_1209 = arith.constant 0 : i32
        %dma_start3A_1210 = arith.constant 0 : i32
        %dma_start3A_1211 = tpu.memref_slice %arg7[%dma_start3A_1201, %dma_start3A_1202, %dma_start3A_1209, %dma_start3A_1210] : memref<4x4x32x128xf32, #tpu.memory_space<vmem>> -> memref<1x1x32x128xf32, #tpu.memory_space<vmem>>
        %dma_start3A_1212 = tpu.memref_squeeze %dma_start3A_1211 : memref<1x1x32x128xf32, #tpu.memory_space<vmem>> -> memref<32x128xf32, #tpu.memory_space<vmem>>
        %dma_start3A_1213 = arith.constant 0 : i32
        %dma_start3A_1214 = tpu.memref_slice %arg2[%dma_start3A_1213, %multiple_of3A_1200] : memref<32x1000001xf32, #tpu.memory_space<hbm>> -> memref<32x128xf32, #tpu.memory_space<hbm>>
        tpu.enqueue_dma source(%dma_start3A_1214 : memref<32x128xf32, #tpu.memory_space<hbm>>) target(%dma_start3A_1212 : memref<32x128xf32, #tpu.memory_space<vmem>>) target_semaphore(%arg9 : memref<!tpu.dma_semaphore, #tpu.memory_space<semaphore_mem>>)
      } else {
      }
      %dma_wait3A_662 = arith.constant 1 : i32
      %dma_wait3A_663 = arith.constant 0 : i32
      %dma_wait3A_664 = arith.constant 0 : i32
      %dma_wait3A_665 = arith.constant 0 : i32
      %dma_wait3A_666 = tpu.memref_slice %arg7[%dma_wait3A_662, %dma_wait3A_663, %dma_wait3A_664, %dma_wait3A_665] : memref<4x4x32x128xf32, #tpu.memory_space<vmem>> -> memref<1x4x32x128xf32, #tpu.memory_space<vmem>>
      %dma_wait3A_667 = tpu.memref_squeeze %dma_wait3A_666 : memref<1x4x32x128xf32, #tpu.memory_space<vmem>> -> memref<4x32x128xf32, #tpu.memory_space<vmem>>
      %dma_wait3A_668 = arith.constant 0 : i32
      %dma_wait3A_669 = arith.constant 0 : i32
      %dma_wait3A_670 = tpu.memref_slice %arg2[%dma_wait3A_668, %dma_wait3A_669] : memref<32x1000001xf32, #tpu.memory_space<hbm>> -> memref<32x512xf32, #tpu.memory_space<hbm>>
      %dma_wait3A_671 = arith.constant 0 : i32
      %dma_wait3A_672 = arith.constant 0 : i32
      %dma_wait3A_673 = arith.constant 0 : i32
      %dma_wait3A_674 = tpu.memref_slice %arg7[%dma_wait3A_662, %dma_wait3A_671, %dma_wait3A_672, %dma_wait3A_673] : memref<4x4x32x128xf32, #tpu.memory_space<vmem>> -> memref<1x4x32x128xf32, #tpu.memory_space<vmem>>
      %dma_wait3A_675 = tpu.memref_squeeze %dma_wait3A_674 : memref<1x4x32x128xf32, #tpu.memory_space<vmem>> -> memref<4x32x128xf32, #tpu.memory_space<vmem>>
      %dma_wait3A_676 = arith.constant 0 : i32
      %dma_wait3A_677 = arith.constant 0 : i32
      %dma_wait3A_678 = tpu.memref_slice %arg2[%dma_wait3A_676, %dma_wait3A_677] : memref<32x1000001xf32, #tpu.memory_space<hbm>> -> memref<32x512xf32, #tpu.memory_space<hbm>>
      tpu.wait_dma2 semaphore(%arg10 : memref<!tpu.dma_semaphore, #tpu.memory_space<semaphore_mem>>) src(%dma_wait3A_678 : memref<32x512xf32, #tpu.memory_space<hbm>>) dst(%dma_wait3A_675 : memref<4x32x128xf32, #tpu.memory_space<vmem>>)
      %mul3A_679 = arith.constant 4 : i32
      %mul3A_680 = arith.muli %add3A_652, %mul3A_679 : i32
      %add3A_681 = arith.constant 0 : i32
      %add3A_682 = arith.addi %mul3A_680, %add3A_681 : i32
      %get3A_683 = arith.index_cast %add3A_682 : i32 to index
      %get3A_684 = memref.load %arg6[%get3A_683] : memref<512xi32, #tpu.memory_space<smem>>
      %rem3A_685 = arith.constant 128 : i32
      %rem3A_686 = arith.remsi %get3A_684, %rem3A_685 : i32
      %broadcast_in_dim3A_687 = vector.broadcast %rem3A_686 : i32 to vector<16xi32>
      %add3A_688 = arith.constant 0 : i32
      %add3A_689 = arith.addi %mul3A_680, %add3A_688 : i32
      %broadcast_in_dim3A_690 = vector.broadcast %add3A_689 : i32 to vector<16xi32>
      %gather3A_691 = arith.constant 1 : i32
      %gather3A_692 = arith.constant 0 : i32
      %gather3A_693 = arith.constant 0 : i32
      %gather3A_694 = arith.constant 0 : i32
      %gather3A_695 = tpu.memref_slice %arg7[%gather3A_691, %gather3A_692, %gather3A_693, %gather3A_694] : memref<4x4x32x128xf32, #tpu.memory_space<vmem>> -> memref<1x1x32x128xf32, #tpu.memory_space<vmem>>
      %gather3A_696 = tpu.memref_squeeze %gather3A_695 : memref<1x1x32x128xf32, #tpu.memory_space<vmem>> -> memref<32x128xf32, #tpu.memory_space<vmem>>
      %gather3A_697 = tpu.vector_load_idx %gather3A_696[%iota3A, %broadcast_in_dim3A_687] : memref<32x128xf32, #tpu.memory_space<vmem>>[vector<16xi32>, vector<16xi32>], vector<16xf32>,
      %gather3A_698 = arith.constant 1 : i32
      %gather3A_699 = arith.constant 0 : i32
      %gather3A_700 = arith.constant 0 : i32
      %gather3A_701 = arith.constant 0 : i32
      %gather3A_702 = tpu.memref_slice %arg7[%gather3A_698, %gather3A_699, %gather3A_700, %gather3A_701] : memref<4x4x32x128xf32, #tpu.memory_space<vmem>> -> memref<1x1x32x128xf32, #tpu.memory_space<vmem>>
      %gather3A_703 = tpu.memref_squeeze %gather3A_702 : memref<1x1x32x128xf32, #tpu.memory_space<vmem>> -> memref<32x128xf32, #tpu.memory_space<vmem>>
      %gather3A_704 = tpu.vector_load_idx %gather3A_703[%add3A_5, %broadcast_in_dim3A_687] : memref<32x128xf32, #tpu.memory_space<vmem>>[vector<16xi32>, vector<16xi32>], vector<16xf32>,
      tpu.vector_store_idx %arg8[%iota3A, %broadcast_in_dim3A_690], %gather3A_697 : memref<32x512xf32, #tpu.memory_space<vmem>>[vector<16xi32>, vector<16xi32>], vector<16xf32>,
      tpu.vector_store_idx %arg8[%add3A_5, %broadcast_in_dim3A_690], %gather3A_704 : memref<32x512xf32, #tpu.memory_space<vmem>>[vector<16xi32>, vector<16xi32>], vector<16xf32>,
      %add3A_705 = arith.constant 1 : i32
      %add3A_706 = arith.addi %mul3A_680, %add3A_705 : i32
      %get3A_707 = arith.index_cast %add3A_706 : i32 to index
      %get3A_708 = memref.load %arg6[%get3A_707] : memref<512xi32, #tpu.memory_space<smem>>
      %rem3A_709 = arith.constant 128 : i32
      %rem3A_710 = arith.remsi %get3A_708, %rem3A_709 : i32
      %broadcast_in_dim3A_711 = vector.broadcast %rem3A_710 : i32 to vector<16xi32>
      %add3A_712 = arith.constant 1 : i32
      %add3A_713 = arith.addi %mul3A_680, %add3A_712 : i32
      %broadcast_in_dim3A_714 = vector.broadcast %add3A_713 : i32 to vector<16xi32>
      %gather3A_715 = arith.constant 1 : i32
      %gather3A_716 = arith.constant 1 : i32
      %gather3A_717 = arith.constant 0 : i32
      %gather3A_718 = arith.constant 0 : i32
      %gather3A_719 = tpu.memref_slice %arg7[%gather3A_715, %gather3A_716, %gather3A_717, %gather3A_718] : memref<4x4x32x128xf32, #tpu.memory_space<vmem>> -> memref<1x1x32x128xf32, #tpu.memory_space<vmem>>
      %gather3A_720 = tpu.memref_squeeze %gather3A_719 : memref<1x1x32x128xf32, #tpu.memory_space<vmem>> -> memref<32x128xf32, #tpu.memory_space<vmem>>
      %gather3A_721 = tpu.vector_load_idx %gather3A_720[%iota3A, %broadcast_in_dim3A_711] : memref<32x128xf32, #tpu.memory_space<vmem>>[vector<16xi32>, vector<16xi32>], vector<16xf32>,
      %gather3A_722 = arith.constant 1 : i32
      %gather3A_723 = arith.constant 1 : i32
      %gather3A_724 = arith.constant 0 : i32
      %gather3A_725 = arith.constant 0 : i32
      %gather3A_726 = tpu.memref_slice %arg7[%gather3A_722, %gather3A_723, %gather3A_724, %gather3A_725] : memref<4x4x32x128xf32, #tpu.memory_space<vmem>> -> memref<1x1x32x128xf32, #tpu.memory_space<vmem>>
      %gather3A_727 = tpu.memref_squeeze %gather3A_726 : memref<1x1x32x128xf32, #tpu.memory_space<vmem>> -> memref<32x128xf32, #tpu.memory_space<vmem>>
      %gather3A_728 = tpu.vector_load_idx %gather3A_727[%add3A_5, %broadcast_in_dim3A_711] : memref<32x128xf32, #tpu.memory_space<vmem>>[vector<16xi32>, vector<16xi32>], vector<16xf32>,
      tpu.vector_store_idx %arg8[%iota3A, %broadcast_in_dim3A_714], %gather3A_721 : memref<32x512xf32, #tpu.memory_space<vmem>>[vector<16xi32>, vector<16xi32>], vector<16xf32>,
      tpu.vector_store_idx %arg8[%add3A_5, %broadcast_in_dim3A_714], %gather3A_728 : memref<32x512xf32, #tpu.memory_space<vmem>>[vector<16xi32>, vector<16xi32>], vector<16xf32>,
      %add3A_729 = arith.constant 2 : i32
      %add3A_730 = arith.addi %mul3A_680, %add3A_729 : i32
      %get3A_731 = arith.index_cast %add3A_730 : i32 to index
      %get3A_732 = memref.load %arg6[%get3A_731] : memref<512xi32, #tpu.memory_space<smem>>
      %rem3A_733 = arith.constant 128 : i32
      %rem3A_734 = arith.remsi %get3A_732, %rem3A_733 : i32
      %broadcast_in_dim3A_735 = vector.broadcast %rem3A_734 : i32 to vector<16xi32>
      %add3A_736 = arith.constant 2 : i32
      %add3A_737 = arith.addi %mul3A_680, %add3A_736 : i32
      %broadcast_in_dim3A_738 = vector.broadcast %add3A_737 : i32 to vector<16xi32>
      %gather3A_739 = arith.constant 1 : i32
      %gather3A_740 = arith.constant 2 : i32
      %gather3A_741 = arith.constant 0 : i32
      %gather3A_742 = arith.constant 0 : i32
      %gather3A_743 = tpu.memref_slice %arg7[%gather3A_739, %gather3A_740, %gather3A_741, %gather3A_742] : memref<4x4x32x128xf32, #tpu.memory_space<vmem>> -> memref<1x1x32x128xf32, #tpu.memory_space<vmem>>
      %gather3A_744 = tpu.memref_squeeze %gather3A_743 : memref<1x1x32x128xf32, #tpu.memory_space<vmem>> -> memref<32x128xf32, #tpu.memory_space<vmem>>
      %gather3A_745 = tpu.vector_load_idx %gather3A_744[%iota3A, %broadcast_in_dim3A_735] : memref<32x128xf32, #tpu.memory_space<vmem>>[vector<16xi32>, vector<16xi32>], vector<16xf32>,
      %gather3A_746 = arith.constant 1 : i32
      %gather3A_747 = arith.constant 2 : i32
      %gather3A_748 = arith.constant 0 : i32
      %gather3A_749 = arith.constant 0 : i32
      %gather3A_750 = tpu.memref_slice %arg7[%gather3A_746, %gather3A_747, %gather3A_748, %gather3A_749] : memref<4x4x32x128xf32, #tpu.memory_space<vmem>> -> memref<1x1x32x128xf32, #tpu.memory_space<vmem>>
      %gather3A_751 = tpu.memref_squeeze %gather3A_750 : memref<1x1x32x128xf32, #tpu.memory_space<vmem>> -> memref<32x128xf32, #tpu.memory_space<vmem>>
      %gather3A_752 = tpu.vector_load_idx %gather3A_751[%add3A_5, %broadcast_in_dim3A_735] : memref<32x128xf32, #tpu.memory_space<vmem>>[vector<16xi32>, vector<16xi32>], vector<16xf32>,
      tpu.vector_store_idx %arg8[%iota3A, %broadcast_in_dim3A_738], %gather3A_745 : memref<32x512xf32, #tpu.memory_space<vmem>>[vector<16xi32>, vector<16xi32>], vector<16xf32>,
      tpu.vector_store_idx %arg8[%add3A_5, %broadcast_in_dim3A_738], %gather3A_752 : memref<32x512xf32, #tpu.memory_space<vmem>>[vector<16xi32>, vector<16xi32>], vector<16xf32>,
      %add3A_753 = arith.constant 3 : i32
      %add3A_754 = arith.addi %mul3A_680, %add3A_753 : i32
      %get3A_755 = arith.index_cast %add3A_754 : i32 to index
      %get3A_756 = memref.load %arg6[%get3A_755] : memref<512xi32, #tpu.memory_space<smem>>
      %rem3A_757 = arith.constant 128 : i32
      %rem3A_758 = arith.remsi %get3A_756, %rem3A_757 : i32
      %broadcast_in_dim3A_759 = vector.broadcast %rem3A_758 : i32 to vector<16xi32>
      %add3A_760 = arith.constant 3 : i32
      %add3A_761 = arith.addi %mul3A_680, %add3A_760 : i32
      %broadcast_in_dim3A_762 = vector.broadcast %add3A_761 : i32 to vector<16xi32>
      %gather3A_763 = arith.constant 1 : i32
      %gather3A_764 = arith.constant 3 : i32
      %gather3A_765 = arith.constant 0 : i32
      %gather3A_766 = arith.constant 0 : i32
      %gather3A_767 = tpu.memref_slice %arg7[%gather3A_763, %gather3A_764, %gather3A_765, %gather3A_766] : memref<4x4x32x128xf32, #tpu.memory_space<vmem>> -> memref<1x1x32x128xf32, #tpu.memory_space<vmem>>
      %gather3A_768 = tpu.memref_squeeze %gather3A_767 : memref<1x1x32x128xf32, #tpu.memory_space<vmem>> -> memref<32x128xf32, #tpu.memory_space<vmem>>
      %gather3A_769 = tpu.vector_load_idx %gather3A_768[%iota3A, %broadcast_in_dim3A_759] : memref<32x128xf32, #tpu.memory_space<vmem>>[vector<16xi32>, vector<16xi32>], vector<16xf32>,
      %gather3A_770 = arith.constant 1 : i32
      %gather3A_771 = arith.constant 3 : i32
      %gather3A_772 = arith.constant 0 : i32
      %gather3A_773 = arith.constant 0 : i32
      %gather3A_774 = tpu.memref_slice %arg7[%gather3A_770, %gather3A_771, %gather3A_772, %gather3A_773] : memref<4x4x32x128xf32, #tpu.memory_space<vmem>> -> memref<1x1x32x128xf32, #tpu.memory_space<vmem>>
      %gather3A_775 = tpu.memref_squeeze %gather3A_774 : memref<1x1x32x128xf32, #tpu.memory_space<vmem>> -> memref<32x128xf32, #tpu.memory_space<vmem>>
      %gather3A_776 = tpu.vector_load_idx %gather3A_775[%add3A_5, %broadcast_in_dim3A_759] : memref<32x128xf32, #tpu.memory_space<vmem>>[vector<16xi32>, vector<16xi32>], vector<16xf32>,
      tpu.vector_store_idx %arg8[%iota3A, %broadcast_in_dim3A_762], %gather3A_769 : memref<32x512xf32, #tpu.memory_space<vmem>>[vector<16xi32>, vector<16xi32>], vector<16xf32>,
      tpu.vector_store_idx %arg8[%add3A_5, %broadcast_in_dim3A_762], %gather3A_776 : memref<32x512xf32, #tpu.memory_space<vmem>>[vector<16xi32>, vector<16xi32>], vector<16xf32>,
      %add3A_777 = arith.constant 2 : i32
      %add3A_778 = arith.addi %mul3A_530, %add3A_777 : i32
      %add3A_779 = arith.constant 4 : i32
      %add3A_780 = arith.addi %add3A_778, %add3A_779 : i32
      %sub3A_781 = arith.constant 1 : i32
      %sub3A_782 = arith.subi %add3A_780, %sub3A_781 : i32
      %lt3A_783 = arith.constant 128 : i32
      %lt3A_784 = arith.cmpi slt, %sub3A_782, %lt3A_783 : i32
      %convert_element_type3A_785 = arith.extui %lt3A_784 : i1 to i32
      %cond3A_786 = arith.constant 0 : i32
      %cond3A_787 = arith.cmpi ne, %convert_element_type3A_785, %cond3A_786 : i32
      scf.if %cond3A_787 {
        %add3A_1029 = arith.constant 4 : i32
        %add3A_1030 = arith.addi %add3A_778, %add3A_1029 : i32
        %sub3A_1031 = arith.constant 1 : i32
        %sub3A_1032 = arith.subi %add3A_1030, %sub3A_1031 : i32
        %mul3A_1033 = arith.constant 4 : i32
        %mul3A_1034 = arith.muli %sub3A_1032, %mul3A_1033 : i32
        %add3A_1035 = arith.constant 0 : i32
        %add3A_1036 = arith.addi %mul3A_1034, %add3A_1035 : i32
        %get3A_1037 = arith.index_cast %add3A_1036 : i32 to index
        %get3A_1038 = memref.load %arg6[%get3A_1037] : memref<512xi32, #tpu.memory_space<smem>>
        %jit3A_1039 = arith.constant 128 : i32
        %div3A_1040 = arith.divsi %get3A_1038, %jit3A_1039 : i32
        %sign3A_1041 = arith.constant 0 : i32
        %sign3A_1042 = arith.cmpi sgt, %get3A_1038, %sign3A_1041 : i32
        %sign3A_1043 = arith.extui %sign3A_1042 : i1 to i32
        %sign3A_1044 = arith.constant 0 : i32
        %sign3A_1045 = arith.cmpi slt, %get3A_1038, %sign3A_1044 : i32
        %sign3A_1046 = arith.extui %sign3A_1045 : i1 to i32
        %sign3A_1047 = arith.subi %sign3A_1043, %sign3A_1046 : i32
        %sign3A_1048 = arith.constant 0 : i32
        %sign3A_1049 = arith.cmpi sgt, %jit3A_1039, %sign3A_1048 : i32
        %sign3A_1050 = arith.extui %sign3A_1049 : i1 to i32
        %sign3A_1051 = arith.constant 0 : i32
        %sign3A_1052 = arith.cmpi slt, %jit3A_1039, %sign3A_1051 : i32
        %sign3A_1053 = arith.extui %sign3A_1052 : i1 to i32
        %sign3A_1054 = arith.subi %sign3A_1050, %sign3A_1053 : i32
        %ne3A_1055 = arith.cmpi ne, %sign3A_1047, %sign3A_1054 : i32
        %rem3A_1056 = arith.remsi %get3A_1038, %jit3A_1039 : i32
        %ne3A_1057 = arith.constant 0 : i32
        %ne3A_1058 = arith.cmpi ne, %rem3A_1056, %ne3A_1057 : i32
        %and3A_1059 = arith.andi %ne3A_1055, %ne3A_1058 : i1
        %sub3A_1060 = arith.constant 1 : i32
        %sub3A_1061 = arith.subi %div3A_1040, %sub3A_1060 : i32
        %select_n3A_1062 = arith.select %and3A_1059, %sub3A_1061, %div3A_1040 : i32
        %mul3A_1063 = arith.constant 128 : i32
        %mul3A_1064 = arith.muli %select_n3A_1062, %mul3A_1063 : i32
        %multiple_of3A_1065 = tpu.assume_multiple %mul3A_1064, 128 : i32
        %dma_start3A_1066 = arith.constant 1 : i32
        %dma_start3A_1067 = arith.constant 0 : i32
        %dma_start3A_1068 = arith.constant 0 : i32
        %dma_start3A_1069 = arith.constant 0 : i32
        %dma_start3A_1070 = tpu.memref_slice %arg7[%dma_start3A_1066, %dma_start3A_1067, %dma_start3A_1068, %dma_start3A_1069] : memref<4x4x32x128xf32, #tpu.memory_space<vmem>> -> memref<1x1x32x128xf32, #tpu.memory_space<vmem>>
        %dma_start3A_1071 = tpu.memref_squeeze %dma_start3A_1070 : memref<1x1x32x128xf32, #tpu.memory_space<vmem>> -> memref<32x128xf32, #tpu.memory_space<vmem>>
        %dma_start3A_1072 = arith.constant 0 : i32
        %dma_start3A_1073 = tpu.memref_slice %arg2[%dma_start3A_1072, %multiple_of3A_1065] : memref<32x1000001xf32, #tpu.memory_space<hbm>> -> memref<32x128xf32, #tpu.memory_space<hbm>>
        %dma_start3A_1074 = arith.constant 0 : i32
        %dma_start3A_1075 = arith.constant 0 : i32
        %dma_start3A_1076 = tpu.memref_slice %arg7[%dma_start3A_1066, %dma_start3A_1067, %dma_start3A_1074, %dma_start3A_1075] : memref<4x4x32x128xf32, #tpu.memory_space<vmem>> -> memref<1x1x32x128xf32, #tpu.memory_space<vmem>>
        %dma_start3A_1077 = tpu.memref_squeeze %dma_start3A_1076 : memref<1x1x32x128xf32, #tpu.memory_space<vmem>> -> memref<32x128xf32, #tpu.memory_space<vmem>>
        %dma_start3A_1078 = arith.constant 0 : i32
        %dma_start3A_1079 = tpu.memref_slice %arg2[%dma_start3A_1078, %multiple_of3A_1065] : memref<32x1000001xf32, #tpu.memory_space<hbm>> -> memref<32x128xf32, #tpu.memory_space<hbm>>
        tpu.enqueue_dma source(%dma_start3A_1079 : memref<32x128xf32, #tpu.memory_space<hbm>>) target(%dma_start3A_1077 : memref<32x128xf32, #tpu.memory_space<vmem>>) target_semaphore(%arg10 : memref<!tpu.dma_semaphore, #tpu.memory_space<semaphore_mem>>)
        %add3A_1080 = arith.constant 1 : i32
        %add3A_1081 = arith.addi %mul3A_1034, %add3A_1080 : i32
        %get3A_1082 = arith.index_cast %add3A_1081 : i32 to index
        %get3A_1083 = memref.load %arg6[%get3A_1082] : memref<512xi32, #tpu.memory_space<smem>>
        %jit3A_1084 = arith.constant 128 : i32
        %div3A_1085 = arith.divsi %get3A_1083, %jit3A_1084 : i32
        %sign3A_1086 = arith.constant 0 : i32
        %sign3A_1087 = arith.cmpi sgt, %get3A_1083, %sign3A_1086 : i32
        %sign3A_1088 = arith.extui %sign3A_1087 : i1 to i32
        %sign3A_1089 = arith.constant 0 : i32
        %sign3A_1090 = arith.cmpi slt, %get3A_1083, %sign3A_1089 : i32
        %sign3A_1091 = arith.extui %sign3A_1090 : i1 to i32
        %sign3A_1092 = arith.subi %sign3A_1088, %sign3A_1091 : i32
        %sign3A_1093 = arith.constant 0 : i32
        %sign3A_1094 = arith.cmpi sgt, %jit3A_1084, %sign3A_1093 : i32
        %sign3A_1095 = arith.extui %sign3A_1094 : i1 to i32
        %sign3A_1096 = arith.constant 0 : i32
        %sign3A_1097 = arith.cmpi slt, %jit3A_1084, %sign3A_1096 : i32
        %sign3A_1098 = arith.extui %sign3A_1097 : i1 to i32
        %sign3A_1099 = arith.subi %sign3A_1095, %sign3A_1098 : i32
        %ne3A_1100 = arith.cmpi ne, %sign3A_1092, %sign3A_1099 : i32
        %rem3A_1101 = arith.remsi %get3A_1083, %jit3A_1084 : i32
        %ne3A_1102 = arith.constant 0 : i32
        %ne3A_1103 = arith.cmpi ne, %rem3A_1101, %ne3A_1102 : i32
        %and3A_1104 = arith.andi %ne3A_1100, %ne3A_1103 : i1
        %sub3A_1105 = arith.constant 1 : i32
        %sub3A_1106 = arith.subi %div3A_1085, %sub3A_1105 : i32
        %select_n3A_1107 = arith.select %and3A_1104, %sub3A_1106, %div3A_1085 : i32
        %mul3A_1108 = arith.constant 128 : i32
        %mul3A_1109 = arith.muli %select_n3A_1107, %mul3A_1108 : i32
        %multiple_of3A_1110 = tpu.assume_multiple %mul3A_1109, 128 : i32
        %dma_start3A_1111 = arith.constant 1 : i32
        %dma_start3A_1112 = arith.constant 1 : i32
        %dma_start3A_1113 = arith.constant 0 : i32
        %dma_start3A_1114 = arith.constant 0 : i32
        %dma_start3A_1115 = tpu.memref_slice %arg7[%dma_start3A_1111, %dma_start3A_1112, %dma_start3A_1113, %dma_start3A_1114] : memref<4x4x32x128xf32, #tpu.memory_space<vmem>> -> memref<1x1x32x128xf32, #tpu.memory_space<vmem>>
        %dma_start3A_1116 = tpu.memref_squeeze %dma_start3A_1115 : memref<1x1x32x128xf32, #tpu.memory_space<vmem>> -> memref<32x128xf32, #tpu.memory_space<vmem>>
        %dma_start3A_1117 = arith.constant 0 : i32
        %dma_start3A_1118 = tpu.memref_slice %arg2[%dma_start3A_1117, %multiple_of3A_1110] : memref<32x1000001xf32, #tpu.memory_space<hbm>> -> memref<32x128xf32, #tpu.memory_space<hbm>>
        %dma_start3A_1119 = arith.constant 0 : i32
        %dma_start3A_1120 = arith.constant 0 : i32
        %dma_start3A_1121 = tpu.memref_slice %arg7[%dma_start3A_1111, %dma_start3A_1112, %dma_start3A_1119, %dma_start3A_1120] : memref<4x4x32x128xf32, #tpu.memory_space<vmem>> -> memref<1x1x32x128xf32, #tpu.memory_space<vmem>>
        %dma_start3A_1122 = tpu.memref_squeeze %dma_start3A_1121 : memref<1x1x32x128xf32, #tpu.memory_space<vmem>> -> memref<32x128xf32, #tpu.memory_space<vmem>>
        %dma_start3A_1123 = arith.constant 0 : i32
        %dma_start3A_1124 = tpu.memref_slice %arg2[%dma_start3A_1123, %multiple_of3A_1110] : memref<32x1000001xf32, #tpu.memory_space<hbm>> -> memref<32x128xf32, #tpu.memory_space<hbm>>
        tpu.enqueue_dma source(%dma_start3A_1124 : memref<32x128xf32, #tpu.memory_space<hbm>>) target(%dma_start3A_1122 : memref<32x128xf32, #tpu.memory_space<vmem>>) target_semaphore(%arg10 : memref<!tpu.dma_semaphore, #tpu.memory_space<semaphore_mem>>)
        %add3A_1125 = arith.constant 2 : i32
        %add3A_1126 = arith.addi %mul3A_1034, %add3A_1125 : i32
        %get3A_1127 = arith.index_cast %add3A_1126 : i32 to index
        %get3A_1128 = memref.load %arg6[%get3A_1127] : memref<512xi32, #tpu.memory_space<smem>>
        %jit3A_1129 = arith.constant 128 : i32
        %div3A_1130 = arith.divsi %get3A_1128, %jit3A_1129 : i32
        %sign3A_1131 = arith.constant 0 : i32
        %sign3A_1132 = arith.cmpi sgt, %get3A_1128, %sign3A_1131 : i32
        %sign3A_1133 = arith.extui %sign3A_1132 : i1 to i32
        %sign3A_1134 = arith.constant 0 : i32
        %sign3A_1135 = arith.cmpi slt, %get3A_1128, %sign3A_1134 : i32
        %sign3A_1136 = arith.extui %sign3A_1135 : i1 to i32
        %sign3A_1137 = arith.subi %sign3A_1133, %sign3A_1136 : i32
        %sign3A_1138 = arith.constant 0 : i32
        %sign3A_1139 = arith.cmpi sgt, %jit3A_1129, %sign3A_1138 : i32
        %sign3A_1140 = arith.extui %sign3A_1139 : i1 to i32
        %sign3A_1141 = arith.constant 0 : i32
        %sign3A_1142 = arith.cmpi slt, %jit3A_1129, %sign3A_1141 : i32
        %sign3A_1143 = arith.extui %sign3A_1142 : i1 to i32
        %sign3A_1144 = arith.subi %sign3A_1140, %sign3A_1143 : i32
        %ne3A_1145 = arith.cmpi ne, %sign3A_1137, %sign3A_1144 : i32
        %rem3A_1146 = arith.remsi %get3A_1128, %jit3A_1129 : i32
        %ne3A_1147 = arith.constant 0 : i32
        %ne3A_1148 = arith.cmpi ne, %rem3A_1146, %ne3A_1147 : i32
        %and3A_1149 = arith.andi %ne3A_1145, %ne3A_1148 : i1
        %sub3A_1150 = arith.constant 1 : i32
        %sub3A_1151 = arith.subi %div3A_1130, %sub3A_1150 : i32
        %select_n3A_1152 = arith.select %and3A_1149, %sub3A_1151, %div3A_1130 : i32
        %mul3A_1153 = arith.constant 128 : i32
        %mul3A_1154 = arith.muli %select_n3A_1152, %mul3A_1153 : i32
        %multiple_of3A_1155 = tpu.assume_multiple %mul3A_1154, 128 : i32
        %dma_start3A_1156 = arith.constant 1 : i32
        %dma_start3A_1157 = arith.constant 2 : i32
        %dma_start3A_1158 = arith.constant 0 : i32
        %dma_start3A_1159 = arith.constant 0 : i32
        %dma_start3A_1160 = tpu.memref_slice %arg7[%dma_start3A_1156, %dma_start3A_1157, %dma_start3A_1158, %dma_start3A_1159] : memref<4x4x32x128xf32, #tpu.memory_space<vmem>> -> memref<1x1x32x128xf32, #tpu.memory_space<vmem>>
        %dma_start3A_1161 = tpu.memref_squeeze %dma_start3A_1160 : memref<1x1x32x128xf32, #tpu.memory_space<vmem>> -> memref<32x128xf32, #tpu.memory_space<vmem>>
        %dma_start3A_1162 = arith.constant 0 : i32
        %dma_start3A_1163 = tpu.memref_slice %arg2[%dma_start3A_1162, %multiple_of3A_1155] : memref<32x1000001xf32, #tpu.memory_space<hbm>> -> memref<32x128xf32, #tpu.memory_space<hbm>>
        %dma_start3A_1164 = arith.constant 0 : i32
        %dma_start3A_1165 = arith.constant 0 : i32
        %dma_start3A_1166 = tpu.memref_slice %arg7[%dma_start3A_1156, %dma_start3A_1157, %dma_start3A_1164, %dma_start3A_1165] : memref<4x4x32x128xf32, #tpu.memory_space<vmem>> -> memref<1x1x32x128xf32, #tpu.memory_space<vmem>>
        %dma_start3A_1167 = tpu.memref_squeeze %dma_start3A_1166 : memref<1x1x32x128xf32, #tpu.memory_space<vmem>> -> memref<32x128xf32, #tpu.memory_space<vmem>>
        %dma_start3A_1168 = arith.constant 0 : i32
        %dma_start3A_1169 = tpu.memref_slice %arg2[%dma_start3A_1168, %multiple_of3A_1155] : memref<32x1000001xf32, #tpu.memory_space<hbm>> -> memref<32x128xf32, #tpu.memory_space<hbm>>
        tpu.enqueue_dma source(%dma_start3A_1169 : memref<32x128xf32, #tpu.memory_space<hbm>>) target(%dma_start3A_1167 : memref<32x128xf32, #tpu.memory_space<vmem>>) target_semaphore(%arg10 : memref<!tpu.dma_semaphore, #tpu.memory_space<semaphore_mem>>)
        %add3A_1170 = arith.constant 3 : i32
        %add3A_1171 = arith.addi %mul3A_1034, %add3A_1170 : i32
        %get3A_1172 = arith.index_cast %add3A_1171 : i32 to index
        %get3A_1173 = memref.load %arg6[%get3A_1172] : memref<512xi32, #tpu.memory_space<smem>>
        %jit3A_1174 = arith.constant 128 : i32
        %div3A_1175 = arith.divsi %get3A_1173, %jit3A_1174 : i32
        %sign3A_1176 = arith.constant 0 : i32
        %sign3A_1177 = arith.cmpi sgt, %get3A_1173, %sign3A_1176 : i32
        %sign3A_1178 = arith.extui %sign3A_1177 : i1 to i32
        %sign3A_1179 = arith.constant 0 : i32
        %sign3A_1180 = arith.cmpi slt, %get3A_1173, %sign3A_1179 : i32
        %sign3A_1181 = arith.extui %sign3A_1180 : i1 to i32
        %sign3A_1182 = arith.subi %sign3A_1178, %sign3A_1181 : i32
        %sign3A_1183 = arith.constant 0 : i32
        %sign3A_1184 = arith.cmpi sgt, %jit3A_1174, %sign3A_1183 : i32
        %sign3A_1185 = arith.extui %sign3A_1184 : i1 to i32
        %sign3A_1186 = arith.constant 0 : i32
        %sign3A_1187 = arith.cmpi slt, %jit3A_1174, %sign3A_1186 : i32
        %sign3A_1188 = arith.extui %sign3A_1187 : i1 to i32
        %sign3A_1189 = arith.subi %sign3A_1185, %sign3A_1188 : i32
        %ne3A_1190 = arith.cmpi ne, %sign3A_1182, %sign3A_1189 : i32
        %rem3A_1191 = arith.remsi %get3A_1173, %jit3A_1174 : i32
        %ne3A_1192 = arith.constant 0 : i32
        %ne3A_1193 = arith.cmpi ne, %rem3A_1191, %ne3A_1192 : i32
        %and3A_1194 = arith.andi %ne3A_1190, %ne3A_1193 : i1
        %sub3A_1195 = arith.constant 1 : i32
        %sub3A_1196 = arith.subi %div3A_1175, %sub3A_1195 : i32
        %select_n3A_1197 = arith.select %and3A_1194, %sub3A_1196, %div3A_1175 : i32
        %mul3A_1198 = arith.constant 128 : i32
        %mul3A_1199 = arith.muli %select_n3A_1197, %mul3A_1198 : i32
        %multiple_of3A_1200 = tpu.assume_multiple %mul3A_1199, 128 : i32
        %dma_start3A_1201 = arith.constant 1 : i32
        %dma_start3A_1202 = arith.constant 3 : i32
        %dma_start3A_1203 = arith.constant 0 : i32
        %dma_start3A_1204 = arith.constant 0 : i32
        %dma_start3A_1205 = tpu.memref_slice %arg7[%dma_start3A_1201, %dma_start3A_1202, %dma_start3A_1203, %dma_start3A_1204] : memref<4x4x32x128xf32, #tpu.memory_space<vmem>> -> memref<1x1x32x128xf32, #tpu.memory_space<vmem>>
        %dma_start3A_1206 = tpu.memref_squeeze %dma_start3A_1205 : memref<1x1x32x128xf32, #tpu.memory_space<vmem>> -> memref<32x128xf32, #tpu.memory_space<vmem>>
        %dma_start3A_1207 = arith.constant 0 : i32
        %dma_start3A_1208 = tpu.memref_slice %arg2[%dma_start3A_1207, %multiple_of3A_1200] : memref<32x1000001xf32, #tpu.memory_space<hbm>> -> memref<32x128xf32, #tpu.memory_space<hbm>>
        %dma_start3A_1209 = arith.constant 0 : i32
        %dma_start3A_1210 = arith.constant 0 : i32
        %dma_start3A_1211 = tpu.memref_slice %arg7[%dma_start3A_1201, %dma_start3A_1202, %dma_start3A_1209, %dma_start3A_1210] : memref<4x4x32x128xf32, #tpu.memory_space<vmem>> -> memref<1x1x32x128xf32, #tpu.memory_space<vmem>>
        %dma_start3A_1212 = tpu.memref_squeeze %dma_start3A_1211 : memref<1x1x32x128xf32, #tpu.memory_space<vmem>> -> memref<32x128xf32, #tpu.memory_space<vmem>>
        %dma_start3A_1213 = arith.constant 0 : i32
        %dma_start3A_1214 = tpu.memref_slice %arg2[%dma_start3A_1213, %multiple_of3A_1200] : memref<32x1000001xf32, #tpu.memory_space<hbm>> -> memref<32x128xf32, #tpu.memory_space<hbm>>
        tpu.enqueue_dma source(%dma_start3A_1214 : memref<32x128xf32, #tpu.memory_space<hbm>>) target(%dma_start3A_1212 : memref<32x128xf32, #tpu.memory_space<vmem>>) target_semaphore(%arg10 : memref<!tpu.dma_semaphore, #tpu.memory_space<semaphore_mem>>)
      } else {
      }
      %dma_wait3A_788 = arith.constant 2 : i32
      %dma_wait3A_789 = arith.constant 0 : i32
      %dma_wait3A_790 = arith.constant 0 : i32
      %dma_wait3A_791 = arith.constant 0 : i32
      %dma_wait3A_792 = tpu.memref_slice %arg7[%dma_wait3A_788, %dma_wait3A_789, %dma_wait3A_790, %dma_wait3A_791] : memref<4x4x32x128xf32, #tpu.memory_space<vmem>> -> memref<1x4x32x128xf32, #tpu.memory_space<vmem>>
      %dma_wait3A_793 = tpu.memref_squeeze %dma_wait3A_792 : memref<1x4x32x128xf32, #tpu.memory_space<vmem>> -> memref<4x32x128xf32, #tpu.memory_space<vmem>>
      %dma_wait3A_794 = arith.constant 0 : i32
      %dma_wait3A_795 = arith.constant 0 : i32
      %dma_wait3A_796 = tpu.memref_slice %arg2[%dma_wait3A_794, %dma_wait3A_795] : memref<32x1000001xf32, #tpu.memory_space<hbm>> -> memref<32x512xf32, #tpu.memory_space<hbm>>
      %dma_wait3A_797 = arith.constant 0 : i32
      %dma_wait3A_798 = arith.constant 0 : i32
      %dma_wait3A_799 = arith.constant 0 : i32
      %dma_wait3A_800 = tpu.memref_slice %arg7[%dma_wait3A_788, %dma_wait3A_797, %dma_wait3A_798, %dma_wait3A_799] : memref<4x4x32x128xf32, #tpu.memory_space<vmem>> -> memref<1x4x32x128xf32, #tpu.memory_space<vmem>>
      %dma_wait3A_801 = tpu.memref_squeeze %dma_wait3A_800 : memref<1x4x32x128xf32, #tpu.memory_space<vmem>> -> memref<4x32x128xf32, #tpu.memory_space<vmem>>
      %dma_wait3A_802 = arith.constant 0 : i32
      %dma_wait3A_803 = arith.constant 0 : i32
      %dma_wait3A_804 = tpu.memref_slice %arg2[%dma_wait3A_802, %dma_wait3A_803] : memref<32x1000001xf32, #tpu.memory_space<hbm>> -> memref<32x512xf32, #tpu.memory_space<hbm>>
      tpu.wait_dma2 semaphore(%arg11 : memref<!tpu.dma_semaphore, #tpu.memory_space<semaphore_mem>>) src(%dma_wait3A_804 : memref<32x512xf32, #tpu.memory_space<hbm>>) dst(%dma_wait3A_801 : memref<4x32x128xf32, #tpu.memory_space<vmem>>)
      %mul3A_805 = arith.constant 4 : i32
      %mul3A_806 = arith.muli %add3A_778, %mul3A_805 : i32
      %add3A_807 = arith.constant 0 : i32
      %add3A_808 = arith.addi %mul3A_806, %add3A_807 : i32
      %get3A_809 = arith.index_cast %add3A_808 : i32 to index
      %get3A_810 = memref.load %arg6[%get3A_809] : memref<512xi32, #tpu.memory_space<smem>>
      %rem3A_811 = arith.constant 128 : i32
      %rem3A_812 = arith.remsi %get3A_810, %rem3A_811 : i32
      %broadcast_in_dim3A_813 = vector.broadcast %rem3A_812 : i32 to vector<16xi32>
      %add3A_814 = arith.constant 0 : i32
      %add3A_815 = arith.addi %mul3A_806, %add3A_814 : i32
      %broadcast_in_dim3A_816 = vector.broadcast %add3A_815 : i32 to vector<16xi32>
      %gather3A_817 = arith.constant 2 : i32
      %gather3A_818 = arith.constant 0 : i32
      %gather3A_819 = arith.constant 0 : i32
      %gather3A_820 = arith.constant 0 : i32
      %gather3A_821 = tpu.memref_slice %arg7[%gather3A_817, %gather3A_818, %gather3A_819, %gather3A_820] : memref<4x4x32x128xf32, #tpu.memory_space<vmem>> -> memref<1x1x32x128xf32, #tpu.memory_space<vmem>>
      %gather3A_822 = tpu.memref_squeeze %gather3A_821 : memref<1x1x32x128xf32, #tpu.memory_space<vmem>> -> memref<32x128xf32, #tpu.memory_space<vmem>>
      %gather3A_823 = tpu.vector_load_idx %gather3A_822[%iota3A, %broadcast_in_dim3A_813] : memref<32x128xf32, #tpu.memory_space<vmem>>[vector<16xi32>, vector<16xi32>], vector<16xf32>,
      %gather3A_824 = arith.constant 2 : i32
      %gather3A_825 = arith.constant 0 : i32
      %gather3A_826 = arith.constant 0 : i32
      %gather3A_827 = arith.constant 0 : i32
      %gather3A_828 = tpu.memref_slice %arg7[%gather3A_824, %gather3A_825, %gather3A_826, %gather3A_827] : memref<4x4x32x128xf32, #tpu.memory_space<vmem>> -> memref<1x1x32x128xf32, #tpu.memory_space<vmem>>
      %gather3A_829 = tpu.memref_squeeze %gather3A_828 : memref<1x1x32x128xf32, #tpu.memory_space<vmem>> -> memref<32x128xf32, #tpu.memory_space<vmem>>
      %gather3A_830 = tpu.vector_load_idx %gather3A_829[%add3A_5, %broadcast_in_dim3A_813] : memref<32x128xf32, #tpu.memory_space<vmem>>[vector<16xi32>, vector<16xi32>], vector<16xf32>,
      tpu.vector_store_idx %arg8[%iota3A, %broadcast_in_dim3A_816], %gather3A_823 : memref<32x512xf32, #tpu.memory_space<vmem>>[vector<16xi32>, vector<16xi32>], vector<16xf32>,
      tpu.vector_store_idx %arg8[%add3A_5, %broadcast_in_dim3A_816], %gather3A_830 : memref<32x512xf32, #tpu.memory_space<vmem>>[vector<16xi32>, vector<16xi32>], vector<16xf32>,
      %add3A_831 = arith.constant 1 : i32
      %add3A_832 = arith.addi %mul3A_806, %add3A_831 : i32
      %get3A_833 = arith.index_cast %add3A_832 : i32 to index
      %get3A_834 = memref.load %arg6[%get3A_833] : memref<512xi32, #tpu.memory_space<smem>>
      %rem3A_835 = arith.constant 128 : i32
      %rem3A_836 = arith.remsi %get3A_834, %rem3A_835 : i32
      %broadcast_in_dim3A_837 = vector.broadcast %rem3A_836 : i32 to vector<16xi32>
      %add3A_838 = arith.constant 1 : i32
      %add3A_839 = arith.addi %mul3A_806, %add3A_838 : i32
      %broadcast_in_dim3A_840 = vector.broadcast %add3A_839 : i32 to vector<16xi32>
      %gather3A_841 = arith.constant 2 : i32
      %gather3A_842 = arith.constant 1 : i32
      %gather3A_843 = arith.constant 0 : i32
      %gather3A_844 = arith.constant 0 : i32
      %gather3A_845 = tpu.memref_slice %arg7[%gather3A_841, %gather3A_842, %gather3A_843, %gather3A_844] : memref<4x4x32x128xf32, #tpu.memory_space<vmem>> -> memref<1x1x32x128xf32, #tpu.memory_space<vmem>>
      %gather3A_846 = tpu.memref_squeeze %gather3A_845 : memref<1x1x32x128xf32, #tpu.memory_space<vmem>> -> memref<32x128xf32, #tpu.memory_space<vmem>>
      %gather3A_847 = tpu.vector_load_idx %gather3A_846[%iota3A, %broadcast_in_dim3A_837] : memref<32x128xf32, #tpu.memory_space<vmem>>[vector<16xi32>, vector<16xi32>], vector<16xf32>,
      %gather3A_848 = arith.constant 2 : i32
      %gather3A_849 = arith.constant 1 : i32
      %gather3A_850 = arith.constant 0 : i32
      %gather3A_851 = arith.constant 0 : i32
      %gather3A_852 = tpu.memref_slice %arg7[%gather3A_848, %gather3A_849, %gather3A_850, %gather3A_851] : memref<4x4x32x128xf32, #tpu.memory_space<vmem>> -> memref<1x1x32x128xf32, #tpu.memory_space<vmem>>
      %gather3A_853 = tpu.memref_squeeze %gather3A_852 : memref<1x1x32x128xf32, #tpu.memory_space<vmem>> -> memref<32x128xf32, #tpu.memory_space<vmem>>
      %gather3A_854 = tpu.vector_load_idx %gather3A_853[%add3A_5, %broadcast_in_dim3A_837] : memref<32x128xf32, #tpu.memory_space<vmem>>[vector<16xi32>, vector<16xi32>], vector<16xf32>,
      tpu.vector_store_idx %arg8[%iota3A, %broadcast_in_dim3A_840], %gather3A_847 : memref<32x512xf32, #tpu.memory_space<vmem>>[vector<16xi32>, vector<16xi32>], vector<16xf32>,
      tpu.vector_store_idx %arg8[%add3A_5, %broadcast_in_dim3A_840], %gather3A_854 : memref<32x512xf32, #tpu.memory_space<vmem>>[vector<16xi32>, vector<16xi32>], vector<16xf32>,
      %add3A_855 = arith.constant 2 : i32
      %add3A_856 = arith.addi %mul3A_806, %add3A_855 : i32
      %get3A_857 = arith.index_cast %add3A_856 : i32 to index
      %get3A_858 = memref.load %arg6[%get3A_857] : memref<512xi32, #tpu.memory_space<smem>>
      %rem3A_859 = arith.constant 128 : i32
      %rem3A_860 = arith.remsi %get3A_858, %rem3A_859 : i32
      %broadcast_in_dim3A_861 = vector.broadcast %rem3A_860 : i32 to vector<16xi32>
      %add3A_862 = arith.constant 2 : i32
      %add3A_863 = arith.addi %mul3A_806, %add3A_862 : i32
      %broadcast_in_dim3A_864 = vector.broadcast %add3A_863 : i32 to vector<16xi32>
      %gather3A_865 = arith.constant 2 : i32
      %gather3A_866 = arith.constant 2 : i32
      %gather3A_867 = arith.constant 0 : i32
      %gather3A_868 = arith.constant 0 : i32
      %gather3A_869 = tpu.memref_slice %arg7[%gather3A_865, %gather3A_866, %gather3A_867, %gather3A_868] : memref<4x4x32x128xf32, #tpu.memory_space<vmem>> -> memref<1x1x32x128xf32, #tpu.memory_space<vmem>>
      %gather3A_870 = tpu.memref_squeeze %gather3A_869 : memref<1x1x32x128xf32, #tpu.memory_space<vmem>> -> memref<32x128xf32, #tpu.memory_space<vmem>>
      %gather3A_871 = tpu.vector_load_idx %gather3A_870[%iota3A, %broadcast_in_dim3A_861] : memref<32x128xf32, #tpu.memory_space<vmem>>[vector<16xi32>, vector<16xi32>], vector<16xf32>,
      %gather3A_872 = arith.constant 2 : i32
      %gather3A_873 = arith.constant 2 : i32
      %gather3A_874 = arith.constant 0 : i32
      %gather3A_875 = arith.constant 0 : i32
      %gather3A_876 = tpu.memref_slice %arg7[%gather3A_872, %gather3A_873, %gather3A_874, %gather3A_875] : memref<4x4x32x128xf32, #tpu.memory_space<vmem>> -> memref<1x1x32x128xf32, #tpu.memory_space<vmem>>
      %gather3A_877 = tpu.memref_squeeze %gather3A_876 : memref<1x1x32x128xf32, #tpu.memory_space<vmem>> -> memref<32x128xf32, #tpu.memory_space<vmem>>
      %gather3A_878 = tpu.vector_load_idx %gather3A_877[%add3A_5, %broadcast_in_dim3A_861] : memref<32x128xf32, #tpu.memory_space<vmem>>[vector<16xi32>, vector<16xi32>], vector<16xf32>,
      tpu.vector_store_idx %arg8[%iota3A, %broadcast_in_dim3A_864], %gather3A_871 : memref<32x512xf32, #tpu.memory_space<vmem>>[vector<16xi32>, vector<16xi32>], vector<16xf32>,
      tpu.vector_store_idx %arg8[%add3A_5, %broadcast_in_dim3A_864], %gather3A_878 : memref<32x512xf32, #tpu.memory_space<vmem>>[vector<16xi32>, vector<16xi32>], vector<16xf32>,
      %add3A_879 = arith.constant 3 : i32
      %add3A_880 = arith.addi %mul3A_806, %add3A_879 : i32
      %get3A_881 = arith.index_cast %add3A_880 : i32 to index
      %get3A_882 = memref.load %arg6[%get3A_881] : memref<512xi32, #tpu.memory_space<smem>>
      %rem3A_883 = arith.constant 128 : i32
      %rem3A_884 = arith.remsi %get3A_882, %rem3A_883 : i32
      %broadcast_in_dim3A_885 = vector.broadcast %rem3A_884 : i32 to vector<16xi32>
      %add3A_886 = arith.constant 3 : i32
      %add3A_887 = arith.addi %mul3A_806, %add3A_886 : i32
      %broadcast_in_dim3A_888 = vector.broadcast %add3A_887 : i32 to vector<16xi32>
      %gather3A_889 = arith.constant 2 : i32
      %gather3A_890 = arith.constant 3 : i32
      %gather3A_891 = arith.constant 0 : i32
      %gather3A_892 = arith.constant 0 : i32
      %gather3A_893 = tpu.memref_slice %arg7[%gather3A_889, %gather3A_890, %gather3A_891, %gather3A_892] : memref<4x4x32x128xf32, #tpu.memory_space<vmem>> -> memref<1x1x32x128xf32, #tpu.memory_space<vmem>>
      %gather3A_894 = tpu.memref_squeeze %gather3A_893 : memref<1x1x32x128xf32, #tpu.memory_space<vmem>> -> memref<32x128xf32, #tpu.memory_space<vmem>>
      %gather3A_895 = tpu.vector_load_idx %gather3A_894[%iota3A, %broadcast_in_dim3A_885] : memref<32x128xf32, #tpu.memory_space<vmem>>[vector<16xi32>, vector<16xi32>], vector<16xf32>,
      %gather3A_896 = arith.constant 2 : i32
      %gather3A_897 = arith.constant 3 : i32
      %gather3A_898 = arith.constant 0 : i32
      %gather3A_899 = arith.constant 0 : i32
      %gather3A_900 = tpu.memref_slice %arg7[%gather3A_896, %gather3A_897, %gather3A_898, %gather3A_899] : memref<4x4x32x128xf32, #tpu.memory_space<vmem>> -> memref<1x1x32x128xf32, #tpu.memory_space<vmem>>
      %gather3A_901 = tpu.memref_squeeze %gather3A_900 : memref<1x1x32x128xf32, #tpu.memory_space<vmem>> -> memref<32x128xf32, #tpu.memory_space<vmem>>
      %gather3A_902 = tpu.vector_load_idx %gather3A_901[%add3A_5, %broadcast_in_dim3A_885] : memref<32x128xf32, #tpu.memory_space<vmem>>[vector<16xi32>, vector<16xi32>], vector<16xf32>,
      tpu.vector_store_idx %arg8[%iota3A, %broadcast_in_dim3A_888], %gather3A_895 : memref<32x512xf32, #tpu.memory_space<vmem>>[vector<16xi32>, vector<16xi32>], vector<16xf32>,
      tpu.vector_store_idx %arg8[%add3A_5, %broadcast_in_dim3A_888], %gather3A_902 : memref<32x512xf32, #tpu.memory_space<vmem>>[vector<16xi32>, vector<16xi32>], vector<16xf32>,
      %add3A_903 = arith.constant 3 : i32
      %add3A_904 = arith.addi %mul3A_530, %add3A_903 : i32
      %add3A_905 = arith.constant 4 : i32
      %add3A_906 = arith.addi %add3A_904, %add3A_905 : i32
      %sub3A_907 = arith.constant 1 : i32
      %sub3A_908 = arith.subi %add3A_906, %sub3A_907 : i32
      %lt3A_909 = arith.constant 128 : i32
      %lt3A_910 = arith.cmpi slt, %sub3A_908, %lt3A_909 : i32
      %convert_element_type3A_911 = arith.extui %lt3A_910 : i1 to i32
      %cond3A_912 = arith.constant 0 : i32
      %cond3A_913 = arith.cmpi ne, %convert_element_type3A_911, %cond3A_912 : i32
      scf.if %cond3A_913 {
        %add3A_1029 = arith.constant 4 : i32
        %add3A_1030 = arith.addi %add3A_904, %add3A_1029 : i32
        %sub3A_1031 = arith.constant 1 : i32
        %sub3A_1032 = arith.subi %add3A_1030, %sub3A_1031 : i32
        %mul3A_1033 = arith.constant 4 : i32
        %mul3A_1034 = arith.muli %sub3A_1032, %mul3A_1033 : i32
        %add3A_1035 = arith.constant 0 : i32
        %add3A_1036 = arith.addi %mul3A_1034, %add3A_1035 : i32
        %get3A_1037 = arith.index_cast %add3A_1036 : i32 to index
        %get3A_1038 = memref.load %arg6[%get3A_1037] : memref<512xi32, #tpu.memory_space<smem>>
        %jit3A_1039 = arith.constant 128 : i32
        %div3A_1040 = arith.divsi %get3A_1038, %jit3A_1039 : i32
        %sign3A_1041 = arith.constant 0 : i32
        %sign3A_1042 = arith.cmpi sgt, %get3A_1038, %sign3A_1041 : i32
        %sign3A_1043 = arith.extui %sign3A_1042 : i1 to i32
        %sign3A_1044 = arith.constant 0 : i32
        %sign3A_1045 = arith.cmpi slt, %get3A_1038, %sign3A_1044 : i32
        %sign3A_1046 = arith.extui %sign3A_1045 : i1 to i32
        %sign3A_1047 = arith.subi %sign3A_1043, %sign3A_1046 : i32
        %sign3A_1048 = arith.constant 0 : i32
        %sign3A_1049 = arith.cmpi sgt, %jit3A_1039, %sign3A_1048 : i32
        %sign3A_1050 = arith.extui %sign3A_1049 : i1 to i32
        %sign3A_1051 = arith.constant 0 : i32
        %sign3A_1052 = arith.cmpi slt, %jit3A_1039, %sign3A_1051 : i32
        %sign3A_1053 = arith.extui %sign3A_1052 : i1 to i32
        %sign3A_1054 = arith.subi %sign3A_1050, %sign3A_1053 : i32
        %ne3A_1055 = arith.cmpi ne, %sign3A_1047, %sign3A_1054 : i32
        %rem3A_1056 = arith.remsi %get3A_1038, %jit3A_1039 : i32
        %ne3A_1057 = arith.constant 0 : i32
        %ne3A_1058 = arith.cmpi ne, %rem3A_1056, %ne3A_1057 : i32
        %and3A_1059 = arith.andi %ne3A_1055, %ne3A_1058 : i1
        %sub3A_1060 = arith.constant 1 : i32
        %sub3A_1061 = arith.subi %div3A_1040, %sub3A_1060 : i32
        %select_n3A_1062 = arith.select %and3A_1059, %sub3A_1061, %div3A_1040 : i32
        %mul3A_1063 = arith.constant 128 : i32
        %mul3A_1064 = arith.muli %select_n3A_1062, %mul3A_1063 : i32
        %multiple_of3A_1065 = tpu.assume_multiple %mul3A_1064, 128 : i32
        %dma_start3A_1066 = arith.constant 2 : i32
        %dma_start3A_1067 = arith.constant 0 : i32
        %dma_start3A_1068 = arith.constant 0 : i32
        %dma_start3A_1069 = arith.constant 0 : i32
        %dma_start3A_1070 = tpu.memref_slice %arg7[%dma_start3A_1066, %dma_start3A_1067, %dma_start3A_1068, %dma_start3A_1069] : memref<4x4x32x128xf32, #tpu.memory_space<vmem>> -> memref<1x1x32x128xf32, #tpu.memory_space<vmem>>
        %dma_start3A_1071 = tpu.memref_squeeze %dma_start3A_1070 : memref<1x1x32x128xf32, #tpu.memory_space<vmem>> -> memref<32x128xf32, #tpu.memory_space<vmem>>
        %dma_start3A_1072 = arith.constant 0 : i32
        %dma_start3A_1073 = tpu.memref_slice %arg2[%dma_start3A_1072, %multiple_of3A_1065] : memref<32x1000001xf32, #tpu.memory_space<hbm>> -> memref<32x128xf32, #tpu.memory_space<hbm>>
        %dma_start3A_1074 = arith.constant 0 : i32
        %dma_start3A_1075 = arith.constant 0 : i32
        %dma_start3A_1076 = tpu.memref_slice %arg7[%dma_start3A_1066, %dma_start3A_1067, %dma_start3A_1074, %dma_start3A_1075] : memref<4x4x32x128xf32, #tpu.memory_space<vmem>> -> memref<1x1x32x128xf32, #tpu.memory_space<vmem>>
        %dma_start3A_1077 = tpu.memref_squeeze %dma_start3A_1076 : memref<1x1x32x128xf32, #tpu.memory_space<vmem>> -> memref<32x128xf32, #tpu.memory_space<vmem>>
        %dma_start3A_1078 = arith.constant 0 : i32
        %dma_start3A_1079 = tpu.memref_slice %arg2[%dma_start3A_1078, %multiple_of3A_1065] : memref<32x1000001xf32, #tpu.memory_space<hbm>> -> memref<32x128xf32, #tpu.memory_space<hbm>>
        tpu.enqueue_dma source(%dma_start3A_1079 : memref<32x128xf32, #tpu.memory_space<hbm>>) target(%dma_start3A_1077 : memref<32x128xf32, #tpu.memory_space<vmem>>) target_semaphore(%arg11 : memref<!tpu.dma_semaphore, #tpu.memory_space<semaphore_mem>>)
        %add3A_1080 = arith.constant 1 : i32
        %add3A_1081 = arith.addi %mul3A_1034, %add3A_1080 : i32
        %get3A_1082 = arith.index_cast %add3A_1081 : i32 to index
        %get3A_1083 = memref.load %arg6[%get3A_1082] : memref<512xi32, #tpu.memory_space<smem>>
        %jit3A_1084 = arith.constant 128 : i32
        %div3A_1085 = arith.divsi %get3A_1083, %jit3A_1084 : i32
        %sign3A_1086 = arith.constant 0 : i32
        %sign3A_1087 = arith.cmpi sgt, %get3A_1083, %sign3A_1086 : i32
        %sign3A_1088 = arith.extui %sign3A_1087 : i1 to i32
        %sign3A_1089 = arith.constant 0 : i32
        %sign3A_1090 = arith.cmpi slt, %get3A_1083, %sign3A_1089 : i32
        %sign3A_1091 = arith.extui %sign3A_1090 : i1 to i32
        %sign3A_1092 = arith.subi %sign3A_1088, %sign3A_1091 : i32
        %sign3A_1093 = arith.constant 0 : i32
        %sign3A_1094 = arith.cmpi sgt, %jit3A_1084, %sign3A_1093 : i32
        %sign3A_1095 = arith.extui %sign3A_1094 : i1 to i32
        %sign3A_1096 = arith.constant 0 : i32
        %sign3A_1097 = arith.cmpi slt, %jit3A_1084, %sign3A_1096 : i32
        %sign3A_1098 = arith.extui %sign3A_1097 : i1 to i32
        %sign3A_1099 = arith.subi %sign3A_1095, %sign3A_1098 : i32
        %ne3A_1100 = arith.cmpi ne, %sign3A_1092, %sign3A_1099 : i32
        %rem3A_1101 = arith.remsi %get3A_1083, %jit3A_1084 : i32
        %ne3A_1102 = arith.constant 0 : i32
        %ne3A_1103 = arith.cmpi ne, %rem3A_1101, %ne3A_1102 : i32
        %and3A_1104 = arith.andi %ne3A_1100, %ne3A_1103 : i1
        %sub3A_1105 = arith.constant 1 : i32
        %sub3A_1106 = arith.subi %div3A_1085, %sub3A_1105 : i32
        %select_n3A_1107 = arith.select %and3A_1104, %sub3A_1106, %div3A_1085 : i32
        %mul3A_1108 = arith.constant 128 : i32
        %mul3A_1109 = arith.muli %select_n3A_1107, %mul3A_1108 : i32
        %multiple_of3A_1110 = tpu.assume_multiple %mul3A_1109, 128 : i32
        %dma_start3A_1111 = arith.constant 2 : i32
        %dma_start3A_1112 = arith.constant 1 : i32
        %dma_start3A_1113 = arith.constant 0 : i32
        %dma_start3A_1114 = arith.constant 0 : i32
        %dma_start3A_1115 = tpu.memref_slice %arg7[%dma_start3A_1111, %dma_start3A_1112, %dma_start3A_1113, %dma_start3A_1114] : memref<4x4x32x128xf32, #tpu.memory_space<vmem>> -> memref<1x1x32x128xf32, #tpu.memory_space<vmem>>
        %dma_start3A_1116 = tpu.memref_squeeze %dma_start3A_1115 : memref<1x1x32x128xf32, #tpu.memory_space<vmem>> -> memref<32x128xf32, #tpu.memory_space<vmem>>
        %dma_start3A_1117 = arith.constant 0 : i32
        %dma_start3A_1118 = tpu.memref_slice %arg2[%dma_start3A_1117, %multiple_of3A_1110] : memref<32x1000001xf32, #tpu.memory_space<hbm>> -> memref<32x128xf32, #tpu.memory_space<hbm>>
        %dma_start3A_1119 = arith.constant 0 : i32
        %dma_start3A_1120 = arith.constant 0 : i32
        %dma_start3A_1121 = tpu.memref_slice %arg7[%dma_start3A_1111, %dma_start3A_1112, %dma_start3A_1119, %dma_start3A_1120] : memref<4x4x32x128xf32, #tpu.memory_space<vmem>> -> memref<1x1x32x128xf32, #tpu.memory_space<vmem>>
        %dma_start3A_1122 = tpu.memref_squeeze %dma_start3A_1121 : memref<1x1x32x128xf32, #tpu.memory_space<vmem>> -> memref<32x128xf32, #tpu.memory_space<vmem>>
        %dma_start3A_1123 = arith.constant 0 : i32
        %dma_start3A_1124 = tpu.memref_slice %arg2[%dma_start3A_1123, %multiple_of3A_1110] : memref<32x1000001xf32, #tpu.memory_space<hbm>> -> memref<32x128xf32, #tpu.memory_space<hbm>>
        tpu.enqueue_dma source(%dma_start3A_1124 : memref<32x128xf32, #tpu.memory_space<hbm>>) target(%dma_start3A_1122 : memref<32x128xf32, #tpu.memory_space<vmem>>) target_semaphore(%arg11 : memref<!tpu.dma_semaphore, #tpu.memory_space<semaphore_mem>>)
        %add3A_1125 = arith.constant 2 : i32
        %add3A_1126 = arith.addi %mul3A_1034, %add3A_1125 : i32
        %get3A_1127 = arith.index_cast %add3A_1126 : i32 to index
        %get3A_1128 = memref.load %arg6[%get3A_1127] : memref<512xi32, #tpu.memory_space<smem>>
        %jit3A_1129 = arith.constant 128 : i32
        %div3A_1130 = arith.divsi %get3A_1128, %jit3A_1129 : i32
        %sign3A_1131 = arith.constant 0 : i32
        %sign3A_1132 = arith.cmpi sgt, %get3A_1128, %sign3A_1131 : i32
        %sign3A_1133 = arith.extui %sign3A_1132 : i1 to i32
        %sign3A_1134 = arith.constant 0 : i32
        %sign3A_1135 = arith.cmpi slt, %get3A_1128, %sign3A_1134 : i32
        %sign3A_1136 = arith.extui %sign3A_1135 : i1 to i32
        %sign3A_1137 = arith.subi %sign3A_1133, %sign3A_1136 : i32
        %sign3A_1138 = arith.constant 0 : i32
        %sign3A_1139 = arith.cmpi sgt, %jit3A_1129, %sign3A_1138 : i32
        %sign3A_1140 = arith.extui %sign3A_1139 : i1 to i32
        %sign3A_1141 = arith.constant 0 : i32
        %sign3A_1142 = arith.cmpi slt, %jit3A_1129, %sign3A_1141 : i32
        %sign3A_1143 = arith.extui %sign3A_1142 : i1 to i32
        %sign3A_1144 = arith.subi %sign3A_1140, %sign3A_1143 : i32
        %ne3A_1145 = arith.cmpi ne, %sign3A_1137, %sign3A_1144 : i32
        %rem3A_1146 = arith.remsi %get3A_1128, %jit3A_1129 : i32
        %ne3A_1147 = arith.constant 0 : i32
        %ne3A_1148 = arith.cmpi ne, %rem3A_1146, %ne3A_1147 : i32
        %and3A_1149 = arith.andi %ne3A_1145, %ne3A_1148 : i1
        %sub3A_1150 = arith.constant 1 : i32
        %sub3A_1151 = arith.subi %div3A_1130, %sub3A_1150 : i32
        %select_n3A_1152 = arith.select %and3A_1149, %sub3A_1151, %div3A_1130 : i32
        %mul3A_1153 = arith.constant 128 : i32
        %mul3A_1154 = arith.muli %select_n3A_1152, %mul3A_1153 : i32
        %multiple_of3A_1155 = tpu.assume_multiple %mul3A_1154, 128 : i32
        %dma_start3A_1156 = arith.constant 2 : i32
        %dma_start3A_1157 = arith.constant 2 : i32
        %dma_start3A_1158 = arith.constant 0 : i32
        %dma_start3A_1159 = arith.constant 0 : i32
        %dma_start3A_1160 = tpu.memref_slice %arg7[%dma_start3A_1156, %dma_start3A_1157, %dma_start3A_1158, %dma_start3A_1159] : memref<4x4x32x128xf32, #tpu.memory_space<vmem>> -> memref<1x1x32x128xf32, #tpu.memory_space<vmem>>
        %dma_start3A_1161 = tpu.memref_squeeze %dma_start3A_1160 : memref<1x1x32x128xf32, #tpu.memory_space<vmem>> -> memref<32x128xf32, #tpu.memory_space<vmem>>
        %dma_start3A_1162 = arith.constant 0 : i32
        %dma_start3A_1163 = tpu.memref_slice %arg2[%dma_start3A_1162, %multiple_of3A_1155] : memref<32x1000001xf32, #tpu.memory_space<hbm>> -> memref<32x128xf32, #tpu.memory_space<hbm>>
        %dma_start3A_1164 = arith.constant 0 : i32
        %dma_start3A_1165 = arith.constant 0 : i32
        %dma_start3A_1166 = tpu.memref_slice %arg7[%dma_start3A_1156, %dma_start3A_1157, %dma_start3A_1164, %dma_start3A_1165] : memref<4x4x32x128xf32, #tpu.memory_space<vmem>> -> memref<1x1x32x128xf32, #tpu.memory_space<vmem>>
        %dma_start3A_1167 = tpu.memref_squeeze %dma_start3A_1166 : memref<1x1x32x128xf32, #tpu.memory_space<vmem>> -> memref<32x128xf32, #tpu.memory_space<vmem>>
        %dma_start3A_1168 = arith.constant 0 : i32
        %dma_start3A_1169 = tpu.memref_slice %arg2[%dma_start3A_1168, %multiple_of3A_1155] : memref<32x1000001xf32, #tpu.memory_space<hbm>> -> memref<32x128xf32, #tpu.memory_space<hbm>>
        tpu.enqueue_dma source(%dma_start3A_1169 : memref<32x128xf32, #tpu.memory_space<hbm>>) target(%dma_start3A_1167 : memref<32x128xf32, #tpu.memory_space<vmem>>) target_semaphore(%arg11 : memref<!tpu.dma_semaphore, #tpu.memory_space<semaphore_mem>>)
        %add3A_1170 = arith.constant 3 : i32
        %add3A_1171 = arith.addi %mul3A_1034, %add3A_1170 : i32
        %get3A_1172 = arith.index_cast %add3A_1171 : i32 to index
        %get3A_1173 = memref.load %arg6[%get3A_1172] : memref<512xi32, #tpu.memory_space<smem>>
        %jit3A_1174 = arith.constant 128 : i32
        %div3A_1175 = arith.divsi %get3A_1173, %jit3A_1174 : i32
        %sign3A_1176 = arith.constant 0 : i32
        %sign3A_1177 = arith.cmpi sgt, %get3A_1173, %sign3A_1176 : i32
        %sign3A_1178 = arith.extui %sign3A_1177 : i1 to i32
        %sign3A_1179 = arith.constant 0 : i32
        %sign3A_1180 = arith.cmpi slt, %get3A_1173, %sign3A_1179 : i32
        %sign3A_1181 = arith.extui %sign3A_1180 : i1 to i32
        %sign3A_1182 = arith.subi %sign3A_1178, %sign3A_1181 : i32
        %sign3A_1183 = arith.constant 0 : i32
        %sign3A_1184 = arith.cmpi sgt, %jit3A_1174, %sign3A_1183 : i32
        %sign3A_1185 = arith.extui %sign3A_1184 : i1 to i32
        %sign3A_1186 = arith.constant 0 : i32
        %sign3A_1187 = arith.cmpi slt, %jit3A_1174, %sign3A_1186 : i32
        %sign3A_1188 = arith.extui %sign3A_1187 : i1 to i32
        %sign3A_1189 = arith.subi %sign3A_1185, %sign3A_1188 : i32
        %ne3A_1190 = arith.cmpi ne, %sign3A_1182, %sign3A_1189 : i32
        %rem3A_1191 = arith.remsi %get3A_1173, %jit3A_1174 : i32
        %ne3A_1192 = arith.constant 0 : i32
        %ne3A_1193 = arith.cmpi ne, %rem3A_1191, %ne3A_1192 : i32
        %and3A_1194 = arith.andi %ne3A_1190, %ne3A_1193 : i1
        %sub3A_1195 = arith.constant 1 : i32
        %sub3A_1196 = arith.subi %div3A_1175, %sub3A_1195 : i32
        %select_n3A_1197 = arith.select %and3A_1194, %sub3A_1196, %div3A_1175 : i32
        %mul3A_1198 = arith.constant 128 : i32
        %mul3A_1199 = arith.muli %select_n3A_1197, %mul3A_1198 : i32
        %multiple_of3A_1200 = tpu.assume_multiple %mul3A_1199, 128 : i32
        %dma_start3A_1201 = arith.constant 2 : i32
        %dma_start3A_1202 = arith.constant 3 : i32
        %dma_start3A_1203 = arith.constant 0 : i32
        %dma_start3A_1204 = arith.constant 0 : i32
        %dma_start3A_1205 = tpu.memref_slice %arg7[%dma_start3A_1201, %dma_start3A_1202, %dma_start3A_1203, %dma_start3A_1204] : memref<4x4x32x128xf32, #tpu.memory_space<vmem>> -> memref<1x1x32x128xf32, #tpu.memory_space<vmem>>
        %dma_start3A_1206 = tpu.memref_squeeze %dma_start3A_1205 : memref<1x1x32x128xf32, #tpu.memory_space<vmem>> -> memref<32x128xf32, #tpu.memory_space<vmem>>
        %dma_start3A_1207 = arith.constant 0 : i32
        %dma_start3A_1208 = tpu.memref_slice %arg2[%dma_start3A_1207, %multiple_of3A_1200] : memref<32x1000001xf32, #tpu.memory_space<hbm>> -> memref<32x128xf32, #tpu.memory_space<hbm>>
        %dma_start3A_1209 = arith.constant 0 : i32
        %dma_start3A_1210 = arith.constant 0 : i32
        %dma_start3A_1211 = tpu.memref_slice %arg7[%dma_start3A_1201, %dma_start3A_1202, %dma_start3A_1209, %dma_start3A_1210] : memref<4x4x32x128xf32, #tpu.memory_space<vmem>> -> memref<1x1x32x128xf32, #tpu.memory_space<vmem>>
        %dma_start3A_1212 = tpu.memref_squeeze %dma_start3A_1211 : memref<1x1x32x128xf32, #tpu.memory_space<vmem>> -> memref<32x128xf32, #tpu.memory_space<vmem>>
        %dma_start3A_1213 = arith.constant 0 : i32
        %dma_start3A_1214 = tpu.memref_slice %arg2[%dma_start3A_1213, %multiple_of3A_1200] : memref<32x1000001xf32, #tpu.memory_space<hbm>> -> memref<32x128xf32, #tpu.memory_space<hbm>>
        tpu.enqueue_dma source(%dma_start3A_1214 : memref<32x128xf32, #tpu.memory_space<hbm>>) target(%dma_start3A_1212 : memref<32x128xf32, #tpu.memory_space<vmem>>) target_semaphore(%arg11 : memref<!tpu.dma_semaphore, #tpu.memory_space<semaphore_mem>>)
      } else {
      }
      %dma_wait3A_914 = arith.constant 3 : i32
      %dma_wait3A_915 = arith.constant 0 : i32
      %dma_wait3A_916 = arith.constant 0 : i32
      %dma_wait3A_917 = arith.constant 0 : i32
      %dma_wait3A_918 = tpu.memref_slice %arg7[%dma_wait3A_914, %dma_wait3A_915, %dma_wait3A_916, %dma_wait3A_917] : memref<4x4x32x128xf32, #tpu.memory_space<vmem>> -> memref<1x4x32x128xf32, #tpu.memory_space<vmem>>
      %dma_wait3A_919 = tpu.memref_squeeze %dma_wait3A_918 : memref<1x4x32x128xf32, #tpu.memory_space<vmem>> -> memref<4x32x128xf32, #tpu.memory_space<vmem>>
      %dma_wait3A_920 = arith.constant 0 : i32
      %dma_wait3A_921 = arith.constant 0 : i32
      %dma_wait3A_922 = tpu.memref_slice %arg2[%dma_wait3A_920, %dma_wait3A_921] : memref<32x1000001xf32, #tpu.memory_space<hbm>> -> memref<32x512xf32, #tpu.memory_space<hbm>>
      %dma_wait3A_923 = arith.constant 0 : i32
      %dma_wait3A_924 = arith.constant 0 : i32
      %dma_wait3A_925 = arith.constant 0 : i32
      %dma_wait3A_926 = tpu.memref_slice %arg7[%dma_wait3A_914, %dma_wait3A_923, %dma_wait3A_924, %dma_wait3A_925] : memref<4x4x32x128xf32, #tpu.memory_space<vmem>> -> memref<1x4x32x128xf32, #tpu.memory_space<vmem>>
      %dma_wait3A_927 = tpu.memref_squeeze %dma_wait3A_926 : memref<1x4x32x128xf32, #tpu.memory_space<vmem>> -> memref<4x32x128xf32, #tpu.memory_space<vmem>>
      %dma_wait3A_928 = arith.constant 0 : i32
      %dma_wait3A_929 = arith.constant 0 : i32
      %dma_wait3A_930 = tpu.memref_slice %arg2[%dma_wait3A_928, %dma_wait3A_929] : memref<32x1000001xf32, #tpu.memory_space<hbm>> -> memref<32x512xf32, #tpu.memory_space<hbm>>
      tpu.wait_dma2 semaphore(%arg12 : memref<!tpu.dma_semaphore, #tpu.memory_space<semaphore_mem>>) src(%dma_wait3A_930 : memref<32x512xf32, #tpu.memory_space<hbm>>) dst(%dma_wait3A_927 : memref<4x32x128xf32, #tpu.memory_space<vmem>>)
      %mul3A_931 = arith.constant 4 : i32
      %mul3A_932 = arith.muli %add3A_904, %mul3A_931 : i32
      %add3A_933 = arith.constant 0 : i32
      %add3A_934 = arith.addi %mul3A_932, %add3A_933 : i32
      %get3A_935 = arith.index_cast %add3A_934 : i32 to index
      %get3A_936 = memref.load %arg6[%get3A_935] : memref<512xi32, #tpu.memory_space<smem>>
      %rem3A_937 = arith.constant 128 : i32
      %rem3A_938 = arith.remsi %get3A_936, %rem3A_937 : i32
      %broadcast_in_dim3A_939 = vector.broadcast %rem3A_938 : i32 to vector<16xi32>
      %add3A_940 = arith.constant 0 : i32
      %add3A_941 = arith.addi %mul3A_932, %add3A_940 : i32
      %broadcast_in_dim3A_942 = vector.broadcast %add3A_941 : i32 to vector<16xi32>
      %gather3A_943 = arith.constant 3 : i32
      %gather3A_944 = arith.constant 0 : i32
      %gather3A_945 = arith.constant 0 : i32
      %gather3A_946 = arith.constant 0 : i32
      %gather3A_947 = tpu.memref_slice %arg7[%gather3A_943, %gather3A_944, %gather3A_945, %gather3A_946] : memref<4x4x32x128xf32, #tpu.memory_space<vmem>> -> memref<1x1x32x128xf32, #tpu.memory_space<vmem>>
      %gather3A_948 = tpu.memref_squeeze %gather3A_947 : memref<1x1x32x128xf32, #tpu.memory_space<vmem>> -> memref<32x128xf32, #tpu.memory_space<vmem>>
      %gather3A_949 = tpu.vector_load_idx %gather3A_948[%iota3A, %broadcast_in_dim3A_939] : memref<32x128xf32, #tpu.memory_space<vmem>>[vector<16xi32>, vector<16xi32>], vector<16xf32>,
      %gather3A_950 = arith.constant 3 : i32
      %gather3A_951 = arith.constant 0 : i32
      %gather3A_952 = arith.constant 0 : i32
      %gather3A_953 = arith.constant 0 : i32
      %gather3A_954 = tpu.memref_slice %arg7[%gather3A_950, %gather3A_951, %gather3A_952, %gather3A_953] : memref<4x4x32x128xf32, #tpu.memory_space<vmem>> -> memref<1x1x32x128xf32, #tpu.memory_space<vmem>>
      %gather3A_955 = tpu.memref_squeeze %gather3A_954 : memref<1x1x32x128xf32, #tpu.memory_space<vmem>> -> memref<32x128xf32, #tpu.memory_space<vmem>>
      %gather3A_956 = tpu.vector_load_idx %gather3A_955[%add3A_5, %broadcast_in_dim3A_939] : memref<32x128xf32, #tpu.memory_space<vmem>>[vector<16xi32>, vector<16xi32>], vector<16xf32>,
      tpu.vector_store_idx %arg8[%iota3A, %broadcast_in_dim3A_942], %gather3A_949 : memref<32x512xf32, #tpu.memory_space<vmem>>[vector<16xi32>, vector<16xi32>], vector<16xf32>,
      tpu.vector_store_idx %arg8[%add3A_5, %broadcast_in_dim3A_942], %gather3A_956 : memref<32x512xf32, #tpu.memory_space<vmem>>[vector<16xi32>, vector<16xi32>], vector<16xf32>,
      %add3A_957 = arith.constant 1 : i32
      %add3A_958 = arith.addi %mul3A_932, %add3A_957 : i32
      %get3A_959 = arith.index_cast %add3A_958 : i32 to index
      %get3A_960 = memref.load %arg6[%get3A_959] : memref<512xi32, #tpu.memory_space<smem>>
      %rem3A_961 = arith.constant 128 : i32
      %rem3A_962 = arith.remsi %get3A_960, %rem3A_961 : i32
      %broadcast_in_dim3A_963 = vector.broadcast %rem3A_962 : i32 to vector<16xi32>
      %add3A_964 = arith.constant 1 : i32
      %add3A_965 = arith.addi %mul3A_932, %add3A_964 : i32
      %broadcast_in_dim3A_966 = vector.broadcast %add3A_965 : i32 to vector<16xi32>
      %gather3A_967 = arith.constant 3 : i32
      %gather3A_968 = arith.constant 1 : i32
      %gather3A_969 = arith.constant 0 : i32
      %gather3A_970 = arith.constant 0 : i32
      %gather3A_971 = tpu.memref_slice %arg7[%gather3A_967, %gather3A_968, %gather3A_969, %gather3A_970] : memref<4x4x32x128xf32, #tpu.memory_space<vmem>> -> memref<1x1x32x128xf32, #tpu.memory_space<vmem>>
      %gather3A_972 = tpu.memref_squeeze %gather3A_971 : memref<1x1x32x128xf32, #tpu.memory_space<vmem>> -> memref<32x128xf32, #tpu.memory_space<vmem>>
      %gather3A_973 = tpu.vector_load_idx %gather3A_972[%iota3A, %broadcast_in_dim3A_963] : memref<32x128xf32, #tpu.memory_space<vmem>>[vector<16xi32>, vector<16xi32>], vector<16xf32>,
      %gather3A_974 = arith.constant 3 : i32
      %gather3A_975 = arith.constant 1 : i32
      %gather3A_976 = arith.constant 0 : i32
      %gather3A_977 = arith.constant 0 : i32
      %gather3A_978 = tpu.memref_slice %arg7[%gather3A_974, %gather3A_975, %gather3A_976, %gather3A_977] : memref<4x4x32x128xf32, #tpu.memory_space<vmem>> -> memref<1x1x32x128xf32, #tpu.memory_space<vmem>>
      %gather3A_979 = tpu.memref_squeeze %gather3A_978 : memref<1x1x32x128xf32, #tpu.memory_space<vmem>> -> memref<32x128xf32, #tpu.memory_space<vmem>>
      %gather3A_980 = tpu.vector_load_idx %gather3A_979[%add3A_5, %broadcast_in_dim3A_963] : memref<32x128xf32, #tpu.memory_space<vmem>>[vector<16xi32>, vector<16xi32>], vector<16xf32>,
      tpu.vector_store_idx %arg8[%iota3A, %broadcast_in_dim3A_966], %gather3A_973 : memref<32x512xf32, #tpu.memory_space<vmem>>[vector<16xi32>, vector<16xi32>], vector<16xf32>,
      tpu.vector_store_idx %arg8[%add3A_5, %broadcast_in_dim3A_966], %gather3A_980 : memref<32x512xf32, #tpu.memory_space<vmem>>[vector<16xi32>, vector<16xi32>], vector<16xf32>,
      %add3A_981 = arith.constant 2 : i32
      %add3A_982 = arith.addi %mul3A_932, %add3A_981 : i32
      %get3A_983 = arith.index_cast %add3A_982 : i32 to index
      %get3A_984 = memref.load %arg6[%get3A_983] : memref<512xi32, #tpu.memory_space<smem>>
      %rem3A_985 = arith.constant 128 : i32
      %rem3A_986 = arith.remsi %get3A_984, %rem3A_985 : i32
      %broadcast_in_dim3A_987 = vector.broadcast %rem3A_986 : i32 to vector<16xi32>
      %add3A_988 = arith.constant 2 : i32
      %add3A_989 = arith.addi %mul3A_932, %add3A_988 : i32
      %broadcast_in_dim3A_990 = vector.broadcast %add3A_989 : i32 to vector<16xi32>
      %gather3A_991 = arith.constant 3 : i32
      %gather3A_992 = arith.constant 2 : i32
      %gather3A_993 = arith.constant 0 : i32
      %gather3A_994 = arith.constant 0 : i32
      %gather3A_995 = tpu.memref_slice %arg7[%gather3A_991, %gather3A_992, %gather3A_993, %gather3A_994] : memref<4x4x32x128xf32, #tpu.memory_space<vmem>> -> memref<1x1x32x128xf32, #tpu.memory_space<vmem>>
      %gather3A_996 = tpu.memref_squeeze %gather3A_995 : memref<1x1x32x128xf32, #tpu.memory_space<vmem>> -> memref<32x128xf32, #tpu.memory_space<vmem>>
      %gather3A_997 = tpu.vector_load_idx %gather3A_996[%iota3A, %broadcast_in_dim3A_987] : memref<32x128xf32, #tpu.memory_space<vmem>>[vector<16xi32>, vector<16xi32>], vector<16xf32>,
      %gather3A_998 = arith.constant 3 : i32
      %gather3A_999 = arith.constant 2 : i32
      %gather3A_1000 = arith.constant 0 : i32
      %gather3A_1001 = arith.constant 0 : i32
      %gather3A_1002 = tpu.memref_slice %arg7[%gather3A_998, %gather3A_999, %gather3A_1000, %gather3A_1001] : memref<4x4x32x128xf32, #tpu.memory_space<vmem>> -> memref<1x1x32x128xf32, #tpu.memory_space<vmem>>
      %gather3A_1003 = tpu.memref_squeeze %gather3A_1002 : memref<1x1x32x128xf32, #tpu.memory_space<vmem>> -> memref<32x128xf32, #tpu.memory_space<vmem>>
      %gather3A_1004 = tpu.vector_load_idx %gather3A_1003[%add3A_5, %broadcast_in_dim3A_987] : memref<32x128xf32, #tpu.memory_space<vmem>>[vector<16xi32>, vector<16xi32>], vector<16xf32>,
      tpu.vector_store_idx %arg8[%iota3A, %broadcast_in_dim3A_990], %gather3A_997 : memref<32x512xf32, #tpu.memory_space<vmem>>[vector<16xi32>, vector<16xi32>], vector<16xf32>,
      tpu.vector_store_idx %arg8[%add3A_5, %broadcast_in_dim3A_990], %gather3A_1004 : memref<32x512xf32, #tpu.memory_space<vmem>>[vector<16xi32>, vector<16xi32>], vector<16xf32>,
      %add3A_1005 = arith.constant 3 : i32
      %add3A_1006 = arith.addi %mul3A_932, %add3A_1005 : i32
      %get3A_1007 = arith.index_cast %add3A_1006 : i32 to index
      %get3A_1008 = memref.load %arg6[%get3A_1007] : memref<512xi32, #tpu.memory_space<smem>>
      %rem3A_1009 = arith.constant 128 : i32
      %rem3A_1010 = arith.remsi %get3A_1008, %rem3A_1009 : i32
      %broadcast_in_dim3A_1011 = vector.broadcast %rem3A_1010 : i32 to vector<16xi32>
      %add3A_1012 = arith.constant 3 : i32
      %add3A_1013 = arith.addi %mul3A_932, %add3A_1012 : i32
      %broadcast_in_dim3A_1014 = vector.broadcast %add3A_1013 : i32 to vector<16xi32>
      %gather3A_1015 = arith.constant 3 : i32
      %gather3A_1016 = arith.constant 3 : i32
      %gather3A_1017 = arith.constant 0 : i32
      %gather3A_1018 = arith.constant 0 : i32
      %gather3A_1019 = tpu.memref_slice %arg7[%gather3A_1015, %gather3A_1016, %gather3A_1017, %gather3A_1018] : memref<4x4x32x128xf32, #tpu.memory_space<vmem>> -> memref<1x1x32x128xf32, #tpu.memory_space<vmem>>
      %gather3A_1020 = tpu.memref_squeeze %gather3A_1019 : memref<1x1x32x128xf32, #tpu.memory_space<vmem>> -> memref<32x128xf32, #tpu.memory_space<vmem>>
      %gather3A_1021 = tpu.vector_load_idx %gather3A_1020[%iota3A, %broadcast_in_dim3A_1011] : memref<32x128xf32, #tpu.memory_space<vmem>>[vector<16xi32>, vector<16xi32>], vector<16xf32>,
      %gather3A_1022 = arith.constant 3 : i32
      %gather3A_1023 = arith.constant 3 : i32
      %gather3A_1024 = arith.constant 0 : i32
      %gather3A_1025 = arith.constant 0 : i32
      %gather3A_1026 = tpu.memref_slice %arg7[%gather3A_1022, %gather3A_1023, %gather3A_1024, %gather3A_1025] : memref<4x4x32x128xf32, #tpu.memory_space<vmem>> -> memref<1x1x32x128xf32, #tpu.memory_space<vmem>>
      %gather3A_1027 = tpu.memref_squeeze %gather3A_1026 : memref<1x1x32x128xf32, #tpu.memory_space<vmem>> -> memref<32x128xf32, #tpu.memory_space<vmem>>
      %gather3A_1028 = tpu.vector_load_idx %gather3A_1027[%add3A_5, %broadcast_in_dim3A_1011] : memref<32x128xf32, #tpu.memory_space<vmem>>[vector<16xi32>, vector<16xi32>], vector<16xf32>,
      tpu.vector_store_idx %arg8[%iota3A, %broadcast_in_dim3A_1014], %gather3A_1021 : memref<32x512xf32, #tpu.memory_space<vmem>>[vector<16xi32>, vector<16xi32>], vector<16xf32>,
      tpu.vector_store_idx %arg8[%add3A_5, %broadcast_in_dim3A_1014], %gather3A_1028 : memref<32x512xf32, #tpu.memory_space<vmem>>[vector<16xi32>, vector<16xi32>], vector<16xf32>,
    }
    %scan3A_527 = arith.constant 32 : i32
    "tpu.region"() ({
      %run_scoped3A = tpu.sem_alloc : memref<!tpu.dma_semaphore, #tpu.memory_space<semaphore_mem>>
      %dma_start3A_528 = arith.constant 0 : i32
      %dma_start3A_529 = tpu.memref_slice %arg4[%dma_start3A_528, %mul3A_2] : memref<32x16384xf32, #tpu.memory_space<hbm>> -> memref<32x512xf32, #tpu.memory_space<hbm>>
      %dma_start3A_530 = arith.constant 0 : i32
      %dma_start3A_531 = tpu.memref_slice %arg4[%dma_start3A_530, %mul3A_2] : memref<32x16384xf32, #tpu.memory_space<hbm>> -> memref<32x512xf32, #tpu.memory_space<hbm>>
      tpu.enqueue_dma source(%arg8 : memref<32x512xf32, #tpu.memory_space<vmem>>) target(%dma_start3A_531 : memref<32x512xf32, #tpu.memory_space<hbm>>) target_semaphore(%run_scoped3A : memref<!tpu.dma_semaphore, #tpu.memory_space<semaphore_mem>>)
      %dma_wait3A = arith.constant 0 : i32
      %dma_wait3A_532 = tpu.memref_slice %arg4[%dma_wait3A, %mul3A_2] : memref<32x16384xf32, #tpu.memory_space<hbm>> -> memref<32x512xf32, #tpu.memory_space<hbm>>
      %dma_wait3A_533 = arith.constant 0 : i32
      %dma_wait3A_534 = tpu.memref_slice %arg4[%dma_wait3A_533, %mul3A_2] : memref<32x16384xf32, #tpu.memory_space<hbm>> -> memref<32x512xf32, #tpu.memory_space<hbm>>
      tpu.wait_dma2 semaphore(%run_scoped3A : memref<!tpu.dma_semaphore, #tpu.memory_space<semaphore_mem>>) src(%arg8 : memref<32x512xf32, #tpu.memory_space<vmem>>) dst(%dma_wait3A_534 : memref<32x512xf32, #tpu.memory_space<hbm>>)
      tpu.yield
    }) : () -> ()
    return
  }
}

</mosaic_0001>

<sc_bundles>
// kernel: kernel.3.cloned.1.call-start
scs
__scs_entry_jumppad:
0x0: {  	(pc) =	sbr.rel $0x88, $3  }
0x1: {  	(tag) =	ssettag $0x0;
	lr =	simm.s32 $0x1  }
0x2: {  	[smem:$0x3F9F] =	sst lr;
	_ =	strace $0xD0000000  }
0x3: {  	_ = 	snop  }
0x4: {  	_ = 	snop  }
0x5: {  	_ = 	snop  }
0x6: {  	_ = 	snop  }
0x7: {  	_ = 	snop  }
__scs_overlays_trampoline_lowered:
0x8: {  	[smem:$0x3FAE] =	sst s0  }
0x9: {  	[smem:$0x3FAF] =	sst s1  }
0xa: {  	[smem:$0x3FB0] =	sst s2  }
0xb: {  	[smem:$0x3FB1] =	sst s3  }
0xc: {  	[smem:$0x3FB2] =	sst s4  }
0xd: {  	[smem:$0x3FB3] =	sst s5  }
0xe: {  	[smem:$0x3FB4] =	sst s6  }
0xf: {  	[smem:$0x3FB5] =	sst s7  }
0x10: {  	[smem:$0x3FB6] =	sst s8  }
0x11: {  	[smem:$0x3FB7] =	sst s9;
	s0 =	simm.s32 @!p0 $0x0  }
0x12: {  	s1 =	sld [smem:$0x3F9D];
	s0 =	simm.s32 @p0 $0x1  }
0x13: {  	[smem:$0x3FB8] =	sst s0;
	s0 =	simm.s32 @!p1 $0x0  }
0x14: {  	s2 =	sld [smem:$0x3F9C];
	s0 =	simm.s32 @p1 $0x1  }
0x15: {  	[smem:$0x3FB9] =	sst s0;
	s0 =	simm.s32 @!p2 $0x0  }
0x16: {  	s3 =	sld [smem:$0x3FDB];
	s0 =	simm.s32 @p2 $0x1  }
0x17: {  	s4 =	simm.s32 $0x1BF5;
	[smem:$0x3FBB] =	sst s0  }
0x18: {  	s0 =	sld [smem:$0x3F9E];
	_ =	swait.ge [sflag:s4], $0x0  }
0x19: {  	s7 =	sld [smem:$0x3F9F]  }
0x1a: {  	s8 =	sadd.s32 $0xFFFFE003, lr  }
0x1b: {  	s9 =	sadd.s32 $0xFFFFFEF7, lr;
	s5 =	simm.s32 $0xFFFFFFFF;
	p2 =	slt.u32 s8, $0xFFFFF086  }
0x1c: {  	p1 =	slt.u32 s9, $0xF7A;
	s5 =	simm.s32 @!p2 $0x0  }
0x1d: {  	s5 =	simm.s32 @p1 $0x1;
	p0 =	seq.s32 s7, s2  }
0x1e: {  	s7 =	smul.u32 @!p0 $0xF7A, s2;
	p2 =	seq.s32 @!p0 s5, $0x0  }
0x1f: {  	s9 =	smul.u32 $0xF7A, s1;
	s8 =	simm.s32 @!p0 $0x1BF5;
	p2 =	por !p2, p0  }
0x20: {  	[sflag:s8] =	ssyncset.s32 @!p0 $0xFFFFF086;
	s6 =	sadd.s32 @!p0 s3, s7;
	s7 =	simm.s32 @!p0 $0x108  }
0x21: {  	s3 =	sadd.s32 s3, s9;
	s6 =	sadd.s32 @!p0 $0x88, s6;
	s7 =	simm.s32 @p2 $0x1082  }
0x22: {  	[simem:s7], [sflag:s8] =	dma.local @!p0 [hbm:s6], $0xF7A  }
0x23: {  	s9 =	sor.u32 $0xD0000000, s2;
	s6 =	simm.s32 $0x108;
	_ =	swait.ge @!p0 [sflag:s8], $0x0  }
0x24: {  	s3 =	sadd.s32 $0x88, s3;
	s6 =	simm.s32 @!p1 $0x1082;
	[sflag:s4] =	ssyncset.s32 $0xFFFFF086  }
0x25: {  	[simem:s6], [sflag:s4] =	dma.local [hbm:s3], $0xF7A  }
0x26: {  	[smem:$0x3F9F] =	sst s1;
	(tag) =	ssettag s2;
	_ =	strace s9  }
0x27: {  	s1 =	sld [smem:$0x3FAF]  }
0x28: {  	s2 =	sld [smem:$0x3FB0]  }
0x29: {  	s4 =	sld [smem:$0x3FB2]  }
0x2a: {  	p0 =	seq.s32 s5, $0x0;
	s5 =	sld [smem:$0x3FB3]  }
0x2b: {  	s6 =	sld [smem:$0x3FB4]  }
0x2c: {  	s7 =	sld [smem:$0x3FB5]  }
0x2d: {  	s3 =	simm.s32 $0x108;
	s8 =	sld [smem:$0x3FB6]  }
0x2e: {  	s3 =	simm.s32 @!p0 $0x1082;
	s9 =	sld [smem:$0x3FB7]  }
0x2f: {  	lr =	sadd.s32 s0, s3;
	s0 =	sld [smem:$0x3FAE]  }
0x30: {  	s3 =	sld [smem:$0x3FB1]  }
0x31: {  	[smem:$0x3FBA] =	sst s10  }
0x32: {  	s10 =	sld [smem:$0x3FB8];
	_ =	sdelay $0x3  }
0x33: {  	p0 =	seq.s32 s10, $0x1;
	s10 =	sld [smem:$0x3FBA];
	_ =	sdelay $0x3  }
0x34: {  	[smem:$0x3FBA] =	sst s10  }
0x35: {  	s10 =	sld [smem:$0x3FB9];
	_ =	sdelay $0x3  }
0x36: {  	p1 =	seq.s32 s10, $0x1;
	s10 =	sld [smem:$0x3FBA];
	_ =	sdelay $0x3  }
0x37: {  	[smem:$0x3FBA] =	sst s10  }
0x38: {  	s10 =	sld [smem:$0x3FBB]  }
0x39: {  	_ = 	snop;
	(pc) =	sbr.ind lr, $3  }
0x3a: {  	_ = 	snop  }
0x3b: {  	_ = 	snop  }
0x3c: {  	p2 =	seq.s32 s10, $0x1;
	s10 =	sld [smem:$0x3FBA]  }
0x3d: {  	_ =	shalt  }
0x3e: {  	_ =	shalt  }
0x3f: {  	_ =	shalt  }
0x40: {  	_ =	shalt  }
0x41: {  	_ =	shalt  }
0x42: {  	_ =	shalt  }
0x43: {  	_ =	shalt  }
0x44: {  	_ =	shalt  }
0x45: {  	_ =	shalt  }
0x46: {  	_ =	shalt  }
0x47: {  	_ =	shalt  }
0x48: {  	_ =	shalt  }
0x49: {  	_ =	shalt  }
0x4a: {  	_ =	shalt  }
0x4b: {  	_ =	shalt  }
0x4c: {  	_ =	shalt  }
0x4d: {  	_ =	shalt  }
0x4e: {  	_ =	shalt  }
0x4f: {  	_ =	shalt  }
0x50: {  	_ =	shalt  }
0x51: {  	_ =	shalt  }
0x52: {  	_ =	shalt  }
0x53: {  	_ =	shalt  }
0x54: {  	_ =	shalt  }
0x55: {  	_ =	shalt  }
0x56: {  	_ =	shalt  }
0x57: {  	_ =	shalt  }
0x58: {  	_ =	shalt  }
0x59: {  	_ =	shalt  }
0x5a: {  	_ =	shalt  }
0x5b: {  	_ =	shalt  }
0x5c: {  	_ =	shalt  }
0x5d: {  	_ =	shalt  }
0x5e: {  	_ =	shalt  }
0x5f: {  	_ =	shalt  }
0x60: {  	_ =	shalt  }
0x61: {  	_ =	shalt  }
0x62: {  	_ =	shalt  }
0x63: {  	_ =	shalt  }
0x64: {  	_ =	shalt  }
0x65: {  	_ =	shalt  }
0x66: {  	_ =	shalt  }
0x67: {  	_ =	shalt  }
0x68: {  	_ =	shalt  }
0x69: {  	_ =	shalt  }
0x6a: {  	_ =	shalt  }
0x6b: {  	_ =	shalt  }
0x6c: {  	_ =	shalt  }
0x6d: {  	_ =	shalt  }
0x6e: {  	_ =	shalt  }
0x6f: {  	_ =	shalt  }
0x70: {  	_ =	shalt  }
0x71: {  	_ =	shalt  }
0x72: {  	_ =	shalt  }
0x73: {  	_ =	shalt  }
0x74: {  	_ =	shalt  }
0x75: {  	_ =	shalt  }
0x76: {  	_ =	shalt  }
0x77: {  	_ =	shalt  }
0x78: {  	_ =	shalt  }
0x79: {  	_ =	shalt  }
0x7a: {  	_ =	shalt  }
0x7b: {  	_ =	shalt  }
0x7c: {  	_ =	shalt  }
0x7d: {  	_ =	shalt  }
0x7e: {  	_ =	shalt  }
0x7f: {  	_ =	shalt  }
0x80: {  	_ =	shalt  }
0x81: {  	_ =	shalt  }
0x82: {  	_ =	shalt  }
0x83: {  	_ =	shalt  }
0x84: {  	_ =	shalt  }
0x85: {  	_ =	shalt  }
0x86: {  	_ =	shalt  }
0x87: {  	_ =	shalt  }
.Lfunc_end0:
.L_simem_size_0:
called_computation_lowered:
.L_overlay_start_0:
0x88: {  	s2 =	sld [smem:$0x3FD9]  }
0x89: {  	s3 =	sld [smem:$0x3FFE];
	_ =	sdelay $0x1  }
0x8a: {  	s1 =	srdreg.scid  }
0x8b: {  	s0 =	sand.u32 $0x1, s1  }
0x8c: {  	s18 =	sshll.u32 s0, $0xA;
	s2 =	sadd.s32 s3, s2  }
0x8d: {  	s2 =	sadd.s32 s2, s18  }
0x8e: {  	[smem:$0x3FC6] =	sst s2  }
0x8f: {  	_ = 	snop  }
0x90: {  	s2 =	sld [smem:$0x3FC9]  }
0x91: {  	s19 =	sld [smem:$0x3FC8]  }
0x92: {  	s4 =	sld [smem:$0x3FD0];
	(tm) =	ssettm $0x1  }
0x93: {  	s5 =	sld [smem:$0x3FFB];
	_ =	sdelay $0x3  }
0x94: {  	_ =	strace s5  }
0x95: {  	s5 =	sld [smem:$0x3FFC];
	_ =	sdelay $0x3  }
0x96: {  	_ =	strace s5  }
0x97: {  	s5 =	sld [smem:$0x3FFD];
	_ =	sdelay $0x3  }
0x98: {  	_ =	strace s5  }
0x99: {  	_ =	strace $0x8FFFFFFF  }
0x9a: {  	s20 =	sld [smem:$0x3FDB];
	_ =	sdelay $0x1  }
0x9b: {  	s6 =	simm.s32 $_scs_section_size  }
0x9c: {  	s7 =	simm.s32 $_size__tile_overlayer_lowered;
	s8 =	simm.s32 $_tile_overlayer_lowered  }
0x9d: {  	s23 =	simm.s32 $0x1BFF;
	s22 =	sshll.u32 s8, $0x1;
	s5 =	sadd.s32 s6, s20  }
0x9e: {  	s9 =	simm.s32 $0x0;
	s21 =	sshll.u32 s7, $0x1;
	s7 =	sadd.s32 s22, s5  }
0x9f: {  	[timem:s9], [sflag:s23] =	dma.local [hbm:s7], s21  }
0xa0: {  	_ =	swait.ge [sflag:s23], s21  }
0xa1: {  	s6 =	ssub.s32 $0x0, s21;
	[sflag:s23] =	ssyncset.done $0x0  }
0xa2: {  	[sflag:s23] =	ssyncadd.s32 s6;
	_ =	sdelay $0x1  }
0xa3: {  	s24 =	simm.s32 $0x1B8B  }
0xa4: {  	_ =	swait.ge [sflag:s24], $0x1  }
0xa5: {  	[sflag:s24] =	ssyncset.done $0x0  }
0xa6: {  	s25 =	simm.s32 $0x1B8E;
	[sflag:s24] =	ssyncadd.s32 $0xFFFFFFFF  }
0xa7: {  	s26 =	simm.s32 $execute0_lowered;
	[smem:$0x3FD2] =	sst s25  }
0xa8: {  	s6 =	sshll.u32 s26, $0x1;
	_ =	strace $0x80000046;
	[dreg:$0x1] =	wrdreg $0xFFFFFFFF  }
0xa9: {  	s28 =	simm.s32 $_size_execute0_lowered;
	s5 =	sadd.s32 s5, s6;
	[dreg:$0x0] =	wrdreg $0x0  }
0xaa: {  	s6 =	sshll.u32 s28, $0x1;
	[dreg:$0x2] =	wrdreg s5  }
0xab: {  	[dreg:$0x3] =	wrdreg s6  }
0xac: {  	[dreg:$0x4] =	wrdreg $0xC0  }
0xad: {  	_ =	task [dreg:s9], $0x5FFFF  }
0xae: {  	[dreg:$0x1] =	wrdreg $0xFFFFFFFF  }
0xaf: {  	[dreg:$0x0] =	wrdreg $0x60  }
0xb0: {  	[dreg:$0x2] =	wrdreg s19  }
0xb1: {  	[dreg:$0x3] =	wrdreg s2  }
0xb2: {  	[dreg:$0x4] =	wrdreg s4  }
0xb3: {  	[dreg:$0x5] =	wrdreg $0x0  }
0xb4: {  	[dreg:$0x6] =	wrdreg $0x9  }
0xb5: {  	_ =	task.clear_ibuf [dreg:s9], $0x7FFFF;
	_ =	strace $0x90000046  }
0xb6: {  	s29 =	simm.s32 $0x9;
	_ =	strace $0x80000048  }
0xb7: {  	_ =	swait.ge [sflag:s29], $0x1  }
0xb8: {  	[sflag:s29] =	ssyncadd.s32 $0xFFFFFFFF  }
0xb9: {  	_ =	strace $0x90000048  }
0xba: {  	_ =	sfence  }
0xbb: {  	s30 =	sld [smem:$0x0];
	_ =	sdelay $0x2  }
0xbc: {  	s31 =	sshll.u32 s1, $0xD;
	s1 =	sshrl.u32 s1, $0x2  }
0xbd: {  	s3 =	sand.u32 $0x4000, s31;
	s1 =	sadd.s32 s1, s30  }
0xbe: {  	s0 =	sor.u32 s3, s0;
	s1 =	sshll.u32 s1, $0x11  }
0xbf: {  	s0 =	sor.u32 s1, s0  }
0xc0: {  	s0 =	sadd.s32 $0x8F2B, s0  }
0xc1: {  	[sflag:s0] =	ssyncadd.remote.s32 $0x1  }
0xc2: {  	_ =	sfence.sel $0xFFFF  }
0xc3: {  	[dreg:$0x0] =	wrdreg $0xFFFFFFFF;
	(pc) =	sbr.abs _section_cstart, $3  }
0xc4: {  	[dreg:$0x1] =	wrdreg $0xFFFFFFFF  }
0xc5: {  	_ =	task.clear_ibuf [dreg:s9], $0x2FFFF;
	_ =	strace $0x9FFFFFFF  }
0xc6: {  	(tm) =	ssettm $0x7FFFFFFF  }
0xc7: {  	_ =	shalt  }
tec
execute0_lowered:
.L_overlay_start_1:
0x0: {  	(tag) =	ssettag $0x1  }
0x1: {  	s1 =	rddreg [dreg:$0x0]  }
0x2: {  	s0 =	rddreg [dreg:$0x1]  }
0x3: {  	s2 =	rddreg [dreg:$0x2]  }
0x4: {  	s3 =	rddreg [dreg:$0x3];
	s4 =	srdreg.scid;
	s5 =	simm.s32 $0x0  }
0x5: {  	s9 =	stileid.u32;
	s12 =	simm.s32 $0x5;
	s28 =	simm.s32 $0x4200  }
0x6: {  	s29 =	simm.s32 $0x5200;
	s30 =	simm.s32 $0x6200;
	s31 =	simm.s32 $0x7200  }
0x7: {  	s14 =	simm.s32 $0x4;
	s4 =	sand.u32 $0x1, s4;
	[smem:$0x7FF] =	sst s5  }
0x8: {  	v0 =	vlaneseq.u32;
	v1 =	vimm.s32 $0x1380;
	s16 =	sshll.u32 s9, $0xA;
	s7 =	sshll.u32 s9, $0x9;
	s8 =	sshll.u32 s9, $0x7  }
0x9: {  	vm0 =	vcmask $0x300;
	v2 =	vimm.s32 $0x3380;
	vm1 =	vcmask $0x704;
	s19 =	sshll.u32 s9, $0x6;
	s15 =	ssub.s32 $0x2, s4;
	_ =	strace $0x80000047  }
0xa: {  	vm15 =	vcmask $0xB08;
	v1 =	vsel vm0, $0x0, v1;
	v2 =	vsel vm0, $0x2000, v2;
	s4 =	sshll.u32 s4, $0x9;
	s7 =	sand.u32 $0x1000, s7;
	s17 =	sand.u32 $0x380, s8  }
0xb: {  	vm4 =	vcmask $0xF0C;
	v1 =	vsel vm1, $0x80, v1;
	v2 =	vsel vm1, $0x2080, v2;
	s20 =	sor.u32 $0x1C05, s19;
	s19 =	simm.s32 $0x7A1400;
	s8 =	simm.s32 $0x0  }
0xc: {  	vm5 =	vcmask $0x1310;
	s6 =	sshrl.u32 s15, $0x1;
	s4 =	sor.u32 s4, s16;
	s3 =	sadd.s32 s7, s3;
	v1 =	vsel vm15, $0x100, v1;
	v2 =	vsel vm15, $0x2100, v2  }
0xd: {  	vm6 =	vcmask $0x1714;
	[dreg:$0x7] =	wrdreg s20;
	s20 =	simm.s32 $0x400;
	s5 =	ssub.s32 s15, s6;
	v1 =	vsel vm4, $0x180, v1;
	v2 =	vsel vm4, $0x2180, v2  }
0xe: {  	vm7 =	vcmask $0x1B18;
	s7 =	sadd.s32 s17, s3;
	s18 =	sshrl.u32 s4, $0x3;
	s21 =	sadd.s32 s2, s4;
	v1 =	vsel vm5, $0x200, v1;
	v2 =	vsel vm5, $0x2200, v2  }
0xf: {  	vm8 =	vcmask $0x1F1C;
	s3 =	simm.s32 $0x9200;
	s2 =	simm.s32 $0xB200;
	[dreg:$0x8] =	wrdreg s21;
	v1 =	vsel vm6, $0x280, v1;
	v2 =	vsel vm6, $0x2280, v2  }
0x10: {  	vm9 =	vcmask $0x2320;
	s15 =	simm.s32 $0xD200;
	s0 =	sadd.s32 s0, s18;
	[dreg:$0x5] =	wrdreg s7;
	v1 =	vsel vm7, $0x300, v1;
	v2 =	vsel vm7, $0x2300, v2  }
0x11: {  	vm10 =	vcmask $0x2724;
	s17 =	simm.s32 $0xE200;
	s22 =	smax.u32 s5, $0x1;
	[dreg:$0x6] =	wrdreg s0;
	v1 =	vsel vm8, $0x380, v1;
	v2 =	vsel vm8, $0x2380, v2  }
0x12: {  	vm11 =	vcmask $0x2B28;
	s6 =	simm.s32 $0x2;
	s23 =	sadd.s32 $0x400, s7;
	[dreg:$0x9] =	wrdreg s22;
	v1 =	vsel vm9, $0x1000, v1;
	v2 =	vsel vm9, $0x3000, v2  }
0x13: {  	vm12 =	vcmask $0x2F2C;
	s24 =	sadd.s32 $0x800, s7;
	s25 =	sadd.s32 $0xC00, s7;
	[dreg:$0xa] =	wrdreg s23;
	v1 =	vsel vm10, $0x1080, v1;
	v2 =	vsel vm10, $0x3080, v2  }
.Ltmp0:
0x14: {  	vm13 =	vcmask $0x3330;
	s26 =	sshrl.u32 s7, $0x3;
	[dreg:$0xb] =	wrdreg s24;
	v1 =	vsel vm11, $0x1100, v1;
	v2 =	vsel vm11, $0x3100, v2;
	(pc) =	sbr.rel .LBB2_1-.Ltmp0, $4  }
0x15: {  	vm14 =	vcmask $0x3734;
	s21 =	simm.s32 $0xC200;
	s18 =	simm.s32 $0xF200;
	[dreg:$0xc] =	wrdreg s25;
	v1 =	vsel vm12, $0x1180, v1;
	v2 =	vsel vm12, $0x3180, v2  }
0x16: {  	v0 =	vmul.u32 $0x80, v0;
	s5 =	simm.s32 $0x10200;
	s7 =	simm.s32 $0x3;
	[dreg:$0xd] =	wrdreg s26;
	v1 =	vsel vm13, $0x1200, v1;
	v2 =	vsel vm13, $0x3200, v2  }
0x17: {  	vm15 =	vcmask $0x3B38;
	s23 =	simm.s32 $0x200;
	s24 =	simm.s32 $0x1200;
	s25 =	simm.s32 $0x2200;
	v3 =	vsel vm14, $0x1280, v1;
	v4 =	vsel vm14, $0x3280, v2  }
0x18: {  	s26 =	simm.s32 $0x3200;
	s0 =	simm.s32 $0x8200;
	s22 =	simm.s32 $0xA200;
	v1 =	vor.u32 $0x800, v0;
	v2 =	vsel vm15, $0x1300, v3;
	v3 =	vsel vm15, $0x3300, v4  }
.LBB2_9:
0x19: {  	s4 =	rddreg [dreg:$0x8]  }
0x1a: {  	s8 =	simm.s32 $0x1000;
	s9 =	simm.s32 $0x20000;
	s12 =	simm.s32 $0x5  }
0x1b: {  	[hbm4b:s4+s8] =	stream.strided.scatter [tilespmem:s5], [sflag:$0x5], $0x4000, s9, s8, $0x38;
	[tilespmem:$0x14200] =	vst v63  }
0x1c: {  	_ =	swait.ge [sflag:s12], $0x4000  }
0x1d: {  	s13 =	rddreg [dreg:$0xe]  }
0x1e: {  	s16 =	rddreg [dreg:$0x9];
	s8 =	sadd.s32 $0x1, s13  }
0x1f: {  	p0 =	sne.s32 s8, s16  }
.Ltmp1:
0x20: {  	_ = 	snop;
	(pc) =	sbr.rel @!p0 .LBB2_10-.Ltmp1, $3  }
0x21: {  	_ =	sdelay $0x1  }
0x22: {  	[sflag:s12] =	ssyncset.done $0x0  }
0x23: {  	[sflag:s12] =	ssyncadd.s32 $0xFFFFC000  }
.LBB2_1:
0x24: {  	[dreg:$0xe] =	wrdreg s8  }
0x25: {  	s4 =	rddreg [dreg:$0x6]  }
0x26: {  	s16 =	rddreg [dreg:$0x7]  }
0x27: {  	s9 =	rddreg [dreg:$0xd]  }
0x28: {  	s10 =	simm.s32 $0x80;
	s11 =	simm.s32 $0x10;
	s13 =	simm.s32 $0x1  }
0x29: {  	[spmem:s9@s10], [sflag:s16] =	dma.strided [hbm:s4@s11], $0x40, s13, $0x10   }
0x2a: {  	_ =	swait.ge [sflag:s12], $0x40  }
0x2b: {  	[sflag:s12] =	ssyncset.done $0x0  }
0x2c: {  	s8 =	simm.s32 $0x0;
	s9 =	rddreg [dreg:$0x5];
	[sflag:s12] =	ssyncadd.s32 $0xFFFFFFC0  }
0x2d: {  	[smem:s8], [sflag:$0x5] =	stream.linear.gather [spmem:s9], $0x80, $0x38;
	[tilespmem:$0x14200] =	vst v63  }
0x2e: {  	s4 =	rddreg [dreg:$0xa]  }
0x2f: {  	[smem:s10], [sflag:$0x5] =	stream.linear.gather [spmem:s4], $0x80, $0x38;
	[tilespmem:$0x14200] =	vst v63  }
0x30: {  	s10 =	simm.s32 $0x100;
	s4 =	rddreg [dreg:$0xb]  }
0x31: {  	[smem:s10], [sflag:$0x5] =	stream.linear.gather [spmem:s4], $0x80, $0x38;
	[tilespmem:$0x14200] =	vst v63  }
0x32: {  	s11 =	simm.s32 $0x180;
	s4 =	rddreg [dreg:$0xc]  }
0x33: {  	[smem:s11], [sflag:$0x5] =	stream.linear.gather [spmem:s4], $0x80, $0x38;
	[tilespmem:$0x14200] =	vst v63  }
0x34: {  	_ =	swait.ge [sflag:s12], $0x200  }
0x35: {  	[sflag:s12] =	ssyncset.done $0x0  }
0x36: {  	[sflag:s12] =	ssyncadd.s32 $0xFFFFFE00  }
0x37: {  	s13 =	sld [smem:$0x0];
	_ =	sdelay $0x2  }
0x38: {  	s16 =	sand.u32 $0x7F, s13  }
0x39: {  	s8 =	sshra.s32 s13, $0x1F;
	p1 =	slt.s32 s13, $0x1;
	p0 =	sne.s32 s16, $0x0  }
0x3a: {  	s9 =	sshrl.u32 s8, $0x19;
	p0 =	por !p1, !p0  }
0x3b: {  	s4 =	sadd.s32 s9, s13;
	s9 =	simm.s32 $0x1;
	p0 =	por !p0, !p0  }
0x3c: {  	s10 =	sld [smem:$0x1];
	s4 =	sshrl.u32 s4, $0x7;
	s9 =	simm.s32 @!p0 $0x0  }
0x3d: {  	s4 =	ssub.s32 s4, s9  }
0x3e: {  	s4 =	sshll.u32 s4, $0x7  }
0x3f: {  	s11 =	sand.u32 $0x7F, s10;
	s12 =	sshra.s32 s10, $0x1F;
	s4 =	sand.u32 $0x1FFFFF80, s4  }
0x40: {  	p4 =	slt.s32 s10, $0x1;
	p3 =	sne.s32 s11, $0x0;
	s4 =	sadd.s32 s1, s4  }
0x41: {  	[tilespmem:s23], [sflag:$0x1] =	stream.strided.gather [hbm4b:s4+s20], $0x1000, s19, s20, $0x38;
	[tilespmem:$0x14200] =	vst v63  }
0x42: {  	p0 =	por !p4, !p3;
	s4 =	sshrl.u32 s12, $0x19  }
0x43: {  	p0 =	por !p0, !p0;
	s9 =	simm.s32 $0x1;
	s4 =	sadd.s32 s4, s10  }
0x44: {  	s13 =	sld [smem:$0x2];
	s9 =	simm.s32 @!p0 $0x0;
	s4 =	sshrl.u32 s4, $0x7  }
0x45: {  	s4 =	ssub.s32 s4, s9  }
0x46: {  	s4 =	sshll.u32 s4, $0x7  }
0x47: {  	s16 =	sand.u32 $0x7F, s13;
	p6 =	slt.s32 s13, $0x1;
	s4 =	sand.u32 $0x1FFFFF80, s4  }
0x48: {  	p5 =	sne.s32 s16, $0x0;
	s23 =	sshra.s32 s13, $0x1F;
	s4 =	sadd.s32 s1, s4  }
0x49: {  	[tilespmem:s24], [sflag:$0x1] =	stream.strided.gather [hbm4b:s4+s20], $0x1000, s19, s20, $0x38;
	[tilespmem:$0x14200] =	vst v63  }
0x4a: {  	p0 =	por !p6, !p5;
	s4 =	sshrl.u32 s23, $0x19  }
0x4b: {  	p0 =	por !p0, !p0;
	s9 =	simm.s32 $0x1;
	s4 =	sadd.s32 s4, s13  }
0x4c: {  	s9 =	simm.s32 @!p0 $0x0;
	s24 =	sld [smem:$0x3];
	s4 =	sshrl.u32 s4, $0x7  }
0x4d: {  	s4 =	ssub.s32 s4, s9  }
0x4e: {  	s4 =	sshll.u32 s4, $0x7  }
0x4f: {  	s8 =	sand.u32 $0x7F, s24;
	s10 =	sshra.s32 s24, $0x1F;
	s4 =	sand.u32 $0x1FFFFF80, s4  }
0x50: {  	p2 =	slt.s32 s24, $0x1;
	p1 =	sne.s32 s8, $0x0;
	s4 =	sadd.s32 s1, s4  }
0x51: {  	[tilespmem:s25], [sflag:$0x1] =	stream.strided.gather [hbm4b:s4+s20], $0x1000, s19, s20, $0x38;
	[tilespmem:$0x14200] =	vst v63  }
0x52: {  	p0 =	por !p2, !p1;
	s4 =	sshrl.u32 s10, $0x19  }
0x53: {  	s9 =	simm.s32 $0x1;
	p0 =	por !p0, !p0;
	s4 =	sadd.s32 s4, s24  }
0x54: {  	s11 =	sld [smem:$0x4];
	s9 =	simm.s32 @!p0 $0x0;
	s4 =	sshrl.u32 s4, $0x7  }
0x55: {  	s4 =	ssub.s32 s4, s9  }
0x56: {  	s4 =	sshll.u32 s4, $0x7  }
0x57: {  	p4 =	slt.s32 s11, $0x1;
	s12 =	sand.u32 $0x7F, s11;
	s4 =	sand.u32 $0x1FFFFF80, s4  }
0x58: {  	p3 =	sne.s32 s12, $0x0;
	s13 =	sshra.s32 s11, $0x1F;
	s4 =	sadd.s32 s1, s4  }
0x59: {  	[tilespmem:s26], [sflag:$0x1] =	stream.strided.gather [hbm4b:s4+s20], $0x1000, s19, s20, $0x38;
	[tilespmem:$0x14200] =	vst v63  }
0x5a: {  	p0 =	por !p4, !p3;
	s4 =	sshrl.u32 s13, $0x19  }
0x5b: {  	p0 =	por !p0, !p0;
	s9 =	simm.s32 $0x1;
	s4 =	sadd.s32 s4, s11  }
0x5c: {  	s16 =	sld [smem:$0x5];
	s9 =	simm.s32 @!p0 $0x0;
	s4 =	sshrl.u32 s4, $0x7  }
0x5d: {  	s4 =	ssub.s32 s4, s9  }
0x5e: {  	s4 =	sshll.u32 s4, $0x7  }
0x5f: {  	p6 =	slt.s32 s16, $0x1;
	s23 =	sand.u32 $0x7F, s16;
	s4 =	sand.u32 $0x1FFFFF80, s4  }
0x60: {  	p5 =	sne.s32 s23, $0x0;
	s24 =	sshra.s32 s16, $0x1F;
	s4 =	sadd.s32 s1, s4  }
0x61: {  	[tilespmem:s28], [sflag:$0x2] =	stream.strided.gather [hbm4b:s4+s20], $0x1000, s19, s20, $0x38;
	[tilespmem:$0x14200] =	vst v63  }
0x62: {  	p0 =	por !p6, !p5;
	s4 =	sshrl.u32 s24, $0x19  }
0x63: {  	p0 =	por !p0, !p0;
	s9 =	simm.s32 $0x1;
	s4 =	sadd.s32 s4, s16  }
0x64: {  	s25 =	sld [smem:$0x6];
	s9 =	simm.s32 @!p0 $0x0;
	s4 =	sshrl.u32 s4, $0x7  }
0x65: {  	s4 =	ssub.s32 s4, s9  }
0x66: {  	s4 =	sshll.u32 s4, $0x7  }
0x67: {  	p2 =	slt.s32 s25, $0x1;
	s26 =	sand.u32 $0x7F, s25;
	s4 =	sand.u32 $0x1FFFFF80, s4  }
0x68: {  	p1 =	sne.s32 s26, $0x0;
	s28 =	sshra.s32 s25, $0x1F;
	s4 =	sadd.s32 s1, s4  }
0x69: {  	[tilespmem:s29], [sflag:$0x2] =	stream.strided.gather [hbm4b:s4+s20], $0x1000, s19, s20, $0x38;
	[tilespmem:$0x14200] =	vst v63  }
0x6a: {  	p0 =	por !p2, !p1;
	s4 =	sshrl.u32 s28, $0x19  }
0x6b: {  	p0 =	por !p0, !p0;
	s9 =	simm.s32 $0x1;
	s4 =	sadd.s32 s4, s25  }
0x6c: {  	s9 =	simm.s32 @!p0 $0x0;
	s29 =	sld [smem:$0x7];
	s4 =	sshrl.u32 s4, $0x7  }
0x6d: {  	s4 =	ssub.s32 s4, s9  }
0x6e: {  	s4 =	sshll.u32 s4, $0x7  }
0x6f: {  	s8 =	sand.u32 $0x7F, s29;
	s10 =	sshra.s32 s29, $0x1F;
	s4 =	sand.u32 $0x1FFFFF80, s4  }
0x70: {  	p4 =	slt.s32 s29, $0x1;
	p3 =	sne.s32 s8, $0x0;
	s4 =	sadd.s32 s1, s4  }
0x71: {  	[tilespmem:s30], [sflag:$0x2] =	stream.strided.gather [hbm4b:s4+s20], $0x1000, s19, s20, $0x38;
	[tilespmem:$0x14200] =	vst v63  }
0x72: {  	p0 =	por !p4, !p3;
	s4 =	sshrl.u32 s10, $0x19  }
0x73: {  	s9 =	simm.s32 $0x1;
	p0 =	por !p0, !p0;
	s4 =	sadd.s32 s4, s29  }
0x74: {  	s11 =	sld [smem:$0x8];
	s9 =	simm.s32 @!p0 $0x0;
	s4 =	sshrl.u32 s4, $0x7  }
0x75: {  	s4 =	ssub.s32 s4, s9  }
0x76: {  	s4 =	sshll.u32 s4, $0x7  }
0x77: {  	s12 =	sand.u32 $0x7F, s11;
	s13 =	sshra.s32 s11, $0x1F;
	s4 =	sand.u32 $0x1FFFFF80, s4  }
0x78: {  	p6 =	slt.s32 s11, $0x1;
	p5 =	sne.s32 s12, $0x0;
	s4 =	sadd.s32 s1, s4  }
0x79: {  	[tilespmem:s31], [sflag:$0x2] =	stream.strided.gather [hbm4b:s4+s20], $0x1000, s19, s20, $0x38;
	[tilespmem:$0x14200] =	vst v63  }
0x7a: {  	p0 =	por !p6, !p5;
	s4 =	sshrl.u32 s13, $0x19  }
0x7b: {  	p0 =	por !p0, !p0;
	s9 =	simm.s32 $0x1;
	s4 =	sadd.s32 s4, s11  }
0x7c: {  	s16 =	sld [smem:$0x9];
	s9 =	simm.s32 @!p0 $0x0;
	s4 =	sshrl.u32 s4, $0x7  }
0x7d: {  	s4 =	ssub.s32 s4, s9  }
0x7e: {  	s4 =	sshll.u32 s4, $0x7  }
0x7f: {  	s23 =	sand.u32 $0x7F, s16;
	s24 =	sshra.s32 s16, $0x1F;
	s4 =	sand.u32 $0x1FFFFF80, s4  }
0x80: {  	p2 =	slt.s32 s16, $0x1;
	p1 =	sne.s32 s23, $0x0;
	s4 =	sadd.s32 s1, s4  }
0x81: {  	[tilespmem:s0], [sflag:$0x3] =	stream.strided.gather [hbm4b:s4+s20], $0x1000, s19, s20, $0x38;
	[tilespmem:$0x14200] =	vst v63  }
0x82: {  	p0 =	por !p2, !p1;
	s4 =	sshrl.u32 s24, $0x19  }
0x83: {  	p0 =	por !p0, !p0;
	s9 =	simm.s32 $0x1;
	s4 =	sadd.s32 s4, s16  }
0x84: {  	s25 =	sld [smem:$0xA];
	s9 =	simm.s32 @!p0 $0x0;
	s4 =	sshrl.u32 s4, $0x7  }
0x85: {  	s4 =	ssub.s32 s4, s9  }
0x86: {  	s4 =	sshll.u32 s4, $0x7  }
0x87: {  	s26 =	sand.u32 $0x7F, s25;
	s28 =	sshra.s32 s25, $0x1F;
	s4 =	sand.u32 $0x1FFFFF80, s4  }
0x88: {  	p3 =	sne.s32 s26, $0x0;
	p4 =	slt.s32 s25, $0x1;
	s4 =	sadd.s32 s1, s4  }
0x89: {  	[tilespmem:s3], [sflag:$0x3] =	stream.strided.gather [hbm4b:s4+s20], $0x1000, s19, s20, $0x38;
	[tilespmem:$0x14200] =	vst v63  }
0x8a: {  	p0 =	por !p4, !p3;
	s4 =	sshrl.u32 s28, $0x19  }
0x8b: {  	p0 =	por !p0, !p0;
	s9 =	simm.s32 $0x1;
	s4 =	sadd.s32 s4, s25  }
0x8c: {  	s29 =	sld [smem:$0xB];
	s9 =	simm.s32 @!p0 $0x0;
	s4 =	sshrl.u32 s4, $0x7  }
0x8d: {  	s4 =	ssub.s32 s4, s9  }
0x8e: {  	s4 =	sshll.u32 s4, $0x7  }
0x8f: {  	s30 =	sand.u32 $0x7F, s29;
	p6 =	slt.s32 s29, $0x1;
	s4 =	sand.u32 $0x1FFFFF80, s4  }
0x90: {  	p5 =	sne.s32 s30, $0x0;
	s31 =	sshra.s32 s29, $0x1F;
	s4 =	sadd.s32 s1, s4  }
0x91: {  	[tilespmem:s22], [sflag:$0x3] =	stream.strided.gather [hbm4b:s4+s20], $0x1000, s19, s20, $0x38;
	[tilespmem:$0x14200] =	vst v63  }
0x92: {  	p0 =	por !p6, !p5;
	s4 =	sshrl.u32 s31, $0x19  }
0x93: {  	p0 =	por !p0, !p0;
	s9 =	simm.s32 $0x1;
	s4 =	sadd.s32 s4, s29  }
0x94: {  	s9 =	simm.s32 @!p0 $0x0;
	s4 =	sshrl.u32 s4, $0x7  }
.Ltmp2:
0x95: {  	s4 =	ssub.s32 s4, s9;
	(pc) =	sbr.rel .LBB2_2-.Ltmp2, $4  }
0x96: {  	s4 =	sshll.u32 s4, $0x7  }
0x97: {  	s4 =	sand.u32 $0x1FFFFF80, s4  }
0x98: {  	s10 =	simm.s32 $0x0;
	s9 =	simm.s32 $0xE;
	s4 =	sadd.s32 s1, s4  }
0x99: {  	[tilespmem:s2], [sflag:$0x3] =	stream.strided.gather [hbm4b:s4+s20], $0x1000, s19, s20, $0x38;
	[tilespmem:$0x14200] =	vst v63  }
.LBB2_8:
0x9a: {  	_ =	swait.ge [sflag:s14], $0x4000  }
0x9b: {  	[sflag:s14] =	ssyncset.done $0x0  }
0x9c: {  	s8 =	sshll.u32 s16, $0x7;
	[sflag:s14] =	ssyncadd.s32 $0xFFFFC000  }
0x9d: {  	s8 =	ssub.s32 s12, s8;
	s12 =	sld [smem:s9+$0xFFFFFFFF]  }
0x9e: {  	s13 =	sadd.s32 $0xC, s10;
	v4 =	vadd.s32 s8, v0  }
0x9f: {  	v5 =	vmov s13;
	v6 =	vadd.s32 s8, v1  }
0xa0: {  	v7 =	vshll.u32 v5, $0x3;
	s21 =	sshra.s32 s12, $0x1F  }
0xa1: {  	v5 =	vand.u32 $0x7C, v5;
	v7 =	vand.u32 $0xC00, v7;
	s8 =	sshrl.u32 s21, $0x19  }
0xa2: {  	v5 =	vor.u32 v5, v7;
	s21 =	simm.s32 $0xC200;
	s8 =	sadd.s32 s8, s12  }
0xa3: {  	v7 =	vor.u32 v2, v5;
	v4 =	vld.idx.msk [tilespmem:v4+s21+$0x0], $0xffff;
	s8 =	sand.u32 $0xFFFFFF80, s8  }
0xa4: {  	v5 =	vor.u32 v3, v5;
	v6 =	vld.idx.msk [tilespmem:v6+s21+$0x0], $0xffff;
	s8 =	ssub.s32 s12, s8;
	s12 =	sld [smem:s9+$0x0]  }
0xa5: {  	s13 =	sadd.s32 $0xD, s10;
	v8 =	vadd.s32 s8, v0  }
0xa6: {  	v9 =	vmov s13;
	v10 =	vadd.s32 s8, v1  }
0xa7: {  	v11 =	vshll.u32 v9, $0x3;
	s16 =	sshra.s32 s12, $0x1F  }
0xa8: {  	v51 =	vand.u32 $0xC00, v11;
	[tilespmem:v7+s5+$0x0] =	vst.idx.msk $0xffff, v4;
	v4 =	vand.u32 $0x7D, v9;
	s8 =	sshrl.u32 s16, $0x19  }
0xa9: {  	[tilespmem:v5+s5+$0x0] =	vst.idx.msk $0xffff, v6;
	v4 =	vor.u32 v4, v51;
	s8 =	sadd.s32 s8, s12  }
0xaa: {  	v52 =	vor.u32 v2, v4;
	v5 =	vld.idx.msk [tilespmem:v8+s15+$0x0], $0xffff;
	s8 =	sand.u32 $0xFFFFFF80, s8  }
0xab: {  	v4 =	vor.u32 v3, v4;
	v53 =	vld.idx.msk [tilespmem:v10+s15+$0x0], $0xffff;
	s8 =	ssub.s32 s12, s8  }
0xac: {  	s13 =	sadd.s32 $0xE, s10;
	v54 =	vadd.s32 s8, v0  }
0xad: {  	v55 =	vmov s13;
	v56 =	vadd.s32 s8, v1  }
0xae: {  	v57 =	vshll.u32 v55, $0x3  }
0xaf: {  	v58 =	vand.u32 $0xC00, v57;
	[tilespmem:v52+s5+$0x0] =	vst.idx.msk $0xffff, v5;
	v5 =	vand.u32 $0x7E, v55  }
0xb0: {  	[tilespmem:v4+s5+$0x0] =	vst.idx.msk $0xffff, v53;
	v4 =	vor.u32 v5, v58  }
0xb1: {  	s4 =	sshll.u32 s4, $0x7;
	v5 =	vld.idx.msk [tilespmem:v54+s17+$0x0], $0xffff;
	v6 =	vor.u32 v2, v4  }
0xb2: {  	s4 =	ssub.s32 s11, s4;
	v7 =	vld.idx.msk [tilespmem:v56+s17+$0x0], $0xffff;
	v4 =	vor.u32 v3, v4  }
0xb3: {  	v59 =	vadd.s32 s4, v0;
	s16 =	sadd.s32 $0xF, s10  }
0xb4: {  	v61 =	vadd.s32 s4, v1;
	v60 =	vmov s16  }
0xb5: {  	v62 =	vshll.u32 v60, $0x3  }
0xb6: {  	v63 =	vand.u32 $0xC00, v62;
	[tilespmem:v6+s5+$0x0] =	vst.idx.msk $0xffff, v5;
	v5 =	vand.u32 $0x7F, v60  }
0xb7: {  	[tilespmem:v4+s5+$0x0] =	vst.idx.msk $0xffff, v7;
	v4 =	vor.u32 v5, v63  }
0xb8: {  	s10 =	sadd.s32 $0x10, s10;
	v5 =	vld.idx.msk [tilespmem:v59+s18+$0x0], $0xffff;
	v6 =	vor.u32 v2, v4  }
0xb9: {  	p0 =	sne.s32 s10, $0x200;
	v7 =	vld.idx.msk [tilespmem:v61+s18+$0x0], $0xffff;
	v4 =	vor.u32 v3, v4  }
.Ltmp3:
0xba: {  	_ = 	snop;
	(pc) =	sbr.rel @!p0 .LBB2_9-.Ltmp3, $3  }
0xbb: {  	_ =	sdelay $0x1  }
0xbc: {  	[tilespmem:v6+s5+$0x0] =	vst.idx.msk $0xffff, v5  }
0xbd: {  	s9 =	sadd.s32 $0x10, s9;
	[tilespmem:v4+s5+$0x0] =	vst.idx.msk $0xffff, v7  }
.LBB2_2:
0xbe: {  	s12 =	sld [smem:s9+$0xFFFFFFFE];
	_ =	sdelay $0x2  }
0xbf: {  	s4 =	sand.u32 $0x7F, s12  }
0xc0: {  	s11 =	sshra.s32 s12, $0x1F;
	p0 =	slt.s32 s12, $0x1;
	p1 =	sne.s32 s4, $0x0  }
0xc1: {  	s31 =	sld [smem:s9+$0xFFFFFFFF];
	s30 =	sshrl.u32 s11, $0x19;
	p0 =	por !p0, !p1  }
0xc2: {  	s11 =	simm.s32 $0x1;
	s4 =	sadd.s32 s30, s12;
	p0 =	por !p0, !p0  }
0xc3: {  	s16 =	sshra.s32 s4, $0x7;
	s11 =	simm.s32 @!p0 $0x0  }
0xc4: {  	s3 =	sld [smem:s9+$0x0];
	s4 =	ssub.s32 s16, s11  }
0xc5: {  	s0 =	sand.u32 $0x7F, s31;
	s8 =	sshra.s32 s31, $0x1F;
	s4 =	sshll.u32 s4, $0x7  }
0xc6: {  	p2 =	sne.s32 s0, $0x0;
	p1 =	slt.s32 s31, $0x1;
	s4 =	sand.u32 $0x1FFFFF80, s4  }
0xc7: {  	s2 =	sshrl.u32 s8, $0x19;
	p0 =	por !p1, !p2;
	s4 =	sadd.s32 s1, s4  }
0xc8: {  	[tilespmem:s21], [sflag:$0x4] =	stream.strided.gather [hbm4b:s4+s20], $0x1000, s19, s20, $0x38;
	[tilespmem:$0x14200] =	vst v63  }
0xc9: {  	s8 =	simm.s32 $0x1;
	p0 =	por !p0, !p0;
	s4 =	sadd.s32 s2, s31  }
0xca: {  	s8 =	simm.s32 @!p0 $0x0;
	s4 =	sshrl.u32 s4, $0x7  }
0xcb: {  	s13 =	sand.u32 $0x7F, s3;
	s4 =	ssub.s32 s4, s8  }
0xcc: {  	p3 =	slt.s32 s3, $0x1;
	p4 =	sne.s32 s13, $0x0;
	s4 =	sshll.u32 s4, $0x7  }
0xcd: {  	s11 =	sld [smem:s9+$0x1];
	s21 =	sshra.s32 s3, $0x1F;
	s4 =	sand.u32 $0x1FFFFF80, s4  }
0xce: {  	p0 =	por !p3, !p4;
	s22 =	sshrl.u32 s21, $0x19;
	s4 =	sadd.s32 s1, s4  }
0xcf: {  	[tilespmem:s15], [sflag:$0x4] =	stream.strided.gather [hbm4b:s4+s20], $0x1000, s19, s20, $0x38;
	[tilespmem:$0x14200] =	vst v63  }
0xd0: {  	p0 =	por !p0, !p0;
	s8 =	simm.s32 $0x1;
	s4 =	sadd.s32 s22, s3  }
0xd1: {  	s8 =	simm.s32 @!p0 $0x0;
	s4 =	sshrl.u32 s4, $0x7  }
0xd2: {  	s4 =	ssub.s32 s4, s8  }
0xd3: {  	s23 =	sand.u32 $0x7F, s11;
	s24 =	sshra.s32 s11, $0x1F;
	s4 =	sshll.u32 s4, $0x7  }
0xd4: {  	p5 =	slt.s32 s11, $0x1;
	p6 =	sne.s32 s23, $0x0;
	s4 =	sand.u32 $0x1FFFFF80, s4  }
0xd5: {  	s25 =	sshrl.u32 s24, $0x19;
	p0 =	por !p5, !p6;
	s4 =	sadd.s32 s1, s4  }
0xd6: {  	[tilespmem:s17], [sflag:$0x4] =	stream.strided.gather [hbm4b:s4+s20], $0x1000, s19, s20, $0x38;
	[tilespmem:$0x14200] =	vst v63  }
0xd7: {  	p0 =	por !p0, !p0;
	s8 =	simm.s32 $0x1;
	s4 =	sadd.s32 s25, s11  }
0xd8: {  	s8 =	simm.s32 @!p0 $0x0;
	s4 =	sshra.s32 s4, $0x7  }
0xd9: {  	s8 =	ssub.s32 s4, s8  }
0xda: {  	s8 =	sshll.u32 s8, $0x7  }
0xdb: {  	s8 =	sand.u32 $0x1FFFFF80, s8  }
0xdc: {  	s0 =	simm.s32 $0x1;
	s8 =	sadd.s32 s1, s8  }
0xdd: {  	[tilespmem:s18], [sflag:$0x4] =	stream.strided.gather [hbm4b:s8+s20], $0x1000, s19, s20, $0x38;
	[tilespmem:$0x14200] =	vst v63  }
0xde: {  	_ =	swait.ge [sflag:s0], $0x4000  }
0xdf: {  	[sflag:s0] =	ssyncset.done $0x0  }
0xe0: {  	[sflag:s0] =	ssyncadd.s32 $0xFFFFC000  }
0xe1: {  	s26 =	sld [smem:s9+$0xFFFFFFF2];
	_ =	sdelay $0x2  }
0xe2: {  	s28 =	sshra.s32 s26, $0x1F  }
0xe3: {  	s21 =	sshrl.u32 s28, $0x19  }
0xe4: {  	s21 =	sadd.s32 s21, s26  }
0xe5: {  	s21 =	sand.u32 $0xFFFFFF80, s21  }
0xe6: {  	s29 =	sld [smem:s9+$0xFFFFFFF3];
	s8 =	ssub.s32 s26, s21  }
0xe7: {  	v4 =	vadd.s32 s8, v0  }
0xe8: {  	v5 =	vmov s10;
	v6 =	vadd.s32 s8, v1  }
0xe9: {  	v7 =	vshll.u32 v5, $0x3;
	s30 =	sshra.s32 s29, $0x1F  }
0xea: {  	v5 =	vand.u32 $0x70, v5;
	v7 =	vand.u32 $0xC00, v7;
	s8 =	sshrl.u32 s30, $0x19  }
0xeb: {  	v5 =	vor.u32 v5, v7;
	s22 =	simm.s32 $0x200;
	s8 =	sadd.s32 s8, s29  }
0xec: {  	v7 =	vor.u32 v2, v5;
	s8 =	sand.u32 $0xFFFFFF80, s8;
	v4 =	vld.idx.msk [tilespmem:v4+s22+$0x0], $0xffff  }
0xed: {  	v5 =	vor.u32 v3, v5;
	s31 =	sld [smem:s9+$0xFFFFFFF4];
	s8 =	ssub.s32 s29, s8;
	v6 =	vld.idx.msk [tilespmem:v6+s22+$0x0], $0xffff  }
0xee: {  	s0 =	sadd.s32 $0x1, s10;
	v8 =	vadd.s32 s8, v0  }
0xef: {  	v9 =	vmov s0;
	v10 =	vadd.s32 s8, v1  }
0xf0: {  	v11 =	vshll.u32 v9, $0x3;
	s2 =	sshra.s32 s31, $0x1F  }
0xf1: {  	v51 =	vand.u32 $0xC00, v11;
	s8 =	sshrl.u32 s2, $0x19;
	[tilespmem:v7+s5+$0x0] =	vst.idx.msk $0xffff, v4;
	v4 =	vand.u32 $0x71, v9  }
0xf2: {  	s3 =	simm.s32 $0x1200;
	s8 =	sadd.s32 s8, s31;
	[tilespmem:v5+s5+$0x0] =	vst.idx.msk $0xffff, v6;
	v4 =	vor.u32 v4, v51  }
0xf3: {  	s8 =	sand.u32 $0xFFFFFF80, s8;
	v5 =	vld.idx.msk [tilespmem:v8+s3+$0x0], $0xffff;
	v52 =	vor.u32 v2, v4  }
0xf4: {  	s13 =	sld [smem:s9+$0xFFFFFFF5];
	s8 =	ssub.s32 s31, s8;
	v53 =	vld.idx.msk [tilespmem:v10+s3+$0x0], $0xffff;
	v4 =	vor.u32 v3, v4  }
0xf5: {  	s26 =	sadd.s32 $0x2, s10;
	v54 =	vadd.s32 s8, v0  }
0xf6: {  	v55 =	vmov s26;
	v56 =	vadd.s32 s8, v1  }
0xf7: {  	s28 =	sshra.s32 s13, $0x1F;
	v57 =	vshll.u32 v55, $0x3  }
0xf8: {  	v58 =	vand.u32 $0xC00, v57;
	s8 =	sshrl.u32 s28, $0x19;
	[tilespmem:v52+s5+$0x0] =	vst.idx.msk $0xffff, v5;
	v5 =	vand.u32 $0x72, v55  }
0xf9: {  	s29 =	simm.s32 $0x2200;
	s8 =	sadd.s32 s8, s13;
	[tilespmem:v4+s5+$0x0] =	vst.idx.msk $0xffff, v53;
	v4 =	vor.u32 v5, v58  }
0xfa: {  	s8 =	sand.u32 $0xFFFFFF80, s8;
	v5 =	vld.idx.msk [tilespmem:v54+s29+$0x0], $0xffff;
	v6 =	vor.u32 v2, v4  }
0xfb: {  	s8 =	ssub.s32 s13, s8;
	v7 =	vld.idx.msk [tilespmem:v56+s29+$0x0], $0xffff;
	v4 =	vor.u32 v3, v4  }
0xfc: {  	s30 =	sadd.s32 $0x3, s10;
	v59 =	vadd.s32 s8, v0  }
0xfd: {  	v60 =	vmov s30;
	v61 =	vadd.s32 s8, v1  }
0xfe: {  	v62 =	vshll.u32 v60, $0x3  }
0xff: {  	v63 =	vand.u32 $0xC00, v62;
	[tilespmem:v6+s5+$0x0] =	vst.idx.msk $0xffff, v5;
	v5 =	vand.u32 $0x73, v60  }
0x100: {  	s31 =	simm.s32 $0x3200;
	[tilespmem:v4+s5+$0x0] =	vst.idx.msk $0xffff, v7;
	v4 =	vor.u32 v5, v63  }
0x101: {  	v5 =	vld.idx.msk [tilespmem:v59+s31+$0x0], $0xffff;
	v6 =	vor.u32 v2, v4  }
0x102: {  	p0 =	seq.s32 s10, $0x1F0;
	v7 =	vld.idx.msk [tilespmem:v61+s31+$0x0], $0xffff;
	v4 =	vor.u32 v3, v4  }
.Ltmp4:
0x103: {  	_ = 	snop;
	(pc) =	sbr.rel @p0 .LBB2_4-.Ltmp4, $3  }
0x104: {  	_ =	sdelay $0x1  }
0x105: {  	s23 =	simm.s32 $0x200;
	[tilespmem:v6+s5+$0x0] =	vst.idx.msk $0xffff, v5  }
0x106: {  	s24 =	simm.s32 $0x1200;
	s25 =	simm.s32 $0x2200;
	s26 =	simm.s32 $0x3200;
	[tilespmem:v4+s5+$0x0] =	vst.idx.msk $0xffff, v7  }
0x107: {  	s8 =	sld [smem:s9+$0x2];
	_ =	sdelay $0x2  }
0x108: {  	s21 =	sand.u32 $0x7F, s8  }
0x109: {  	s31 =	sshra.s32 s8, $0x1F;
	p2 =	slt.s32 s8, $0x1;
	p1 =	sne.s32 s21, $0x0  }
0x10a: {  	s21 =	sshrl.u32 s31, $0x19;
	p1 =	por !p2, !p1  }
0x10b: {  	s8 =	sadd.s32 s21, s8;
	s21 =	simm.s32 $0x1;
	p1 =	por !p1, !p1  }
0x10c: {  	s0 =	sld [smem:s9+$0x3];
	s8 =	sshrl.u32 s8, $0x7;
	s21 =	simm.s32 @!p1 $0x0  }
0x10d: {  	s8 =	ssub.s32 s8, s21  }
0x10e: {  	s8 =	sshll.u32 s8, $0x7  }
0x10f: {  	s2 =	sand.u32 $0x7F, s0;
	s3 =	sshra.s32 s0, $0x1F;
	s8 =	sand.u32 $0x1FFFFF80, s8  }
0x110: {  	p6 =	slt.s32 s0, $0x1;
	p5 =	sne.s32 s2, $0x0;
	s8 =	sadd.s32 s1, s8  }
0x111: {  	[tilespmem:s23], [sflag:$0x1] =	stream.strided.gather [hbm4b:s8+s20], $0x1000, s19, s20, $0x38;
	[tilespmem:$0x14200] =	vst v63  }
0x112: {  	p1 =	por !p6, !p5;
	s8 =	sshrl.u32 s3, $0x19  }
0x113: {  	p1 =	por !p1, !p1;
	s21 =	simm.s32 $0x1;
	s8 =	sadd.s32 s8, s0  }
0x114: {  	s13 =	sld [smem:s9+$0x4];
	s21 =	simm.s32 @!p1 $0x0;
	s8 =	sshrl.u32 s8, $0x7  }
0x115: {  	s8 =	ssub.s32 s8, s21  }
0x116: {  	s8 =	sshll.u32 s8, $0x7  }
0x117: {  	s22 =	sand.u32 $0x7F, s13;
	s28 =	sshra.s32 s13, $0x1F;
	s8 =	sand.u32 $0x1FFFFF80, s8  }
0x118: {  	p4 =	slt.s32 s13, $0x1;
	p3 =	sne.s32 s22, $0x0;
	s8 =	sadd.s32 s1, s8  }
0x119: {  	[tilespmem:s24], [sflag:$0x1] =	stream.strided.gather [hbm4b:s8+s20], $0x1000, s19, s20, $0x38;
	[tilespmem:$0x14200] =	vst v63  }
0x11a: {  	p1 =	por !p4, !p3;
	s8 =	sshrl.u32 s28, $0x19  }
0x11b: {  	p1 =	por !p1, !p1;
	s21 =	simm.s32 $0x1;
	s8 =	sadd.s32 s8, s13  }
0x11c: {  	s29 =	sld [smem:s9+$0x5];
	s21 =	simm.s32 @!p1 $0x0;
	s8 =	sshrl.u32 s8, $0x7  }
0x11d: {  	s8 =	ssub.s32 s8, s21  }
0x11e: {  	s8 =	sshll.u32 s8, $0x7  }
0x11f: {  	s30 =	sand.u32 $0x7F, s29;
	s31 =	sshra.s32 s29, $0x1F;
	s8 =	sand.u32 $0x1FFFFF80, s8  }
0x120: {  	p5 =	sne.s32 s30, $0x0;
	p6 =	slt.s32 s29, $0x1;
	s8 =	sadd.s32 s1, s8  }
0x121: {  	[tilespmem:s25], [sflag:$0x1] =	stream.strided.gather [hbm4b:s8+s20], $0x1000, s19, s20, $0x38;
	[tilespmem:$0x14200] =	vst v63  }
0x122: {  	p1 =	por !p6, !p5;
	s8 =	sshrl.u32 s31, $0x19  }
0x123: {  	p1 =	por !p1, !p1;
	s21 =	simm.s32 $0x1;
	s8 =	sadd.s32 s8, s29  }
0x124: {  	s21 =	simm.s32 @!p1 $0x0;
	s8 =	sshrl.u32 s8, $0x7  }
0x125: {  	s8 =	ssub.s32 s8, s21  }
0x126: {  	s8 =	sshll.u32 s8, $0x7  }
0x127: {  	s8 =	sand.u32 $0x1FFFFF80, s8  }
0x128: {  	s8 =	sadd.s32 s1, s8  }
0x129: {  	[tilespmem:s26], [sflag:$0x1] =	stream.strided.gather [hbm4b:s8+s20], $0x1000, s19, s20, $0x38;
	[tilespmem:$0x14200] =	vst v63  }
.LBB2_4:
0x12a: {  	_ =	swait.ge [sflag:s6], $0x4000  }
0x12b: {  	[sflag:s6] =	ssyncset.done $0x0  }
0x12c: {  	[sflag:s6] =	ssyncadd.s32 $0xFFFFC000  }
0x12d: {  	s8 =	sld [smem:s9+$0xFFFFFFF6];
	_ =	sdelay $0x2  }
0x12e: {  	s21 =	sshra.s32 s8, $0x1F  }
0x12f: {  	s21 =	sshrl.u32 s21, $0x19  }
0x130: {  	s21 =	sadd.s32 s21, s8  }
0x131: {  	s21 =	sand.u32 $0xFFFFFF80, s21  }
0x132: {  	s0 =	sld [smem:s9+$0xFFFFFFF7];
	s8 =	ssub.s32 s8, s21  }
0x133: {  	s22 =	sadd.s32 $0x4, s10;
	v4 =	vadd.s32 s8, v0  }
0x134: {  	v5 =	vmov s22;
	v6 =	vadd.s32 s8, v1  }
0x135: {  	v7 =	vshll.u32 v5, $0x3;
	s2 =	sshra.s32 s0, $0x1F  }
0x136: {  	v5 =	vand.u32 $0x74, v5;
	v7 =	vand.u32 $0xC00, v7;
	s8 =	sshrl.u32 s2, $0x19  }
0x137: {  	s3 =	simm.s32 $0x4200;
	v5 =	vor.u32 v5, v7;
	s8 =	sadd.s32 s8, s0  }
0x138: {  	v7 =	vor.u32 v2, v5;
	s8 =	sand.u32 $0xFFFFFF80, s8;
	v4 =	vld.idx.msk [tilespmem:v4+s3+$0x0], $0xffff  }
0x139: {  	s13 =	sld [smem:s9+$0xFFFFFFF8];
	v5 =	vor.u32 v3, v5;
	s8 =	ssub.s32 s0, s8;
	v6 =	vld.idx.msk [tilespmem:v6+s3+$0x0], $0xffff  }
0x13a: {  	s0 =	sadd.s32 $0x5, s10;
	v8 =	vadd.s32 s8, v0  }
0x13b: {  	v9 =	vmov s0;
	v10 =	vadd.s32 s8, v1  }
0x13c: {  	s2 =	sshra.s32 s13, $0x1F;
	v11 =	vshll.u32 v9, $0x3  }
0x13d: {  	s8 =	sshrl.u32 s2, $0x19;
	v51 =	vand.u32 $0xC00, v11;
	[tilespmem:v7+s5+$0x0] =	vst.idx.msk $0xffff, v4;
	v4 =	vand.u32 $0x75, v9  }
0x13e: {  	s8 =	sadd.s32 s8, s13;
	s3 =	simm.s32 $0x5200;
	[tilespmem:v5+s5+$0x0] =	vst.idx.msk $0xffff, v6;
	v4 =	vor.u32 v4, v51  }
0x13f: {  	s8 =	sand.u32 $0xFFFFFF80, s8;
	v5 =	vld.idx.msk [tilespmem:v8+s3+$0x0], $0xffff;
	v52 =	vor.u32 v2, v4  }
0x140: {  	s8 =	ssub.s32 s13, s8;
	s13 =	sld [smem:s9+$0xFFFFFFF9];
	v53 =	vld.idx.msk [tilespmem:v10+s3+$0x0], $0xffff;
	v4 =	vor.u32 v3, v4  }
0x141: {  	s0 =	sadd.s32 $0x6, s10;
	v54 =	vadd.s32 s8, v0  }
0x142: {  	v55 =	vmov s0;
	v56 =	vadd.s32 s8, v1  }
0x143: {  	v57 =	vshll.u32 v55, $0x3;
	s2 =	sshra.s32 s13, $0x1F  }
0x144: {  	v58 =	vand.u32 $0xC00, v57;
	s8 =	sshrl.u32 s2, $0x19;
	[tilespmem:v52+s5+$0x0] =	vst.idx.msk $0xffff, v5;
	v5 =	vand.u32 $0x76, v55  }
0x145: {  	s8 =	sadd.s32 s8, s13;
	s3 =	simm.s32 $0x6200;
	[tilespmem:v4+s5+$0x0] =	vst.idx.msk $0xffff, v53;
	v4 =	vor.u32 v5, v58  }
0x146: {  	s8 =	sand.u32 $0xFFFFFF80, s8;
	v5 =	vld.idx.msk [tilespmem:v54+s3+$0x0], $0xffff;
	v6 =	vor.u32 v2, v4  }
0x147: {  	s8 =	ssub.s32 s13, s8;
	v7 =	vld.idx.msk [tilespmem:v56+s3+$0x0], $0xffff;
	v4 =	vor.u32 v3, v4  }
0x148: {  	s13 =	sadd.s32 $0x7, s10;
	v59 =	vadd.s32 s8, v0  }
0x149: {  	v60 =	vmov s13;
	v61 =	vadd.s32 s8, v1  }
0x14a: {  	v62 =	vshll.u32 v60, $0x3  }
0x14b: {  	v63 =	vand.u32 $0xC00, v62;
	[tilespmem:v6+s5+$0x0] =	vst.idx.msk $0xffff, v5;
	v5 =	vand.u32 $0x77, v60  }
0x14c: {  	s22 =	simm.s32 $0x7200;
	[tilespmem:v4+s5+$0x0] =	vst.idx.msk $0xffff, v7;
	v4 =	vor.u32 v5, v63  }
0x14d: {  	v5 =	vld.idx.msk [tilespmem:v59+s22+$0x0], $0xffff;
	v6 =	vor.u32 v2, v4  }
0x14e: {  	v7 =	vld.idx.msk [tilespmem:v61+s22+$0x0], $0xffff;
	v4 =	vor.u32 v3, v4  }
.Ltmp5:
0x14f: {  	_ = 	snop;
	(pc) =	sbr.rel @p0 .LBB2_6-.Ltmp5, $3  }
0x150: {  	_ =	sdelay $0x1  }
0x151: {  	s28 =	simm.s32 $0x4200;
	[tilespmem:v6+s5+$0x0] =	vst.idx.msk $0xffff, v5  }
0x152: {  	s29 =	simm.s32 $0x5200;
	s30 =	simm.s32 $0x6200;
	s31 =	simm.s32 $0x7200;
	[tilespmem:v4+s5+$0x0] =	vst.idx.msk $0xffff, v7  }
0x153: {  	s8 =	sld [smem:s9+$0x6];
	_ =	sdelay $0x2  }
0x154: {  	s21 =	sand.u32 $0x7F, s8  }
0x155: {  	s0 =	sshra.s32 s8, $0x1F;
	p2 =	slt.s32 s8, $0x1;
	p1 =	sne.s32 s21, $0x0  }
0x156: {  	s21 =	sshrl.u32 s0, $0x19;
	p1 =	por !p2, !p1  }
0x157: {  	s8 =	sadd.s32 s21, s8;
	s21 =	simm.s32 $0x1;
	p1 =	por !p1, !p1  }
0x158: {  	s2 =	sld [smem:s9+$0x7];
	s8 =	sshrl.u32 s8, $0x7;
	s21 =	simm.s32 @!p1 $0x0  }
0x159: {  	s8 =	ssub.s32 s8, s21  }
0x15a: {  	s8 =	sshll.u32 s8, $0x7  }
0x15b: {  	s3 =	sand.u32 $0x7F, s2;
	s13 =	sshra.s32 s2, $0x1F;
	s8 =	sand.u32 $0x1FFFFF80, s8  }
0x15c: {  	p6 =	slt.s32 s2, $0x1;
	p5 =	sne.s32 s3, $0x0;
	s8 =	sadd.s32 s1, s8  }
0x15d: {  	[tilespmem:s28], [sflag:$0x2] =	stream.strided.gather [hbm4b:s8+s20], $0x1000, s19, s20, $0x38;
	[tilespmem:$0x14200] =	vst v63  }
0x15e: {  	p1 =	por !p6, !p5;
	s8 =	sshrl.u32 s13, $0x19  }
0x15f: {  	p1 =	por !p1, !p1;
	s21 =	simm.s32 $0x1;
	s8 =	sadd.s32 s8, s2  }
0x160: {  	s22 =	sld [smem:s9+$0x8];
	s21 =	simm.s32 @!p1 $0x0;
	s8 =	sshrl.u32 s8, $0x7  }
0x161: {  	s8 =	ssub.s32 s8, s21  }
0x162: {  	s8 =	sshll.u32 s8, $0x7  }
0x163: {  	p4 =	slt.s32 s22, $0x1;
	s0 =	sand.u32 $0x7F, s22;
	s8 =	sand.u32 $0x1FFFFF80, s8  }
0x164: {  	p3 =	sne.s32 s0, $0x0;
	s2 =	sshra.s32 s22, $0x1F;
	s8 =	sadd.s32 s1, s8  }
0x165: {  	[tilespmem:s29], [sflag:$0x2] =	stream.strided.gather [hbm4b:s8+s20], $0x1000, s19, s20, $0x38;
	[tilespmem:$0x14200] =	vst v63  }
0x166: {  	p1 =	por !p4, !p3;
	s8 =	sshrl.u32 s2, $0x19  }
0x167: {  	p1 =	por !p1, !p1;
	s21 =	simm.s32 $0x1;
	s8 =	sadd.s32 s8, s22  }
0x168: {  	s3 =	sld [smem:s9+$0x9];
	s21 =	simm.s32 @!p1 $0x0;
	s8 =	sshrl.u32 s8, $0x7  }
0x169: {  	s8 =	ssub.s32 s8, s21  }
0x16a: {  	s8 =	sshll.u32 s8, $0x7  }
0x16b: {  	p6 =	slt.s32 s3, $0x1;
	s13 =	sand.u32 $0x7F, s3;
	s8 =	sand.u32 $0x1FFFFF80, s8  }
0x16c: {  	p5 =	sne.s32 s13, $0x0;
	s22 =	sshra.s32 s3, $0x1F;
	s8 =	sadd.s32 s1, s8  }
0x16d: {  	[tilespmem:s30], [sflag:$0x2] =	stream.strided.gather [hbm4b:s8+s20], $0x1000, s19, s20, $0x38;
	[tilespmem:$0x14200] =	vst v63  }
0x16e: {  	p1 =	por !p6, !p5;
	s8 =	sshrl.u32 s22, $0x19  }
0x16f: {  	p1 =	por !p1, !p1;
	s21 =	simm.s32 $0x1;
	s8 =	sadd.s32 s8, s3  }
0x170: {  	s21 =	simm.s32 @!p1 $0x0;
	s8 =	sshrl.u32 s8, $0x7  }
0x171: {  	s8 =	ssub.s32 s8, s21  }
0x172: {  	s8 =	sshll.u32 s8, $0x7  }
0x173: {  	s8 =	sand.u32 $0x1FFFFF80, s8  }
0x174: {  	s8 =	sadd.s32 s1, s8  }
0x175: {  	[tilespmem:s31], [sflag:$0x2] =	stream.strided.gather [hbm4b:s8+s20], $0x1000, s19, s20, $0x38;
	[tilespmem:$0x14200] =	vst v63  }
.LBB2_6:
0x176: {  	_ =	swait.ge [sflag:s7], $0x4000  }
0x177: {  	[sflag:s7] =	ssyncset.done $0x0  }
0x178: {  	[sflag:s7] =	ssyncadd.s32 $0xFFFFC000  }
0x179: {  	s8 =	sld [smem:s9+$0xFFFFFFFA];
	_ =	sdelay $0x2  }
0x17a: {  	s21 =	sshra.s32 s8, $0x1F  }
0x17b: {  	s21 =	sshrl.u32 s21, $0x19  }
0x17c: {  	s21 =	sadd.s32 s21, s8  }
0x17d: {  	s21 =	sand.u32 $0xFFFFFF80, s21  }
0x17e: {  	s13 =	sld [smem:s9+$0xFFFFFFFB];
	s8 =	ssub.s32 s8, s21  }
0x17f: {  	s22 =	sadd.s32 $0x8, s10;
	v4 =	vadd.s32 s8, v0  }
0x180: {  	v5 =	vmov s22;
	v6 =	vadd.s32 s8, v1  }
0x181: {  	v7 =	vshll.u32 v5, $0x3;
	s2 =	sshra.s32 s13, $0x1F  }
0x182: {  	v5 =	vand.u32 $0x78, v5;
	v7 =	vand.u32 $0xC00, v7;
	s8 =	sshrl.u32 s2, $0x19  }
0x183: {  	s3 =	simm.s32 $0x8200;
	v5 =	vor.u32 v5, v7;
	s8 =	sadd.s32 s8, s13  }
0x184: {  	v7 =	vor.u32 v2, v5;
	s8 =	sand.u32 $0xFFFFFF80, s8;
	v4 =	vld.idx.msk [tilespmem:v4+s3+$0x0], $0xffff  }
0x185: {  	v5 =	vor.u32 v3, v5;
	s21 =	sld [smem:s9+$0xFFFFFFFC];
	s8 =	ssub.s32 s13, s8;
	v6 =	vld.idx.msk [tilespmem:v6+s3+$0x0], $0xffff  }
0x186: {  	s13 =	sadd.s32 $0x9, s10;
	v8 =	vadd.s32 s8, v0  }
0x187: {  	v9 =	vmov s13;
	v10 =	vadd.s32 s8, v1  }
0x188: {  	s22 =	sshra.s32 s21, $0x1F;
	v11 =	vshll.u32 v9, $0x3  }
0x189: {  	s8 =	sshrl.u32 s22, $0x19;
	v51 =	vand.u32 $0xC00, v11;
	[tilespmem:v7+s5+$0x0] =	vst.idx.msk $0xffff, v4;
	v4 =	vand.u32 $0x79, v9  }
0x18a: {  	s2 =	simm.s32 $0x9200;
	s8 =	sadd.s32 s8, s21;
	[tilespmem:v5+s5+$0x0] =	vst.idx.msk $0xffff, v6;
	v4 =	vor.u32 v4, v51  }
0x18b: {  	s8 =	sand.u32 $0xFFFFFF80, s8;
	v5 =	vld.idx.msk [tilespmem:v8+s2+$0x0], $0xffff;
	v52 =	vor.u32 v2, v4  }
0x18c: {  	s8 =	ssub.s32 s21, s8;
	s21 =	sld [smem:s9+$0xFFFFFFFD];
	v53 =	vld.idx.msk [tilespmem:v10+s2+$0x0], $0xffff;
	v4 =	vor.u32 v3, v4  }
0x18d: {  	s13 =	sadd.s32 $0xA, s10;
	v54 =	vadd.s32 s8, v0  }
0x18e: {  	v55 =	vmov s13;
	v56 =	vadd.s32 s8, v1  }
0x18f: {  	v57 =	vshll.u32 v55, $0x3;
	s2 =	sshra.s32 s21, $0x1F  }
0x190: {  	v58 =	vand.u32 $0xC00, v57;
	s8 =	sshrl.u32 s2, $0x19;
	[tilespmem:v52+s5+$0x0] =	vst.idx.msk $0xffff, v5;
	v5 =	vand.u32 $0x7A, v55  }
0x191: {  	s13 =	simm.s32 $0xA200;
	s8 =	sadd.s32 s8, s21;
	[tilespmem:v4+s5+$0x0] =	vst.idx.msk $0xffff, v53;
	v4 =	vor.u32 v5, v58  }
0x192: {  	s8 =	sand.u32 $0xFFFFFF80, s8;
	v5 =	vld.idx.msk [tilespmem:v54+s13+$0x0], $0xffff;
	v6 =	vor.u32 v2, v4  }
0x193: {  	s8 =	ssub.s32 s21, s8;
	v7 =	vld.idx.msk [tilespmem:v56+s13+$0x0], $0xffff;
	v4 =	vor.u32 v3, v4  }
0x194: {  	v59 =	vadd.s32 s8, v0;
	s13 =	sadd.s32 $0xB, s10  }
0x195: {  	v61 =	vadd.s32 s8, v1;
	v60 =	vmov s13  }
0x196: {  	v62 =	vshll.u32 v60, $0x3  }
0x197: {  	v63 =	vand.u32 $0xC00, v62;
	[tilespmem:v6+s5+$0x0] =	vst.idx.msk $0xffff, v5;
	v5 =	vand.u32 $0x7B, v60  }
0x198: {  	s21 =	simm.s32 $0xB200;
	[tilespmem:v4+s5+$0x0] =	vst.idx.msk $0xffff, v7;
	v4 =	vor.u32 v5, v63  }
0x199: {  	v5 =	vld.idx.msk [tilespmem:v59+s21+$0x0], $0xffff;
	v6 =	vor.u32 v2, v4  }
0x19a: {  	v7 =	vld.idx.msk [tilespmem:v61+s21+$0x0], $0xffff;
	v4 =	vor.u32 v3, v4  }
.Ltmp6:
0x19b: {  	_ = 	snop;
	(pc) =	sbr.rel @p0 .LBB2_8-.Ltmp6, $3  }
0x19c: {  	_ =	sdelay $0x1  }
0x19d: {  	s0 =	simm.s32 $0x8200;
	[tilespmem:v6+s5+$0x0] =	vst.idx.msk $0xffff, v5  }
0x19e: {  	s22 =	simm.s32 $0xA200;
	s3 =	simm.s32 $0x9200;
	s2 =	simm.s32 $0xB200;
	[tilespmem:v4+s5+$0x0] =	vst.idx.msk $0xffff, v7  }
0x19f: {  	s8 =	sld [smem:s9+$0xA];
	_ =	sdelay $0x2  }
0x1a0: {  	s21 =	sand.u32 $0x7F, s8  }
0x1a1: {  	s13 =	sshra.s32 s8, $0x1F;
	p1 =	slt.s32 s8, $0x1;
	p0 =	sne.s32 s21, $0x0  }
0x1a2: {  	s21 =	sshrl.u32 s13, $0x19;
	p0 =	por !p1, !p0  }
0x1a3: {  	s8 =	sadd.s32 s21, s8;
	s21 =	simm.s32 $0x1;
	p0 =	por !p0, !p0  }
0x1a4: {  	s8 =	sshrl.u32 s8, $0x7;
	s21 =	simm.s32 @!p0 $0x0  }
0x1a5: {  	s8 =	ssub.s32 s8, s21;
	s21 =	sld [smem:s9+$0xB]  }
0x1a6: {  	s8 =	sshll.u32 s8, $0x7  }
0x1a7: {  	s8 =	sand.u32 $0x1FFFFF80, s8  }
0x1a8: {  	s8 =	sadd.s32 s1, s8;
	s13 =	sand.u32 $0x7F, s21  }
0x1a9: {  	[tilespmem:s0], [sflag:$0x3] =	stream.strided.gather [hbm4b:s8+s20], $0x1000, s19, s20, $0x38;
	[tilespmem:$0x14200] =	vst v63  }
0x1aa: {  	p2 =	slt.s32 s21, $0x1;
	p1 =	sne.s32 s13, $0x0;
	s13 =	sshra.s32 s21, $0x1F  }
0x1ab: {  	s8 =	sshrl.u32 s13, $0x19;
	p0 =	por !p2, !p1  }
0x1ac: {  	s8 =	sadd.s32 s8, s21;
	p0 =	por !p0, !p0;
	s21 =	simm.s32 $0x1  }
0x1ad: {  	s8 =	sshrl.u32 s8, $0x7;
	s21 =	simm.s32 @!p0 $0x0  }
0x1ae: {  	s8 =	ssub.s32 s8, s21;
	s21 =	sld [smem:s9+$0xC]  }
0x1af: {  	s8 =	sshll.u32 s8, $0x7  }
0x1b0: {  	s8 =	sand.u32 $0x1FFFFF80, s8  }
0x1b1: {  	s8 =	sadd.s32 s1, s8;
	s13 =	sand.u32 $0x7F, s21  }
0x1b2: {  	[tilespmem:s3], [sflag:$0x3] =	stream.strided.gather [hbm4b:s8+s20], $0x1000, s19, s20, $0x38;
	[tilespmem:$0x14200] =	vst v63  }
0x1b3: {  	p4 =	slt.s32 s21, $0x1;
	p3 =	sne.s32 s13, $0x0;
	s13 =	sshra.s32 s21, $0x1F  }
0x1b4: {  	s8 =	sshrl.u32 s13, $0x19;
	p0 =	por !p4, !p3  }
0x1b5: {  	s8 =	sadd.s32 s8, s21;
	p0 =	por !p0, !p0;
	s21 =	simm.s32 $0x1  }
0x1b6: {  	s8 =	sshrl.u32 s8, $0x7;
	s21 =	simm.s32 @!p0 $0x0  }
0x1b7: {  	s8 =	ssub.s32 s8, s21;
	s21 =	sld [smem:s9+$0xD]  }
0x1b8: {  	s8 =	sshll.u32 s8, $0x7  }
0x1b9: {  	s8 =	sand.u32 $0x1FFFFF80, s8  }
0x1ba: {  	s8 =	sadd.s32 s1, s8;
	s13 =	sand.u32 $0x7F, s21  }
0x1bb: {  	[tilespmem:s22], [sflag:$0x3] =	stream.strided.gather [hbm4b:s8+s20], $0x1000, s19, s20, $0x38;
	[tilespmem:$0x14200] =	vst v63  }
0x1bc: {  	p6 =	slt.s32 s21, $0x1;
	p5 =	sne.s32 s13, $0x0;
	s13 =	sshra.s32 s21, $0x1F  }
0x1bd: {  	s8 =	sshrl.u32 s13, $0x19;
	p0 =	por !p6, !p5  }
0x1be: {  	s8 =	sadd.s32 s8, s21;
	p0 =	por !p0, !p0;
	s21 =	simm.s32 $0x1  }
0x1bf: {  	s8 =	sshrl.u32 s8, $0x7;
	s21 =	simm.s32 @!p0 $0x0  }
.Ltmp7:
0x1c0: {  	s8 =	ssub.s32 s8, s21;
	(pc) =	sbr.rel .LBB2_8-.Ltmp7, $4  }
0x1c1: {  	s8 =	sshll.u32 s8, $0x7  }
0x1c2: {  	s8 =	sand.u32 $0x1FFFFF80, s8  }
0x1c3: {  	s8 =	sadd.s32 s1, s8  }
0x1c4: {  	[tilespmem:s2], [sflag:$0x3] =	stream.strided.gather [hbm4b:s8+s20], $0x1000, s19, s20, $0x38;
	[tilespmem:$0x14200] =	vst v63  }
.LBB2_10:
0x1c5: {  	_ =	sfence.sel $0x180000  }
0x1c6: {  	[bflag:$0x0] =	sbarrier.arrive $0xFFFF  }
0x1c7: {  	_ =	strace $0x90000047  }
0x1c8: {  	s0 =	stileid.u32;
	[bflag:$0x2] =	sbarrier.arrive $0xFFFF  }
0x1c9: {  	p0 =	sne.s32 s0, $0x0;
	s0 =	rddreg [dreg:$0x4]  }
0x1ca: {  	s0 =	sadd.s32 @!p0 $0x100000, s0  }
0x1cb: {  	[sflag:s0] =	ssyncadd.tile.s32 @!p0 $0x1;
	_ =	shalt  }
.Lfunc_end2:
_tile_overlayer_lowered:
.L_overlay_start_2:
0x1cc: {  	(tag) =	ssettag $0x2  }
0x1cd: {  	s0 =	rddreg [dreg:$0x0];
	s2 =	stileid.u32  }
0x1ce: {  	s1 =	rddreg [dreg:$0x1];
	p0 =	sne.s32 s2, $0x0  }
0x1cf: {  	s3 =	rddreg [dreg:$0x2];
	[bflag:$0x3] =	sbarrier.arrive $0xFFFF;
	s2 =	simm.s32 @!p0 $0x1C05  }
0x1d0: {  	[timem:s3], [sflag:s2] =	dma.local @!p0 [hbm:s0], s1  }
0x1d1: {  	s0 =	simm.s32 @!p0 $0x5  }
0x1d2: {  	_ =	swait.ge @!p0 [sflag:s0], s1  }
0x1d3: {  	s1 =	ssub.s32 @!p0 $0x0, s1;
	[sflag:s0] =	ssyncset.done @!p0 $0x0  }
0x1d4: {  	[sflag:s0] =	ssyncadd.s32 @!p0 s1  }
0x1d5: {  	[bflag:$0x3] =	sbarrier.arrive $0xFFFF  }
0x1d6: {  	_ =	shalt  }

</sc_bundles>
